<compile_context>
chip_gen: v7x
topology: tpu7x:2x2x1
jax: 0.10.2.dev20260603
libtpu: 0.0.44.dev20260713+nightly
codegen_flags: <defaults>
</compile_context>

<pallas_src>
import functools

import jax
import jax.numpy as jnp
from jax import lax
from jax.experimental import pallas as pl
from jax.experimental.pallas import tpu as pltpu
from jax.experimental.pallas import tpu_sc as plsc

N_NODES = 10000
N_EDGES = 320000
DIM = 128

NC = 2
NS = 16
NW = NC * NS
NPAD = 10240
RPT = NPAD // NS
C = 128
E_TILE = N_EDGES // NW
CHUNKS = E_TILE // C
TAIL = E_TILE - CHUNKS * C

_MM_BLOCK = 400



def _xws_body(x_ref, w_ref, p0_ref, p1_ref, xws_ref, dis_ref):
    deg = p0_ref[0] + p1_ref[0] + 1.0
    dis = lax.rsqrt(deg)
    xw = jnp.dot(x_ref[...], w_ref[...], preferred_element_type=jnp.float32)
    dis_ref[...] = dis
    xws_ref[...] = dis * xw


def _final_body(p0_ref, p1_ref, xws_ref, dis_ref, b_ref, o_ref):
    acc = dis_ref[...] * (p0_ref[0] + p1_ref[0] + xws_ref[...]) + b_ref[...]
    o_ref[...] = jnp.maximum(acc, 0.0)



def _deg_body(dst_hbm, degp_hbm, hist_sh,
              dst_b0, dst_b1, dst_b2, ones_v, ones16_v, slice_v, dstt_v,
              sem_i0, sem_i1, sem_i2, sem_s0, sem_s1, sem_s2):
    cid = lax.axis_index("c")
    sid = lax.axis_index("s")
    z16 = jnp.zeros((16,), jnp.float32)
    o16 = jnp.ones((16,), jnp.float32)
    row0 = sid * RPT
    dst_bufs = [dst_b0, dst_b1, dst_b2]
    sem_idx = [sem_i0, sem_i1, sem_i2]
    sem_scat = [sem_s0, sem_s1, sem_s2]

    for j in range(C // 16):
        ones_v[pl.ds(j * 16, 16)] = o16
    ones16_v[...] = o16
    for j in range(RPT // 16):
        slice_v[pl.ds(j * 16, 16)] = z16
    pltpu.sync_copy(slice_v, hist_sh.at[pl.ds(row0, RPT)])
    plsc.subcore_barrier()

    base = (cid * NS + sid) * E_TILE

    def stage(ci, bn):
        pltpu.async_copy(dst_hbm.at[pl.ds(base + ci * C, C)],
                         dst_bufs[bn], sem_idx[bn])

    def body(ci, b, bn, wait_scat, do_stage):
        if wait_scat:
            pltpu.make_async_copy(dst_hbm.at[pl.ds(0, C)], dst_bufs[bn],
                                  sem_scat[bn]).wait()
        if do_stage is True:
            stage(ci + 1, bn)
        elif do_stage is not False:
            @pl.when(do_stage)
            def _():
                stage(ci + 1, bn)
        pltpu.make_async_copy(dst_hbm.at[pl.ds(0, C)], dst_bufs[b],
                              sem_idx[b]).wait()
        pltpu.async_copy(ones_v, hist_sh.at[dst_bufs[b]], sem_scat[b],
                         add=True)

    stage(0, 0)
    body(0, 0, 1, wait_scat=False, do_stage=True)
    body(1, 1, 2, wait_scat=False, do_stage=True)
    body(2, 2, 0, wait_scat=True, do_stage=True)

    @pl.loop(1, CHUNKS // 3)
    def _deg(si):
        ci0 = si * 3
        for k in range(3):
            ci = ci0 + k
            body(ci, k, (k + 1) % 3, wait_scat=True,
                 do_stage=ci + 1 < CHUNKS)

    for b in (1, 2):
        pltpu.make_async_copy(dst_hbm.at[pl.ds(0, C)], dst_bufs[b],
                              sem_scat[b]).wait()
    pltpu.sync_copy(dst_hbm.at[pl.ds(base + CHUNKS * C, TAIL)], dstt_v)
    pltpu.sync_copy(ones16_v, hist_sh.at[dstt_v], add=True)
    plsc.subcore_barrier()
    pltpu.sync_copy(hist_sh.at[pl.ds(row0, RPT)],
                    degp_hbm.at[cid, pl.ds(row0, RPT)])


_deg_kernel = functools.partial(
    pl.kernel,
    out_type=jax.ShapeDtypeStruct((NC, NPAD), jnp.float32),
    mesh=plsc.VectorSubcoreMesh(core_axis_name="c", subcore_axis_name="s",
                                num_cores=NC, num_subcores=NS),
    compiler_params=pltpu.CompilerParams(needs_layout_passes=False),
    scratch_types=[
        pltpu.VMEM_SHARED((NPAD,), jnp.float32),
        pltpu.VMEM((C,), jnp.int32),
        pltpu.VMEM((C,), jnp.int32),
        pltpu.VMEM((C,), jnp.int32),
        pltpu.VMEM((C,), jnp.float32),
        pltpu.VMEM((TAIL,), jnp.float32),
        pltpu.VMEM((RPT,), jnp.float32),
        pltpu.VMEM((TAIL,), jnp.int32),
        pltpu.SemaphoreType.DMA,
        pltpu.SemaphoreType.DMA,
        pltpu.SemaphoreType.DMA,
        pltpu.SemaphoreType.DMA,
        pltpu.SemaphoreType.DMA,
        pltpu.SemaphoreType.DMA,
    ],
)(_deg_body)



def _msg_body(src_hbm, dst_hbm, xws_hbm, part_hbm, acc_sh,
              src_b0, src_b1, src_b2, dst_b0, dst_b1, dst_b2,
              rows_b0, rows_b1, srct_v, dstt_v,
              sem_i0, sem_i1, sem_i2, sem_r0, sem_r1,
              sem_s0, sem_s1, sem_x):
    cid = lax.axis_index("c")
    sid = lax.axis_index("s")
    z16 = jnp.zeros((16,), jnp.float32)
    row0 = sid * RPT
    src_bufs = [src_b0, src_b1, src_b2]
    dst_bufs = [dst_b0, dst_b1, dst_b2]
    rows_bufs = [rows_b0, rows_b1]
    sem_idx = [sem_i0, sem_i1, sem_i2]
    sem_rows = [sem_r0, sem_r1]
    sem_scat = [sem_s0, sem_s1]

    @pl.loop(0, C)
    def _zero_rows(i):
        for j in range(DIM // 16):
            rows_b0[i, pl.ds(j * 16, 16)] = z16

    for k in range(RPT // C):
        pltpu.sync_copy(rows_b0, acc_sh.at[pl.ds(row0 + k * C, C)])
    plsc.subcore_barrier()

    base = (cid * NS + sid) * E_TILE

    def stage(ci, bn):
        pltpu.async_copy(src_hbm.at[pl.ds(base + ci * C, C)],
                         src_bufs[bn], sem_idx[bn])
        pltpu.async_copy(dst_hbm.at[pl.ds(base + ci * C, C)],
                         dst_bufs[bn], sem_idx[bn])

    def body(ci, b3, b2, wait_scat, do_stage):
        bn = (b3 + 1) % 3
        if wait_scat:
            pltpu.make_async_copy(xws_hbm.at[pl.ds(0, C)], rows_bufs[b2],
                                  sem_scat[b2]).wait()
        if do_stage is True:
            stage(ci + 1, bn)
        elif do_stage is not False:
            @pl.when(do_stage)
            def _():
                stage(ci + 1, bn)
        pltpu.make_async_copy(src_hbm.at[pl.ds(0, C)], src_bufs[b3],
                              sem_idx[b3]).wait()
        pltpu.make_async_copy(dst_hbm.at[pl.ds(0, C)], dst_bufs[b3],
                              sem_idx[b3]).wait()
        pltpu.async_copy(xws_hbm.at[src_bufs[b3]], rows_bufs[b2],
                         sem_rows[b2]).wait()
        pltpu.async_copy(rows_bufs[b2], acc_sh.at[dst_bufs[b3]],
                         sem_scat[b2], add=True)

    stage(0, 0)
    for ci in range(6):
        body(ci, ci % 3, ci % 2, wait_scat=ci >= 2, do_stage=True)

    @pl.loop(1, CHUNKS // 6)
    def _msg(si):
        ci0 = si * 6
        for k in range(6):
            ci = ci0 + k
            body(ci, k % 3, k % 2, wait_scat=True,
                 do_stage=ci + 1 < CHUNKS)

    pltpu.make_async_copy(xws_hbm.at[pl.ds(0, C)], rows_b0, sem_s0).wait()
    pltpu.make_async_copy(xws_hbm.at[pl.ds(0, C)], rows_b1, sem_s1).wait()

    tb = base + CHUNKS * C
    rowst = rows_b0.at[pl.ds(0, TAIL)]
    pltpu.sync_copy(src_hbm.at[pl.ds(tb, TAIL)], srct_v)
    pltpu.sync_copy(dst_hbm.at[pl.ds(tb, TAIL)], dstt_v)
    pltpu.async_copy(xws_hbm.at[srct_v], rowst, sem_x).wait()
    pltpu.sync_copy(rowst, acc_sh.at[dstt_v], add=True)
    plsc.subcore_barrier()

    pltpu.sync_copy(acc_sh.at[pl.ds(row0, RPT)],
                    part_hbm.at[cid, pl.ds(row0, RPT)])


_msg_kernel = functools.partial(
    pl.kernel,
    out_type=jax.ShapeDtypeStruct((NC, NPAD, DIM), jnp.float32),
    mesh=plsc.VectorSubcoreMesh(core_axis_name="c", subcore_axis_name="s",
                                num_cores=NC, num_subcores=NS),
    compiler_params=pltpu.CompilerParams(needs_layout_passes=False),
    scratch_types=[
        pltpu.VMEM_SHARED((NPAD, DIM), jnp.float32),
        pltpu.VMEM((C,), jnp.int32),
        pltpu.VMEM((C,), jnp.int32),
        pltpu.VMEM((C,), jnp.int32),
        pltpu.VMEM((C,), jnp.int32),
        pltpu.VMEM((C,), jnp.int32),
        pltpu.VMEM((C,), jnp.int32),
        pltpu.VMEM((C, DIM), jnp.float32),
        pltpu.VMEM((C, DIM), jnp.float32),
        pltpu.VMEM((TAIL,), jnp.int32),
        pltpu.VMEM((TAIL,), jnp.int32),
        pltpu.SemaphoreType.DMA,
        pltpu.SemaphoreType.DMA,
        pltpu.SemaphoreType.DMA,
        pltpu.SemaphoreType.DMA,
        pltpu.SemaphoreType.DMA,
        pltpu.SemaphoreType.DMA,
        pltpu.SemaphoreType.DMA,
        pltpu.SemaphoreType.DMA,
    ],
)(_msg_body)


def kernel(x, edge_index, W, b):
    ei = edge_index.astype(jnp.int32)
    src = ei[0]
    dst = ei[1]

    degp = _deg_kernel(dst)
    degp3 = degp[:, :N_NODES].reshape(NC, N_NODES, 1)

    xws, dis2d = pl.pallas_call(
        _xws_body,
        grid=(N_NODES // _MM_BLOCK,),
        in_specs=[
            pl.BlockSpec((_MM_BLOCK, DIM), lambda i: (i, 0)),
            pl.BlockSpec((DIM, DIM), lambda i: (0, 0)),
            pl.BlockSpec((1, _MM_BLOCK, 1), lambda i: (0, i, 0)),
            pl.BlockSpec((1, _MM_BLOCK, 1), lambda i: (1, i, 0)),
        ],
        out_specs=[
            pl.BlockSpec((_MM_BLOCK, DIM), lambda i: (i, 0)),
            pl.BlockSpec((_MM_BLOCK, 1), lambda i: (i, 0)),
        ],
        out_shape=[
            jax.ShapeDtypeStruct((N_NODES, DIM), jnp.float32),
            jax.ShapeDtypeStruct((N_NODES, 1), jnp.float32),
        ],
    )(x, W, degp3, degp3)

    part = _msg_kernel(src, dst, xws)

    b2d = b.reshape(1, DIM)
    out = pl.pallas_call(
        _final_body,
        grid=(N_NODES // _MM_BLOCK,),
        in_specs=[
            pl.BlockSpec((1, _MM_BLOCK, DIM), lambda i: (0, i, 0)),
            pl.BlockSpec((1, _MM_BLOCK, DIM), lambda i: (1, i, 0)),
            pl.BlockSpec((_MM_BLOCK, DIM), lambda i: (i, 0)),
            pl.BlockSpec((_MM_BLOCK, 1), lambda i: (i, 0)),
            pl.BlockSpec((1, DIM), lambda i: (0, 0)),
        ],
        out_specs=pl.BlockSpec((_MM_BLOCK, DIM), lambda i: (i, 0)),
        out_shape=jax.ShapeDtypeStruct((N_NODES, DIM), jnp.float32),
    )(part, part, xws, dis2d, b2d)
    return out

# --- scband reference (transcript-rebuilt; emitter-appended) ---
"""Pipeline reference for scband-gnnencoder-7945689497634 (READ-ONLY COPY).

The authoritative reference and input builder live on the scoring server;
editing this copy changes nothing except your own understanding.
"""

import jax, jax.numpy as jnp
import numpy as np

N_NODES = 10000
N_EDGES = 320000
IN_DIM = 128
OUT_DIM = 128


def setup_inputs(seed: int = 0) -> dict:
    key = jax.random.key(seed)
    k1, k2, k3, k4 = jax.random.split(key, 4)
    x = jax.random.normal(k1, (N_NODES, IN_DIM), dtype=jnp.float32)
    edge_index = jax.random.randint(k2, (2, N_EDGES), 0, N_NODES, dtype=jnp.int64)
    # GCNConv learned parameters (glorot init for weight, zeros for bias)
    limit = float(np.sqrt(6.0 / (IN_DIM + OUT_DIM)))
    W = jax.random.uniform(k3, (IN_DIM, OUT_DIM), dtype=jnp.float32, minval=-limit, maxval=limit)
    b = jnp.zeros((OUT_DIM,), dtype=jnp.float32)
    return {"x": x, "edge_index": edge_index, "W": W, "b": b}


def _gcn_conv(x, edge_index, W, b):
    N = x.shape[0]
    src = edge_index[0]
    dst = edge_index[1]
    # add self loops
    loop = jnp.arange(N, dtype=src.dtype)
    src = jnp.concatenate([src, loop])
    dst = jnp.concatenate([dst, loop])
    # linear transform
    xw = x @ W
    # symmetric normalization: deg computed on destination (in-degree incl. self loops)
    ones = jnp.ones(src.shape[0], dtype=x.dtype)
    deg = jax.ops.segment_sum(ones, dst, num_segments=N)
    deg_inv_sqrt = jnp.where(deg > 0, jax.lax.rsqrt(jnp.maximum(deg, 1e-12)), 0.0)
    norm = deg_inv_sqrt[src] * deg_inv_sqrt[dst]
    # gather messages from source nodes, scale, scatter-add to destination
    msg = jnp.take(xw, src, axis=0) * norm[:, None]
    out = jax.ops.segment_sum(msg, dst, num_segments=N)
    out = out + b
    return out


def reference(x, edge_index, W, b):
    # GNNEncoder.forward: x1 = relu(conv1(x, edge_index)); return x1
    x1 = jax.nn.relu(_gcn_conv(x, edge_index, W, b))
    return x1

if __name__ == "__main__":
    import jax
    _d = setup_inputs()
    print(jax.jit(kernel)(*tuple(_d.values())))

</pallas_src>

<mosaic_0001>
#map = affine_map<(d0, d1) -> (0)>
#map1 = affine_map<(d0, d1) -> (0, 0)>
module attributes {stable_mosaic.version = 14 : i64} {
  func.func @_deg_body(%arg0: i32, %arg1: i32, %arg2: memref<320000xi32, #tpu.memory_space<hbm>>, %arg3: memref<2x10240xf32, #tpu.memory_space<hbm>>, %arg4: memref<10240xf32, #tpu.memory_space<vmem_shared>>, %arg5: memref<128xi32, #tpu.memory_space<vmem>>, %arg6: memref<128xi32, #tpu.memory_space<vmem>>, %arg7: memref<128xi32, #tpu.memory_space<vmem>>, %arg8: memref<128xf32, #tpu.memory_space<vmem>>, %arg9: memref<16xf32, #tpu.memory_space<vmem>>, %arg10: memref<640xf32, #tpu.memory_space<vmem>>, %arg11: memref<16xi32, #tpu.memory_space<vmem>>, %arg12: memref<!tpu.dma_semaphore, #tpu.memory_space<semaphore_mem>>, %arg13: memref<!tpu.dma_semaphore, #tpu.memory_space<semaphore_mem>>, %arg14: memref<!tpu.dma_semaphore, #tpu.memory_space<semaphore_mem>>, %arg15: memref<!tpu.dma_semaphore, #tpu.memory_space<semaphore_mem>>, %arg16: memref<!tpu.dma_semaphore, #tpu.memory_space<semaphore_mem>>, %arg17: memref<!tpu.dma_semaphore, #tpu.memory_space<semaphore_mem>>) attributes {dimension_semantics = [#tpu.dimension_semantics<core_parallel>, #tpu.dimension_semantics<subcore_parallel>], iteration_bounds = array<i64: 2, 16>, scalar_prefetch = 0 : i64, scratch_operands = 14 : i64, tpu.core_type = #tpu.core_type<sc_vector_subcore>, window_params = [{transform_indices = #map}, {transform_indices = #map1}]} {
    %broadcast_in_dim3A = arith.constant 0.000000e+00 : f32
    %broadcast_in_dim3A_0 = vector.broadcast %broadcast_in_dim3A : f32 to vector<16xf32>
    %broadcast_in_dim3A_1 = arith.constant 1.000000e+00 : f32
    %broadcast_in_dim3A_2 = vector.broadcast %broadcast_in_dim3A_1 : f32 to vector<16xf32>
    %mul3A = arith.constant 640 : i32
    %mul3A_3 = arith.muli %arg1, %mul3A : i32
    %swap3A = arith.constant 0 : index
    %swap3A_4 = tpu.vector_load %arg8[%swap3A] {strides = array<i32>} : memref<128xf32, #tpu.memory_space<vmem>>, vector<16xf32>,
    tpu.vector_store %arg8[%swap3A], %broadcast_in_dim3A_2 {strides = array<i32>} : memref<128xf32, #tpu.memory_space<vmem>>, vector<16xf32>,
    %swap3A_5 = arith.constant 16 : index
    %swap3A_6 = tpu.vector_load %arg8[%swap3A_5] {strides = array<i32>} : memref<128xf32, #tpu.memory_space<vmem>>, vector<16xf32>,
    tpu.vector_store %arg8[%swap3A_5], %broadcast_in_dim3A_2 {strides = array<i32>} : memref<128xf32, #tpu.memory_space<vmem>>, vector<16xf32>,
    %swap3A_7 = arith.constant 32 : index
    %swap3A_8 = tpu.vector_load %arg8[%swap3A_7] {strides = array<i32>} : memref<128xf32, #tpu.memory_space<vmem>>, vector<16xf32>,
    tpu.vector_store %arg8[%swap3A_7], %broadcast_in_dim3A_2 {strides = array<i32>} : memref<128xf32, #tpu.memory_space<vmem>>, vector<16xf32>,
    %swap3A_9 = arith.constant 48 : index
    %swap3A_10 = tpu.vector_load %arg8[%swap3A_9] {strides = array<i32>} : memref<128xf32, #tpu.memory_space<vmem>>, vector<16xf32>,
    tpu.vector_store %arg8[%swap3A_9], %broadcast_in_dim3A_2 {strides = array<i32>} : memref<128xf32, #tpu.memory_space<vmem>>, vector<16xf32>,
    %swap3A_11 = arith.constant 64 : index
    %swap3A_12 = tpu.vector_load %arg8[%swap3A_11] {strides = array<i32>} : memref<128xf32, #tpu.memory_space<vmem>>, vector<16xf32>,
    tpu.vector_store %arg8[%swap3A_11], %broadcast_in_dim3A_2 {strides = array<i32>} : memref<128xf32, #tpu.memory_space<vmem>>, vector<16xf32>,
    %swap3A_13 = arith.constant 80 : index
    %swap3A_14 = tpu.vector_load %arg8[%swap3A_13] {strides = array<i32>} : memref<128xf32, #tpu.memory_space<vmem>>, vector<16xf32>,
    tpu.vector_store %arg8[%swap3A_13], %broadcast_in_dim3A_2 {strides = array<i32>} : memref<128xf32, #tpu.memory_space<vmem>>, vector<16xf32>,
    %swap3A_15 = arith.constant 96 : index
    %swap3A_16 = tpu.vector_load %arg8[%swap3A_15] {strides = array<i32>} : memref<128xf32, #tpu.memory_space<vmem>>, vector<16xf32>,
    tpu.vector_store %arg8[%swap3A_15], %broadcast_in_dim3A_2 {strides = array<i32>} : memref<128xf32, #tpu.memory_space<vmem>>, vector<16xf32>,
    %swap3A_17 = arith.constant 112 : index
    %swap3A_18 = tpu.vector_load %arg8[%swap3A_17] {strides = array<i32>} : memref<128xf32, #tpu.memory_space<vmem>>, vector<16xf32>,
    tpu.vector_store %arg8[%swap3A_17], %broadcast_in_dim3A_2 {strides = array<i32>} : memref<128xf32, #tpu.memory_space<vmem>>, vector<16xf32>,
    %swap3A_19 = arith.constant 0 : index
    %swap3A_20 = tpu.vector_load %arg9[%swap3A_19] {strides = array<i32>} : memref<16xf32, #tpu.memory_space<vmem>>, vector<16xf32>,
    tpu.vector_store %arg9[%swap3A_19], %broadcast_in_dim3A_2 {strides = array<i32>} : memref<16xf32, #tpu.memory_space<vmem>>, vector<16xf32>,
    %swap3A_21 = arith.constant 0 : index
    %swap3A_22 = tpu.vector_load %arg10[%swap3A_21] {strides = array<i32>} : memref<640xf32, #tpu.memory_space<vmem>>, vector<16xf32>,
    tpu.vector_store %arg10[%swap3A_21], %broadcast_in_dim3A_0 {strides = array<i32>} : memref<640xf32, #tpu.memory_space<vmem>>, vector<16xf32>,
    %swap3A_23 = arith.constant 16 : index
    %swap3A_24 = tpu.vector_load %arg10[%swap3A_23] {strides = array<i32>} : memref<640xf32, #tpu.memory_space<vmem>>, vector<16xf32>,
    tpu.vector_store %arg10[%swap3A_23], %broadcast_in_dim3A_0 {strides = array<i32>} : memref<640xf32, #tpu.memory_space<vmem>>, vector<16xf32>,
    %swap3A_25 = arith.constant 32 : index
    %swap3A_26 = tpu.vector_load %arg10[%swap3A_25] {strides = array<i32>} : memref<640xf32, #tpu.memory_space<vmem>>, vector<16xf32>,
    tpu.vector_store %arg10[%swap3A_25], %broadcast_in_dim3A_0 {strides = array<i32>} : memref<640xf32, #tpu.memory_space<vmem>>, vector<16xf32>,
    %swap3A_27 = arith.constant 48 : index
    %swap3A_28 = tpu.vector_load %arg10[%swap3A_27] {strides = array<i32>} : memref<640xf32, #tpu.memory_space<vmem>>, vector<16xf32>,
    tpu.vector_store %arg10[%swap3A_27], %broadcast_in_dim3A_0 {strides = array<i32>} : memref<640xf32, #tpu.memory_space<vmem>>, vector<16xf32>,
    %swap3A_29 = arith.constant 64 : index
    %swap3A_30 = tpu.vector_load %arg10[%swap3A_29] {strides = array<i32>} : memref<640xf32, #tpu.memory_space<vmem>>, vector<16xf32>,
    tpu.vector_store %arg10[%swap3A_29], %broadcast_in_dim3A_0 {strides = array<i32>} : memref<640xf32, #tpu.memory_space<vmem>>, vector<16xf32>,
    %swap3A_31 = arith.constant 80 : index
    %swap3A_32 = tpu.vector_load %arg10[%swap3A_31] {strides = array<i32>} : memref<640xf32, #tpu.memory_space<vmem>>, vector<16xf32>,
    tpu.vector_store %arg10[%swap3A_31], %broadcast_in_dim3A_0 {strides = array<i32>} : memref<640xf32, #tpu.memory_space<vmem>>, vector<16xf32>,
    %swap3A_33 = arith.constant 96 : index
    %swap3A_34 = tpu.vector_load %arg10[%swap3A_33] {strides = array<i32>} : memref<640xf32, #tpu.memory_space<vmem>>, vector<16xf32>,
    tpu.vector_store %arg10[%swap3A_33], %broadcast_in_dim3A_0 {strides = array<i32>} : memref<640xf32, #tpu.memory_space<vmem>>, vector<16xf32>,
    %swap3A_35 = arith.constant 112 : index
    %swap3A_36 = tpu.vector_load %arg10[%swap3A_35] {strides = array<i32>} : memref<640xf32, #tpu.memory_space<vmem>>, vector<16xf32>,
    tpu.vector_store %arg10[%swap3A_35], %broadcast_in_dim3A_0 {strides = array<i32>} : memref<640xf32, #tpu.memory_space<vmem>>, vector<16xf32>,
    %swap3A_37 = arith.constant 128 : index
    %swap3A_38 = tpu.vector_load %arg10[%swap3A_37] {strides = array<i32>} : memref<640xf32, #tpu.memory_space<vmem>>, vector<16xf32>,
    tpu.vector_store %arg10[%swap3A_37], %broadcast_in_dim3A_0 {strides = array<i32>} : memref<640xf32, #tpu.memory_space<vmem>>, vector<16xf32>,
    %swap3A_39 = arith.constant 144 : index
    %swap3A_40 = tpu.vector_load %arg10[%swap3A_39] {strides = array<i32>} : memref<640xf32, #tpu.memory_space<vmem>>, vector<16xf32>,
    tpu.vector_store %arg10[%swap3A_39], %broadcast_in_dim3A_0 {strides = array<i32>} : memref<640xf32, #tpu.memory_space<vmem>>, vector<16xf32>,
    %swap3A_41 = arith.constant 160 : index
    %swap3A_42 = tpu.vector_load %arg10[%swap3A_41] {strides = array<i32>} : memref<640xf32, #tpu.memory_space<vmem>>, vector<16xf32>,
    tpu.vector_store %arg10[%swap3A_41], %broadcast_in_dim3A_0 {strides = array<i32>} : memref<640xf32, #tpu.memory_space<vmem>>, vector<16xf32>,
    %swap3A_43 = arith.constant 176 : index
    %swap3A_44 = tpu.vector_load %arg10[%swap3A_43] {strides = array<i32>} : memref<640xf32, #tpu.memory_space<vmem>>, vector<16xf32>,
    tpu.vector_store %arg10[%swap3A_43], %broadcast_in_dim3A_0 {strides = array<i32>} : memref<640xf32, #tpu.memory_space<vmem>>, vector<16xf32>,
    %swap3A_45 = arith.constant 192 : index
    %swap3A_46 = tpu.vector_load %arg10[%swap3A_45] {strides = array<i32>} : memref<640xf32, #tpu.memory_space<vmem>>, vector<16xf32>,
    tpu.vector_store %arg10[%swap3A_45], %broadcast_in_dim3A_0 {strides = array<i32>} : memref<640xf32, #tpu.memory_space<vmem>>, vector<16xf32>,
    %swap3A_47 = arith.constant 208 : index
    %swap3A_48 = tpu.vector_load %arg10[%swap3A_47] {strides = array<i32>} : memref<640xf32, #tpu.memory_space<vmem>>, vector<16xf32>,
    tpu.vector_store %arg10[%swap3A_47], %broadcast_in_dim3A_0 {strides = array<i32>} : memref<640xf32, #tpu.memory_space<vmem>>, vector<16xf32>,
    %swap3A_49 = arith.constant 224 : index
    %swap3A_50 = tpu.vector_load %arg10[%swap3A_49] {strides = array<i32>} : memref<640xf32, #tpu.memory_space<vmem>>, vector<16xf32>,
    tpu.vector_store %arg10[%swap3A_49], %broadcast_in_dim3A_0 {strides = array<i32>} : memref<640xf32, #tpu.memory_space<vmem>>, vector<16xf32>,
    %swap3A_51 = arith.constant 240 : index
    %swap3A_52 = tpu.vector_load %arg10[%swap3A_51] {strides = array<i32>} : memref<640xf32, #tpu.memory_space<vmem>>, vector<16xf32>,
    tpu.vector_store %arg10[%swap3A_51], %broadcast_in_dim3A_0 {strides = array<i32>} : memref<640xf32, #tpu.memory_space<vmem>>, vector<16xf32>,
    %swap3A_53 = arith.constant 256 : index
    %swap3A_54 = tpu.vector_load %arg10[%swap3A_53] {strides = array<i32>} : memref<640xf32, #tpu.memory_space<vmem>>, vector<16xf32>,
    tpu.vector_store %arg10[%swap3A_53], %broadcast_in_dim3A_0 {strides = array<i32>} : memref<640xf32, #tpu.memory_space<vmem>>, vector<16xf32>,
    %swap3A_55 = arith.constant 272 : index
    %swap3A_56 = tpu.vector_load %arg10[%swap3A_55] {strides = array<i32>} : memref<640xf32, #tpu.memory_space<vmem>>, vector<16xf32>,
    tpu.vector_store %arg10[%swap3A_55], %broadcast_in_dim3A_0 {strides = array<i32>} : memref<640xf32, #tpu.memory_space<vmem>>, vector<16xf32>,
    %swap3A_57 = arith.constant 288 : index
    %swap3A_58 = tpu.vector_load %arg10[%swap3A_57] {strides = array<i32>} : memref<640xf32, #tpu.memory_space<vmem>>, vector<16xf32>,
    tpu.vector_store %arg10[%swap3A_57], %broadcast_in_dim3A_0 {strides = array<i32>} : memref<640xf32, #tpu.memory_space<vmem>>, vector<16xf32>,
    %swap3A_59 = arith.constant 304 : index
    %swap3A_60 = tpu.vector_load %arg10[%swap3A_59] {strides = array<i32>} : memref<640xf32, #tpu.memory_space<vmem>>, vector<16xf32>,
    tpu.vector_store %arg10[%swap3A_59], %broadcast_in_dim3A_0 {strides = array<i32>} : memref<640xf32, #tpu.memory_space<vmem>>, vector<16xf32>,
    %swap3A_61 = arith.constant 320 : index
    %swap3A_62 = tpu.vector_load %arg10[%swap3A_61] {strides = array<i32>} : memref<640xf32, #tpu.memory_space<vmem>>, vector<16xf32>,
    tpu.vector_store %arg10[%swap3A_61], %broadcast_in_dim3A_0 {strides = array<i32>} : memref<640xf32, #tpu.memory_space<vmem>>, vector<16xf32>,
    %swap3A_63 = arith.constant 336 : index
    %swap3A_64 = tpu.vector_load %arg10[%swap3A_63] {strides = array<i32>} : memref<640xf32, #tpu.memory_space<vmem>>, vector<16xf32>,
    tpu.vector_store %arg10[%swap3A_63], %broadcast_in_dim3A_0 {strides = array<i32>} : memref<640xf32, #tpu.memory_space<vmem>>, vector<16xf32>,
    %swap3A_65 = arith.constant 352 : index
    %swap3A_66 = tpu.vector_load %arg10[%swap3A_65] {strides = array<i32>} : memref<640xf32, #tpu.memory_space<vmem>>, vector<16xf32>,
    tpu.vector_store %arg10[%swap3A_65], %broadcast_in_dim3A_0 {strides = array<i32>} : memref<640xf32, #tpu.memory_space<vmem>>, vector<16xf32>,
    %swap3A_67 = arith.constant 368 : index
    %swap3A_68 = tpu.vector_load %arg10[%swap3A_67] {strides = array<i32>} : memref<640xf32, #tpu.memory_space<vmem>>, vector<16xf32>,
    tpu.vector_store %arg10[%swap3A_67], %broadcast_in_dim3A_0 {strides = array<i32>} : memref<640xf32, #tpu.memory_space<vmem>>, vector<16xf32>,
    %swap3A_69 = arith.constant 384 : index
    %swap3A_70 = tpu.vector_load %arg10[%swap3A_69] {strides = array<i32>} : memref<640xf32, #tpu.memory_space<vmem>>, vector<16xf32>,
    tpu.vector_store %arg10[%swap3A_69], %broadcast_in_dim3A_0 {strides = array<i32>} : memref<640xf32, #tpu.memory_space<vmem>>, vector<16xf32>,
    %swap3A_71 = arith.constant 400 : index
    %swap3A_72 = tpu.vector_load %arg10[%swap3A_71] {strides = array<i32>} : memref<640xf32, #tpu.memory_space<vmem>>, vector<16xf32>,
    tpu.vector_store %arg10[%swap3A_71], %broadcast_in_dim3A_0 {strides = array<i32>} : memref<640xf32, #tpu.memory_space<vmem>>, vector<16xf32>,
    %swap3A_73 = arith.constant 416 : index
    %swap3A_74 = tpu.vector_load %arg10[%swap3A_73] {strides = array<i32>} : memref<640xf32, #tpu.memory_space<vmem>>, vector<16xf32>,
    tpu.vector_store %arg10[%swap3A_73], %broadcast_in_dim3A_0 {strides = array<i32>} : memref<640xf32, #tpu.memory_space<vmem>>, vector<16xf32>,
    %swap3A_75 = arith.constant 432 : index
    %swap3A_76 = tpu.vector_load %arg10[%swap3A_75] {strides = array<i32>} : memref<640xf32, #tpu.memory_space<vmem>>, vector<16xf32>,
    tpu.vector_store %arg10[%swap3A_75], %broadcast_in_dim3A_0 {strides = array<i32>} : memref<640xf32, #tpu.memory_space<vmem>>, vector<16xf32>,
    %swap3A_77 = arith.constant 448 : index
    %swap3A_78 = tpu.vector_load %arg10[%swap3A_77] {strides = array<i32>} : memref<640xf32, #tpu.memory_space<vmem>>, vector<16xf32>,
    tpu.vector_store %arg10[%swap3A_77], %broadcast_in_dim3A_0 {strides = array<i32>} : memref<640xf32, #tpu.memory_space<vmem>>, vector<16xf32>,
    %swap3A_79 = arith.constant 464 : index
    %swap3A_80 = tpu.vector_load %arg10[%swap3A_79] {strides = array<i32>} : memref<640xf32, #tpu.memory_space<vmem>>, vector<16xf32>,
    tpu.vector_store %arg10[%swap3A_79], %broadcast_in_dim3A_0 {strides = array<i32>} : memref<640xf32, #tpu.memory_space<vmem>>, vector<16xf32>,
    %swap3A_81 = arith.constant 480 : index
    %swap3A_82 = tpu.vector_load %arg10[%swap3A_81] {strides = array<i32>} : memref<640xf32, #tpu.memory_space<vmem>>, vector<16xf32>,
    tpu.vector_store %arg10[%swap3A_81], %broadcast_in_dim3A_0 {strides = array<i32>} : memref<640xf32, #tpu.memory_space<vmem>>, vector<16xf32>,
    %swap3A_83 = arith.constant 496 : index
    %swap3A_84 = tpu.vector_load %arg10[%swap3A_83] {strides = array<i32>} : memref<640xf32, #tpu.memory_space<vmem>>, vector<16xf32>,
    tpu.vector_store %arg10[%swap3A_83], %broadcast_in_dim3A_0 {strides = array<i32>} : memref<640xf32, #tpu.memory_space<vmem>>, vector<16xf32>,
    %swap3A_85 = arith.constant 512 : index
    %swap3A_86 = tpu.vector_load %arg10[%swap3A_85] {strides = array<i32>} : memref<640xf32, #tpu.memory_space<vmem>>, vector<16xf32>,
    tpu.vector_store %arg10[%swap3A_85], %broadcast_in_dim3A_0 {strides = array<i32>} : memref<640xf32, #tpu.memory_space<vmem>>, vector<16xf32>,
    %swap3A_87 = arith.constant 528 : index
    %swap3A_88 = tpu.vector_load %arg10[%swap3A_87] {strides = array<i32>} : memref<640xf32, #tpu.memory_space<vmem>>, vector<16xf32>,
    tpu.vector_store %arg10[%swap3A_87], %broadcast_in_dim3A_0 {strides = array<i32>} : memref<640xf32, #tpu.memory_space<vmem>>, vector<16xf32>,
    %swap3A_89 = arith.constant 544 : index
    %swap3A_90 = tpu.vector_load %arg10[%swap3A_89] {strides = array<i32>} : memref<640xf32, #tpu.memory_space<vmem>>, vector<16xf32>,
    tpu.vector_store %arg10[%swap3A_89], %broadcast_in_dim3A_0 {strides = array<i32>} : memref<640xf32, #tpu.memory_space<vmem>>, vector<16xf32>,
    %swap3A_91 = arith.constant 560 : index
    %swap3A_92 = tpu.vector_load %arg10[%swap3A_91] {strides = array<i32>} : memref<640xf32, #tpu.memory_space<vmem>>, vector<16xf32>,
    tpu.vector_store %arg10[%swap3A_91], %broadcast_in_dim3A_0 {strides = array<i32>} : memref<640xf32, #tpu.memory_space<vmem>>, vector<16xf32>,
    %swap3A_93 = arith.constant 576 : index
    %swap3A_94 = tpu.vector_load %arg10[%swap3A_93] {strides = array<i32>} : memref<640xf32, #tpu.memory_space<vmem>>, vector<16xf32>,
    tpu.vector_store %arg10[%swap3A_93], %broadcast_in_dim3A_0 {strides = array<i32>} : memref<640xf32, #tpu.memory_space<vmem>>, vector<16xf32>,
    %swap3A_95 = arith.constant 592 : index
    %swap3A_96 = tpu.vector_load %arg10[%swap3A_95] {strides = array<i32>} : memref<640xf32, #tpu.memory_space<vmem>>, vector<16xf32>,
    tpu.vector_store %arg10[%swap3A_95], %broadcast_in_dim3A_0 {strides = array<i32>} : memref<640xf32, #tpu.memory_space<vmem>>, vector<16xf32>,
    %swap3A_97 = arith.constant 608 : index
    %swap3A_98 = tpu.vector_load %arg10[%swap3A_97] {strides = array<i32>} : memref<640xf32, #tpu.memory_space<vmem>>, vector<16xf32>,
    tpu.vector_store %arg10[%swap3A_97], %broadcast_in_dim3A_0 {strides = array<i32>} : memref<640xf32, #tpu.memory_space<vmem>>, vector<16xf32>,
    %swap3A_99 = arith.constant 624 : index
    %swap3A_100 = tpu.vector_load %arg10[%swap3A_99] {strides = array<i32>} : memref<640xf32, #tpu.memory_space<vmem>>, vector<16xf32>,
    tpu.vector_store %arg10[%swap3A_99], %broadcast_in_dim3A_0 {strides = array<i32>} : memref<640xf32, #tpu.memory_space<vmem>>, vector<16xf32>,
    "tpu.region"() ({
      %run_scoped3A = tpu.sem_alloc : memref<!tpu.dma_semaphore, #tpu.memory_space<semaphore_mem>>
      %dma_start3A_156 = tpu.memref_slice %arg4[%mul3A_3] : memref<10240xf32, #tpu.memory_space<vmem_shared>> -> memref<640xf32, #tpu.memory_space<vmem_shared>>
      %dma_start3A_157 = tpu.memref_slice %arg4[%mul3A_3] : memref<10240xf32, #tpu.memory_space<vmem_shared>> -> memref<640xf32, #tpu.memory_space<vmem_shared>>
      tpu.enqueue_dma source(%arg10 : memref<640xf32, #tpu.memory_space<vmem>>) target(%dma_start3A_157 : memref<640xf32, #tpu.memory_space<vmem_shared>>) target_semaphore(%run_scoped3A : memref<!tpu.dma_semaphore, #tpu.memory_space<semaphore_mem>>)
      %dma_wait3A_158 = tpu.memref_slice %arg4[%mul3A_3] : memref<10240xf32, #tpu.memory_space<vmem_shared>> -> memref<640xf32, #tpu.memory_space<vmem_shared>>
      %dma_wait3A_159 = tpu.memref_slice %arg4[%mul3A_3] : memref<10240xf32, #tpu.memory_space<vmem_shared>> -> memref<640xf32, #tpu.memory_space<vmem_shared>>
      tpu.wait_dma2 semaphore(%run_scoped3A : memref<!tpu.dma_semaphore, #tpu.memory_space<semaphore_mem>>) src(%arg10 : memref<640xf32, #tpu.memory_space<vmem>>) dst(%dma_wait3A_159 : memref<640xf32, #tpu.memory_space<vmem_shared>>)
      tpu.yield
    }) : () -> ()
    %barrier3A = arith.constant 0 : index
    tpu.barrier barrier_id(%barrier3A)
    %mul3A_101 = arith.constant 16 : i32
    %mul3A_102 = arith.muli %arg0, %mul3A_101 : i32
    %add3A = arith.addi %mul3A_102, %arg1 : i32
    %mul3A_103 = arith.constant 10000 : i32
    %mul3A_104 = arith.muli %add3A, %mul3A_103 : i32
    %add3A_105 = arith.constant 0 : i32
    %add3A_106 = arith.addi %mul3A_104, %add3A_105 : i32
    %dma_start3A = tpu.memref_slice %arg2[%add3A_106] : memref<320000xi32, #tpu.memory_space<hbm>> -> memref<128xi32, #tpu.memory_space<hbm>>
    %dma_start3A_107 = tpu.memref_slice %arg2[%add3A_106] : memref<320000xi32, #tpu.memory_space<hbm>> -> memref<128xi32, #tpu.memory_space<hbm>>
    tpu.enqueue_dma source(%dma_start3A_107 : memref<128xi32, #tpu.memory_space<hbm>>) target(%arg5 : memref<128xi32, #tpu.memory_space<vmem>>) target_semaphore(%arg12 : memref<!tpu.dma_semaphore, #tpu.memory_space<semaphore_mem>>)
    %add3A_108 = arith.constant 128 : i32
    %add3A_109 = arith.addi %mul3A_104, %add3A_108 : i32
    %dma_start3A_110 = tpu.memref_slice %arg2[%add3A_109] : memref<320000xi32, #tpu.memory_space<hbm>> -> memref<128xi32, #tpu.memory_space<hbm>>
    %dma_start3A_111 = tpu.memref_slice %arg2[%add3A_109] : memref<320000xi32, #tpu.memory_space<hbm>> -> memref<128xi32, #tpu.memory_space<hbm>>
    tpu.enqueue_dma source(%dma_start3A_111 : memref<128xi32, #tpu.memory_space<hbm>>) target(%arg6 : memref<128xi32, #tpu.memory_space<vmem>>) target_semaphore(%arg13 : memref<!tpu.dma_semaphore, #tpu.memory_space<semaphore_mem>>)
    %dma_wait3A = arith.constant 0 : i32
    %dma_wait3A_112 = tpu.memref_slice %arg2[%dma_wait3A] : memref<320000xi32, #tpu.memory_space<hbm>> -> memref<128xi32, #tpu.memory_space<hbm>>
    %dma_wait3A_113 = arith.constant 0 : i32
    %dma_wait3A_114 = tpu.memref_slice %arg2[%dma_wait3A_113] : memref<320000xi32, #tpu.memory_space<hbm>> -> memref<128xi32, #tpu.memory_space<hbm>>
    tpu.wait_dma2 semaphore(%arg12 : memref<!tpu.dma_semaphore, #tpu.memory_space<semaphore_mem>>) src(%dma_wait3A_114 : memref<128xi32, #tpu.memory_space<hbm>>) dst(%arg5 : memref<128xi32, #tpu.memory_space<vmem>>)
    %dma_start3A_115 = arith.constant 0 : i32
    %dma_start3A_116 = tpu.memref_slice %arg4[%dma_start3A_115] : memref<10240xf32, #tpu.memory_space<vmem_shared>> -> memref<10240xf32, #tpu.memory_space<vmem_shared>>
    tpu.enqueue_indirect_dma source(%arg8 : memref<128xf32, #tpu.memory_space<vmem>>) target(%dma_start3A_116 : memref<10240xf32, #tpu.memory_space<vmem_shared>>) offsets(%arg5 : memref<128xi32, #tpu.memory_space<vmem>>) semaphore(%arg15 : memref<!tpu.dma_semaphore, #tpu.memory_space<semaphore_mem>>) {add = true}
    %add3A_117 = arith.constant 256 : i32
    %add3A_118 = arith.addi %mul3A_104, %add3A_117 : i32
    %dma_start3A_119 = tpu.memref_slice %arg2[%add3A_118] : memref<320000xi32, #tpu.memory_space<hbm>> -> memref<128xi32, #tpu.memory_space<hbm>>
    %dma_start3A_120 = tpu.memref_slice %arg2[%add3A_118] : memref<320000xi32, #tpu.memory_space<hbm>> -> memref<128xi32, #tpu.memory_space<hbm>>
    tpu.enqueue_dma source(%dma_start3A_120 : memref<128xi32, #tpu.memory_space<hbm>>) target(%arg7 : memref<128xi32, #tpu.memory_space<vmem>>) target_semaphore(%arg14 : memref<!tpu.dma_semaphore, #tpu.memory_space<semaphore_mem>>)
    %dma_wait3A_121 = arith.constant 0 : i32
    %dma_wait3A_122 = tpu.memref_slice %arg2[%dma_wait3A_121] : memref<320000xi32, #tpu.memory_space<hbm>> -> memref<128xi32, #tpu.memory_space<hbm>>
    %dma_wait3A_123 = arith.constant 0 : i32
    %dma_wait3A_124 = tpu.memref_slice %arg2[%dma_wait3A_123] : memref<320000xi32, #tpu.memory_space<hbm>> -> memref<128xi32, #tpu.memory_space<hbm>>
    tpu.wait_dma2 semaphore(%arg13 : memref<!tpu.dma_semaphore, #tpu.memory_space<semaphore_mem>>) src(%dma_wait3A_124 : memref<128xi32, #tpu.memory_space<hbm>>) dst(%arg6 : memref<128xi32, #tpu.memory_space<vmem>>)
    %dma_start3A_125 = arith.constant 0 : i32
    %dma_start3A_126 = tpu.memref_slice %arg4[%dma_start3A_125] : memref<10240xf32, #tpu.memory_space<vmem_shared>> -> memref<10240xf32, #tpu.memory_space<vmem_shared>>
    tpu.enqueue_indirect_dma source(%arg8 : memref<128xf32, #tpu.memory_space<vmem>>) target(%dma_start3A_126 : memref<10240xf32, #tpu.memory_space<vmem_shared>>) offsets(%arg6 : memref<128xi32, #tpu.memory_space<vmem>>) semaphore(%arg16 : memref<!tpu.dma_semaphore, #tpu.memory_space<semaphore_mem>>) {add = true}
    %dma_wait3A_127 = arith.constant 0 : i32
    %dma_wait3A_128 = tpu.memref_slice %arg2[%dma_wait3A_127] : memref<320000xi32, #tpu.memory_space<hbm>> -> memref<128xi32, #tpu.memory_space<hbm>>
    %dma_wait3A_129 = arith.constant 0 : i32
    %dma_wait3A_130 = tpu.memref_slice %arg2[%dma_wait3A_129] : memref<320000xi32, #tpu.memory_space<hbm>> -> memref<128xi32, #tpu.memory_space<hbm>>
    tpu.wait_dma2 semaphore(%arg15 : memref<!tpu.dma_semaphore, #tpu.memory_space<semaphore_mem>>) src(%dma_wait3A_130 : memref<128xi32, #tpu.memory_space<hbm>>) dst(%arg5 : memref<128xi32, #tpu.memory_space<vmem>>)
    %add3A_131 = arith.constant 384 : i32
    %add3A_132 = arith.addi %mul3A_104, %add3A_131 : i32
    %dma_start3A_133 = tpu.memref_slice %arg2[%add3A_132] : memref<320000xi32, #tpu.memory_space<hbm>> -> memref<128xi32, #tpu.memory_space<hbm>>
    %dma_start3A_134 = tpu.memref_slice %arg2[%add3A_132] : memref<320000xi32, #tpu.memory_space<hbm>> -> memref<128xi32, #tpu.memory_space<hbm>>
    tpu.enqueue_dma source(%dma_start3A_134 : memref<128xi32, #tpu.memory_space<hbm>>) target(%arg5 : memref<128xi32, #tpu.memory_space<vmem>>) target_semaphore(%arg12 : memref<!tpu.dma_semaphore, #tpu.memory_space<semaphore_mem>>)
    %dma_wait3A_135 = arith.constant 0 : i32
    %dma_wait3A_136 = tpu.memref_slice %arg2[%dma_wait3A_135] : memref<320000xi32, #tpu.memory_space<hbm>> -> memref<128xi32, #tpu.memory_space<hbm>>
    %dma_wait3A_137 = arith.constant 0 : i32
    %dma_wait3A_138 = tpu.memref_slice %arg2[%dma_wait3A_137] : memref<320000xi32, #tpu.memory_space<hbm>> -> memref<128xi32, #tpu.memory_space<hbm>>
    tpu.wait_dma2 semaphore(%arg14 : memref<!tpu.dma_semaphore, #tpu.memory_space<semaphore_mem>>) src(%dma_wait3A_138 : memref<128xi32, #tpu.memory_space<hbm>>) dst(%arg7 : memref<128xi32, #tpu.memory_space<vmem>>)
    %dma_start3A_139 = arith.constant 0 : i32
    %dma_start3A_140 = tpu.memref_slice %arg4[%dma_start3A_139] : memref<10240xf32, #tpu.memory_space<vmem_shared>> -> memref<10240xf32, #tpu.memory_space<vmem_shared>>
    tpu.enqueue_indirect_dma source(%arg8 : memref<128xf32, #tpu.memory_space<vmem>>) target(%dma_start3A_140 : memref<10240xf32, #tpu.memory_space<vmem_shared>>) offsets(%arg7 : memref<128xi32, #tpu.memory_space<vmem>>) semaphore(%arg17 : memref<!tpu.dma_semaphore, #tpu.memory_space<semaphore_mem>>) {add = true}
    %scan3A = arith.constant 0 : i32
    %scan3A_141 = arith.constant 25 : i32
    %scan3A_142 = arith.addi %scan3A, %scan3A_141 : i32
    %scan3A_143 = arith.constant 1 : i32
    scf.for %scan3A_156 = %scan3A to %scan3A_142 step %scan3A_143  : i32 {
      %mul3A_157 = arith.constant 1 : i32
      %mul3A_158 = arith.muli %scan3A_156, %mul3A_157 : i32
      %add3A_159 = arith.constant 1 : i32
      %add3A_160 = arith.addi %add3A_159, %mul3A_158 : i32
      %mul3A_161 = arith.constant 3 : i32
      %mul3A_162 = arith.muli %add3A_160, %mul3A_161 : i32
      %add3A_163 = arith.constant 0 : i32
      %add3A_164 = arith.addi %mul3A_162, %add3A_163 : i32
      %add3A_165 = arith.constant 1 : i32
      %add3A_166 = arith.addi %add3A_164, %add3A_165 : i32
      %lt3A = arith.constant 78 : i32
      %lt3A_167 = arith.cmpi slt, %add3A_166, %lt3A : i32
      %dma_wait3A_168 = arith.constant 0 : i32
      %dma_wait3A_169 = tpu.memref_slice %arg2[%dma_wait3A_168] : memref<320000xi32, #tpu.memory_space<hbm>> -> memref<128xi32, #tpu.memory_space<hbm>>
      %dma_wait3A_170 = arith.constant 0 : i32
      %dma_wait3A_171 = tpu.memref_slice %arg2[%dma_wait3A_170] : memref<320000xi32, #tpu.memory_space<hbm>> -> memref<128xi32, #tpu.memory_space<hbm>>
      tpu.wait_dma2 semaphore(%arg16 : memref<!tpu.dma_semaphore, #tpu.memory_space<semaphore_mem>>) src(%dma_wait3A_171 : memref<128xi32, #tpu.memory_space<hbm>>) dst(%arg6 : memref<128xi32, #tpu.memory_space<vmem>>)
      %convert_element_type3A = arith.extui %lt3A_167 : i1 to i32
      %cond3A = arith.constant 0 : i32
      %cond3A_172 = arith.cmpi ne, %convert_element_type3A, %cond3A : i32
      scf.if %cond3A_172 {
        %add3A_217 = arith.constant 1 : i32
        %add3A_218 = arith.addi %add3A_164, %add3A_217 : i32
        %mul3A_219 = arith.constant 128 : i32
        %mul3A_220 = arith.muli %add3A_218, %mul3A_219 : i32
        %add3A_221 = arith.addi %mul3A_104, %mul3A_220 : i32
        %dma_start3A_222 = tpu.memref_slice %arg2[%add3A_221] : memref<320000xi32, #tpu.memory_space<hbm>> -> memref<128xi32, #tpu.memory_space<hbm>>
        %dma_start3A_223 = tpu.memref_slice %arg2[%add3A_221] : memref<320000xi32, #tpu.memory_space<hbm>> -> memref<128xi32, #tpu.memory_space<hbm>>
        tpu.enqueue_dma source(%dma_start3A_223 : memref<128xi32, #tpu.memory_space<hbm>>) target(%arg6 : memref<128xi32, #tpu.memory_space<vmem>>) target_semaphore(%arg13 : memref<!tpu.dma_semaphore, #tpu.memory_space<semaphore_mem>>)
      } else {
      }
      %dma_wait3A_173 = arith.constant 0 : i32
      %dma_wait3A_174 = tpu.memref_slice %arg2[%dma_wait3A_173] : memref<320000xi32, #tpu.memory_space<hbm>> -> memref<128xi32, #tpu.memory_space<hbm>>
      %dma_wait3A_175 = arith.constant 0 : i32
      %dma_wait3A_176 = tpu.memref_slice %arg2[%dma_wait3A_175] : memref<320000xi32, #tpu.memory_space<hbm>> -> memref<128xi32, #tpu.memory_space<hbm>>
      tpu.wait_dma2 semaphore(%arg12 : memref<!tpu.dma_semaphore, #tpu.memory_space<semaphore_mem>>) src(%dma_wait3A_176 : memref<128xi32, #tpu.memory_space<hbm>>) dst(%arg5 : memref<128xi32, #tpu.memory_space<vmem>>)
      %dma_start3A_177 = arith.constant 0 : i32
      %dma_start3A_178 = tpu.memref_slice %arg4[%dma_start3A_177] : memref<10240xf32, #tpu.memory_space<vmem_shared>> -> memref<10240xf32, #tpu.memory_space<vmem_shared>>
      tpu.enqueue_indirect_dma source(%arg8 : memref<128xf32, #tpu.memory_space<vmem>>) target(%dma_start3A_178 : memref<10240xf32, #tpu.memory_space<vmem_shared>>) offsets(%arg5 : memref<128xi32, #tpu.memory_space<vmem>>) semaphore(%arg15 : memref<!tpu.dma_semaphore, #tpu.memory_space<semaphore_mem>>) {add = true}
      %add3A_179 = arith.constant 1 : i32
      %add3A_180 = arith.addi %mul3A_162, %add3A_179 : i32
      %add3A_181 = arith.constant 1 : i32
      %add3A_182 = arith.addi %add3A_180, %add3A_181 : i32
      %lt3A_183 = arith.constant 78 : i32
      %lt3A_184 = arith.cmpi slt, %add3A_182, %lt3A_183 : i32
      %dma_wait3A_185 = arith.constant 0 : i32
      %dma_wait3A_186 = tpu.memref_slice %arg2[%dma_wait3A_185] : memref<320000xi32, #tpu.memory_space<hbm>> -> memref<128xi32, #tpu.memory_space<hbm>>
      %dma_wait3A_187 = arith.constant 0 : i32
      %dma_wait3A_188 = tpu.memref_slice %arg2[%dma_wait3A_187] : memref<320000xi32, #tpu.memory_space<hbm>> -> memref<128xi32, #tpu.memory_space<hbm>>
      tpu.wait_dma2 semaphore(%arg17 : memref<!tpu.dma_semaphore, #tpu.memory_space<semaphore_mem>>) src(%dma_wait3A_188 : memref<128xi32, #tpu.memory_space<hbm>>) dst(%arg7 : memref<128xi32, #tpu.memory_space<vmem>>)
      %convert_element_type3A_189 = arith.extui %lt3A_184 : i1 to i32
      %cond3A_190 = arith.constant 0 : i32
      %cond3A_191 = arith.cmpi ne, %convert_element_type3A_189, %cond3A_190 : i32
      scf.if %cond3A_191 {
        %add3A_217 = arith.constant 1 : i32
        %add3A_218 = arith.addi %add3A_180, %add3A_217 : i32
        %mul3A_219 = arith.constant 128 : i32
        %mul3A_220 = arith.muli %add3A_218, %mul3A_219 : i32
        %add3A_221 = arith.addi %mul3A_104, %mul3A_220 : i32
        %dma_start3A_222 = tpu.memref_slice %arg2[%add3A_221] : memref<320000xi32, #tpu.memory_space<hbm>> -> memref<128xi32, #tpu.memory_space<hbm>>
        %dma_start3A_223 = tpu.memref_slice %arg2[%add3A_221] : memref<320000xi32, #tpu.memory_space<hbm>> -> memref<128xi32, #tpu.memory_space<hbm>>
        tpu.enqueue_dma source(%dma_start3A_223 : memref<128xi32, #tpu.memory_space<hbm>>) target(%arg7 : memref<128xi32, #tpu.memory_space<vmem>>) target_semaphore(%arg14 : memref<!tpu.dma_semaphore, #tpu.memory_space<semaphore_mem>>)
      } else {
      }
      %dma_wait3A_192 = arith.constant 0 : i32
      %dma_wait3A_193 = tpu.memref_slice %arg2[%dma_wait3A_192] : memref<320000xi32, #tpu.memory_space<hbm>> -> memref<128xi32, #tpu.memory_space<hbm>>
      %dma_wait3A_194 = arith.constant 0 : i32
      %dma_wait3A_195 = tpu.memref_slice %arg2[%dma_wait3A_194] : memref<320000xi32, #tpu.memory_space<hbm>> -> memref<128xi32, #tpu.memory_space<hbm>>
      tpu.wait_dma2 semaphore(%arg13 : memref<!tpu.dma_semaphore, #tpu.memory_space<semaphore_mem>>) src(%dma_wait3A_195 : memref<128xi32, #tpu.memory_space<hbm>>) dst(%arg6 : memref<128xi32, #tpu.memory_space<vmem>>)
      %dma_start3A_196 = arith.constant 0 : i32
      %dma_start3A_197 = tpu.memref_slice %arg4[%dma_start3A_196] : memref<10240xf32, #tpu.memory_space<vmem_shared>> -> memref<10240xf32, #tpu.memory_space<vmem_shared>>
      tpu.enqueue_indirect_dma source(%arg8 : memref<128xf32, #tpu.memory_space<vmem>>) target(%dma_start3A_197 : memref<10240xf32, #tpu.memory_space<vmem_shared>>) offsets(%arg6 : memref<128xi32, #tpu.memory_space<vmem>>) semaphore(%arg16 : memref<!tpu.dma_semaphore, #tpu.memory_space<semaphore_mem>>) {add = true}
      %add3A_198 = arith.constant 2 : i32
      %add3A_199 = arith.addi %mul3A_162, %add3A_198 : i32
      %add3A_200 = arith.constant 1 : i32
      %add3A_201 = arith.addi %add3A_199, %add3A_200 : i32
      %lt3A_202 = arith.constant 78 : i32
      %lt3A_203 = arith.cmpi slt, %add3A_201, %lt3A_202 : i32
      %dma_wait3A_204 = arith.constant 0 : i32
      %dma_wait3A_205 = tpu.memref_slice %arg2[%dma_wait3A_204] : memref<320000xi32, #tpu.memory_space<hbm>> -> memref<128xi32, #tpu.memory_space<hbm>>
      %dma_wait3A_206 = arith.constant 0 : i32
      %dma_wait3A_207 = tpu.memref_slice %arg2[%dma_wait3A_206] : memref<320000xi32, #tpu.memory_space<hbm>> -> memref<128xi32, #tpu.memory_space<hbm>>
      tpu.wait_dma2 semaphore(%arg15 : memref<!tpu.dma_semaphore, #tpu.memory_space<semaphore_mem>>) src(%dma_wait3A_207 : memref<128xi32, #tpu.memory_space<hbm>>) dst(%arg5 : memref<128xi32, #tpu.memory_space<vmem>>)
      %convert_element_type3A_208 = arith.extui %lt3A_203 : i1 to i32
      %cond3A_209 = arith.constant 0 : i32
      %cond3A_210 = arith.cmpi ne, %convert_element_type3A_208, %cond3A_209 : i32
      scf.if %cond3A_210 {
        %add3A_217 = arith.constant 1 : i32
        %add3A_218 = arith.addi %add3A_199, %add3A_217 : i32
        %mul3A_219 = arith.constant 128 : i32
        %mul3A_220 = arith.muli %add3A_218, %mul3A_219 : i32
        %add3A_221 = arith.addi %mul3A_104, %mul3A_220 : i32
        %dma_start3A_222 = tpu.memref_slice %arg2[%add3A_221] : memref<320000xi32, #tpu.memory_space<hbm>> -> memref<128xi32, #tpu.memory_space<hbm>>
        %dma_start3A_223 = tpu.memref_slice %arg2[%add3A_221] : memref<320000xi32, #tpu.memory_space<hbm>> -> memref<128xi32, #tpu.memory_space<hbm>>
        tpu.enqueue_dma source(%dma_start3A_223 : memref<128xi32, #tpu.memory_space<hbm>>) target(%arg5 : memref<128xi32, #tpu.memory_space<vmem>>) target_semaphore(%arg12 : memref<!tpu.dma_semaphore, #tpu.memory_space<semaphore_mem>>)
      } else {
      }
      %dma_wait3A_211 = arith.constant 0 : i32
      %dma_wait3A_212 = tpu.memref_slice %arg2[%dma_wait3A_211] : memref<320000xi32, #tpu.memory_space<hbm>> -> memref<128xi32, #tpu.memory_space<hbm>>
      %dma_wait3A_213 = arith.constant 0 : i32
      %dma_wait3A_214 = tpu.memref_slice %arg2[%dma_wait3A_213] : memref<320000xi32, #tpu.memory_space<hbm>> -> memref<128xi32, #tpu.memory_space<hbm>>
      tpu.wait_dma2 semaphore(%arg14 : memref<!tpu.dma_semaphore, #tpu.memory_space<semaphore_mem>>) src(%dma_wait3A_214 : memref<128xi32, #tpu.memory_space<hbm>>) dst(%arg7 : memref<128xi32, #tpu.memory_space<vmem>>)
      %dma_start3A_215 = arith.constant 0 : i32
      %dma_start3A_216 = tpu.memref_slice %arg4[%dma_start3A_215] : memref<10240xf32, #tpu.memory_space<vmem_shared>> -> memref<10240xf32, #tpu.memory_space<vmem_shared>>
      tpu.enqueue_indirect_dma source(%arg8 : memref<128xf32, #tpu.memory_space<vmem>>) target(%dma_start3A_216 : memref<10240xf32, #tpu.memory_space<vmem_shared>>) offsets(%arg7 : memref<128xi32, #tpu.memory_space<vmem>>) semaphore(%arg17 : memref<!tpu.dma_semaphore, #tpu.memory_space<semaphore_mem>>) {add = true}
    }
    %scan3A_144 = arith.constant 25 : i32
    %dma_wait3A_145 = arith.constant 0 : i32
    %dma_wait3A_146 = tpu.memref_slice %arg2[%dma_wait3A_145] : memref<320000xi32, #tpu.memory_space<hbm>> -> memref<128xi32, #tpu.memory_space<hbm>>
    %dma_wait3A_147 = arith.constant 0 : i32
    %dma_wait3A_148 = tpu.memref_slice %arg2[%dma_wait3A_147] : memref<320000xi32, #tpu.memory_space<hbm>> -> memref<128xi32, #tpu.memory_space<hbm>>
    tpu.wait_dma2 semaphore(%arg16 : memref<!tpu.dma_semaphore, #tpu.memory_space<semaphore_mem>>) src(%dma_wait3A_148 : memref<128xi32, #tpu.memory_space<hbm>>) dst(%arg6 : memref<128xi32, #tpu.memory_space<vmem>>)
    %dma_wait3A_149 = arith.constant 0 : i32
    %dma_wait3A_150 = tpu.memref_slice %arg2[%dma_wait3A_149] : memref<320000xi32, #tpu.memory_space<hbm>> -> memref<128xi32, #tpu.memory_space<hbm>>
    %dma_wait3A_151 = arith.constant 0 : i32
    %dma_wait3A_152 = tpu.memref_slice %arg2[%dma_wait3A_151] : memref<320000xi32, #tpu.memory_space<hbm>> -> memref<128xi32, #tpu.memory_space<hbm>>
    tpu.wait_dma2 semaphore(%arg17 : memref<!tpu.dma_semaphore, #tpu.memory_space<semaphore_mem>>) src(%dma_wait3A_152 : memref<128xi32, #tpu.memory_space<hbm>>) dst(%arg7 : memref<128xi32, #tpu.memory_space<vmem>>)
    %add3A_153 = arith.constant 9984 : i32
    %add3A_154 = arith.addi %mul3A_104, %add3A_153 : i32
    "tpu.region"() ({
      %run_scoped3A = tpu.sem_alloc : memref<!tpu.dma_semaphore, #tpu.memory_space<semaphore_mem>>
      %dma_start3A_156 = tpu.memref_slice %arg2[%add3A_154] : memref<320000xi32, #tpu.memory_space<hbm>> -> memref<16xi32, #tpu.memory_space<hbm>>
      %dma_start3A_157 = tpu.memref_slice %arg2[%add3A_154] : memref<320000xi32, #tpu.memory_space<hbm>> -> memref<16xi32, #tpu.memory_space<hbm>>
      tpu.enqueue_dma source(%dma_start3A_157 : memref<16xi32, #tpu.memory_space<hbm>>) target(%arg11 : memref<16xi32, #tpu.memory_space<vmem>>) target_semaphore(%run_scoped3A : memref<!tpu.dma_semaphore, #tpu.memory_space<semaphore_mem>>)
      %dma_wait3A_158 = tpu.memref_slice %arg2[%add3A_154] : memref<320000xi32, #tpu.memory_space<hbm>> -> memref<16xi32, #tpu.memory_space<hbm>>
      %dma_wait3A_159 = tpu.memref_slice %arg2[%add3A_154] : memref<320000xi32, #tpu.memory_space<hbm>> -> memref<16xi32, #tpu.memory_space<hbm>>
      tpu.wait_dma2 semaphore(%run_scoped3A : memref<!tpu.dma_semaphore, #tpu.memory_space<semaphore_mem>>) src(%dma_wait3A_159 : memref<16xi32, #tpu.memory_space<hbm>>) dst(%arg11 : memref<16xi32, #tpu.memory_space<vmem>>)
      tpu.yield
    }) : () -> ()
    "tpu.region"() ({
      %run_scoped3A = tpu.sem_alloc : memref<!tpu.dma_semaphore, #tpu.memory_space<semaphore_mem>>
      %dma_start3A_156 = arith.constant 0 : i32
      %dma_start3A_157 = tpu.memref_slice %arg4[%dma_start3A_156] : memref<10240xf32, #tpu.memory_space<vmem_shared>> -> memref<10240xf32, #tpu.memory_space<vmem_shared>>
      tpu.enqueue_indirect_dma source(%arg9 : memref<16xf32, #tpu.memory_space<vmem>>) target(%dma_start3A_157 : memref<10240xf32, #tpu.memory_space<vmem_shared>>) offsets(%arg11 : memref<16xi32, #tpu.memory_space<vmem>>) semaphore(%run_scoped3A : memref<!tpu.dma_semaphore, #tpu.memory_space<semaphore_mem>>) {add = true}
      %dma_wait3A_158 = arith.constant 0 : i32
      %dma_wait3A_159 = tpu.memref_slice %arg4[%dma_wait3A_158] : memref<10240xf32, #tpu.memory_space<vmem_shared>> -> memref<10240xf32, #tpu.memory_space<vmem_shared>>
      tpu.wait_indirect_dma semaphore(%run_scoped3A : memref<!tpu.dma_semaphore, #tpu.memory_space<semaphore_mem>>) src(%arg9 : memref<16xf32, #tpu.memory_space<vmem>>) dst(%dma_wait3A_159 : memref<10240xf32, #tpu.memory_space<vmem_shared>>)
      tpu.yield
    }) : () -> ()
    %barrier3A_155 = arith.constant 0 : index
    tpu.barrier barrier_id(%barrier3A_155)
    "tpu.region"() ({
      %run_scoped3A = tpu.sem_alloc : memref<!tpu.dma_semaphore, #tpu.memory_space<semaphore_mem>>
      %dma_start3A_156 = tpu.memref_slice %arg3[%arg0, %mul3A_3] : memref<2x10240xf32, #tpu.memory_space<hbm>> -> memref<1x640xf32, #tpu.memory_space<hbm>>
      %dma_start3A_157 = tpu.memref_squeeze %dma_start3A_156 : memref<1x640xf32, #tpu.memory_space<hbm>> -> memref<640xf32, #tpu.memory_space<hbm>>
      %dma_start3A_158 = tpu.memref_slice %arg4[%mul3A_3] : memref<10240xf32, #tpu.memory_space<vmem_shared>> -> memref<640xf32, #tpu.memory_space<vmem_shared>>
      tpu.enqueue_dma source(%dma_start3A_158 : memref<640xf32, #tpu.memory_space<vmem_shared>>) target(%dma_start3A_157 : memref<640xf32, #tpu.memory_space<hbm>>) target_semaphore(%run_scoped3A : memref<!tpu.dma_semaphore, #tpu.memory_space<semaphore_mem>>)
      %dma_wait3A_159 = tpu.memref_slice %arg3[%arg0, %mul3A_3] : memref<2x10240xf32, #tpu.memory_space<hbm>> -> memref<1x640xf32, #tpu.memory_space<hbm>>
      %dma_wait3A_160 = tpu.memref_squeeze %dma_wait3A_159 : memref<1x640xf32, #tpu.memory_space<hbm>> -> memref<640xf32, #tpu.memory_space<hbm>>
      %dma_wait3A_161 = tpu.memref_slice %arg4[%mul3A_3] : memref<10240xf32, #tpu.memory_space<vmem_shared>> -> memref<640xf32, #tpu.memory_space<vmem_shared>>
      tpu.wait_dma2 semaphore(%run_scoped3A : memref<!tpu.dma_semaphore, #tpu.memory_space<semaphore_mem>>) src(%dma_wait3A_161 : memref<640xf32, #tpu.memory_space<vmem_shared>>) dst(%dma_wait3A_160 : memref<640xf32, #tpu.memory_space<hbm>>)
      tpu.yield
    }) : () -> ()
    return
  }
}

#map = affine_map<(d0, d1) -> (0)>
#map1 = affine_map<(d0, d1) -> (0, 0)>
#map2 = affine_map<(d0, d1) -> (0, 0, 0)>
module attributes {stable_mosaic.version = 14 : i64} {
  func.func @_msg_body(%arg0: i32, %arg1: i32, %arg2: memref<320000xi32, #tpu.memory_space<hbm>>, %arg3: memref<320000xi32, #tpu.memory_space<hbm>>, %arg4: memref<10000x128xf32, #tpu.memory_space<hbm>>, %arg5: memref<2x10240x128xf32, #tpu.memory_space<hbm>>, %arg6: memref<10240x128xf32, #tpu.memory_space<vmem_shared>>, %arg7: memref<128xi32, #tpu.memory_space<vmem>>, %arg8: memref<128xi32, #tpu.memory_space<vmem>>, %arg9: memref<128xi32, #tpu.memory_space<vmem>>, %arg10: memref<128xi32, #tpu.memory_space<vmem>>, %arg11: memref<128xi32, #tpu.memory_space<vmem>>, %arg12: memref<128xi32, #tpu.memory_space<vmem>>, %arg13: memref<128x128xf32, #tpu.memory_space<vmem>>, %arg14: memref<128x128xf32, #tpu.memory_space<vmem>>, %arg15: memref<16xi32, #tpu.memory_space<vmem>>, %arg16: memref<16xi32, #tpu.memory_space<vmem>>, %arg17: memref<!tpu.dma_semaphore, #tpu.memory_space<semaphore_mem>>, %arg18: memref<!tpu.dma_semaphore, #tpu.memory_space<semaphore_mem>>, %arg19: memref<!tpu.dma_semaphore, #tpu.memory_space<semaphore_mem>>, %arg20: memref<!tpu.dma_semaphore, #tpu.memory_space<semaphore_mem>>, %arg21: memref<!tpu.dma_semaphore, #tpu.memory_space<semaphore_mem>>, %arg22: memref<!tpu.dma_semaphore, #tpu.memory_space<semaphore_mem>>, %arg23: memref<!tpu.dma_semaphore, #tpu.memory_space<semaphore_mem>>, %arg24: memref<!tpu.dma_semaphore, #tpu.memory_space<semaphore_mem>>) attributes {dimension_semantics = [#tpu.dimension_semantics<core_parallel>, #tpu.dimension_semantics<subcore_parallel>], iteration_bounds = array<i64: 2, 16>, scalar_prefetch = 0 : i64, scratch_operands = 19 : i64, tpu.core_type = #tpu.core_type<sc_vector_subcore>, window_params = [{transform_indices = #map}, {transform_indices = #map}, {transform_indices = #map1}, {transform_indices = #map2}]} {
    %broadcast_in_dim3A = arith.constant 0.000000e+00 : f32
    %broadcast_in_dim3A_0 = vector.broadcast %broadcast_in_dim3A : f32 to vector<16xf32>
    %mul3A = arith.constant 640 : i32
    %mul3A_1 = arith.muli %arg1, %mul3A : i32
    %scan3A = arith.constant 0 : i32
    %scan3A_2 = arith.constant 128 : i32
    %scan3A_3 = arith.addi %scan3A, %scan3A_2 : i32
    %scan3A_4 = arith.constant 1 : i32
    scf.for %scan3A_232 = %scan3A to %scan3A_3 step %scan3A_4  : i32 {
      %mul3A_233 = arith.constant 1 : i32
      %mul3A_234 = arith.muli %scan3A_232, %mul3A_233 : i32
      %add3A_235 = arith.constant 0 : i32
      %add3A_236 = arith.addi %add3A_235, %mul3A_234 : i32
      %swap3A = arith.index_cast %add3A_236 : i32 to index
      %swap3A_237 = arith.constant 0 : index
      %swap3A_238 = tpu.vector_load %arg13[%swap3A, %swap3A_237] {strides = array<i32>} : memref<128x128xf32, #tpu.memory_space<vmem>>, vector<16xf32>,
      tpu.vector_store %arg13[%swap3A, %swap3A_237], %broadcast_in_dim3A_0 {strides = array<i32>} : memref<128x128xf32, #tpu.memory_space<vmem>>, vector<16xf32>,
      %swap3A_239 = arith.index_cast %add3A_236 : i32 to index
      %swap3A_240 = arith.constant 16 : index
      %swap3A_241 = tpu.vector_load %arg13[%swap3A_239, %swap3A_240] {strides = array<i32>} : memref<128x128xf32, #tpu.memory_space<vmem>>, vector<16xf32>,
      tpu.vector_store %arg13[%swap3A_239, %swap3A_240], %broadcast_in_dim3A_0 {strides = array<i32>} : memref<128x128xf32, #tpu.memory_space<vmem>>, vector<16xf32>,
      %swap3A_242 = arith.index_cast %add3A_236 : i32 to index
      %swap3A_243 = arith.constant 32 : index
      %swap3A_244 = tpu.vector_load %arg13[%swap3A_242, %swap3A_243] {strides = array<i32>} : memref<128x128xf32, #tpu.memory_space<vmem>>, vector<16xf32>,
      tpu.vector_store %arg13[%swap3A_242, %swap3A_243], %broadcast_in_dim3A_0 {strides = array<i32>} : memref<128x128xf32, #tpu.memory_space<vmem>>, vector<16xf32>,
      %swap3A_245 = arith.index_cast %add3A_236 : i32 to index
      %swap3A_246 = arith.constant 48 : index
      %swap3A_247 = tpu.vector_load %arg13[%swap3A_245, %swap3A_246] {strides = array<i32>} : memref<128x128xf32, #tpu.memory_space<vmem>>, vector<16xf32>,
      tpu.vector_store %arg13[%swap3A_245, %swap3A_246], %broadcast_in_dim3A_0 {strides = array<i32>} : memref<128x128xf32, #tpu.memory_space<vmem>>, vector<16xf32>,
      %swap3A_248 = arith.index_cast %add3A_236 : i32 to index
      %swap3A_249 = arith.constant 64 : index
      %swap3A_250 = tpu.vector_load %arg13[%swap3A_248, %swap3A_249] {strides = array<i32>} : memref<128x128xf32, #tpu.memory_space<vmem>>, vector<16xf32>,
      tpu.vector_store %arg13[%swap3A_248, %swap3A_249], %broadcast_in_dim3A_0 {strides = array<i32>} : memref<128x128xf32, #tpu.memory_space<vmem>>, vector<16xf32>,
      %swap3A_251 = arith.index_cast %add3A_236 : i32 to index
      %swap3A_252 = arith.constant 80 : index
      %swap3A_253 = tpu.vector_load %arg13[%swap3A_251, %swap3A_252] {strides = array<i32>} : memref<128x128xf32, #tpu.memory_space<vmem>>, vector<16xf32>,
      tpu.vector_store %arg13[%swap3A_251, %swap3A_252], %broadcast_in_dim3A_0 {strides = array<i32>} : memref<128x128xf32, #tpu.memory_space<vmem>>, vector<16xf32>,
      %swap3A_254 = arith.index_cast %add3A_236 : i32 to index
      %swap3A_255 = arith.constant 96 : index
      %swap3A_256 = tpu.vector_load %arg13[%swap3A_254, %swap3A_255] {strides = array<i32>} : memref<128x128xf32, #tpu.memory_space<vmem>>, vector<16xf32>,
      tpu.vector_store %arg13[%swap3A_254, %swap3A_255], %broadcast_in_dim3A_0 {strides = array<i32>} : memref<128x128xf32, #tpu.memory_space<vmem>>, vector<16xf32>,
      %swap3A_257 = arith.index_cast %add3A_236 : i32 to index
      %swap3A_258 = arith.constant 112 : index
      %swap3A_259 = tpu.vector_load %arg13[%swap3A_257, %swap3A_258] {strides = array<i32>} : memref<128x128xf32, #tpu.memory_space<vmem>>, vector<16xf32>,
      tpu.vector_store %arg13[%swap3A_257, %swap3A_258], %broadcast_in_dim3A_0 {strides = array<i32>} : memref<128x128xf32, #tpu.memory_space<vmem>>, vector<16xf32>,
    }
    %scan3A_5 = arith.constant 128 : i32
    %add3A = arith.constant 0 : i32
    %add3A_6 = arith.addi %mul3A_1, %add3A : i32
    "tpu.region"() ({
      %run_scoped3A = tpu.sem_alloc : memref<!tpu.dma_semaphore, #tpu.memory_space<semaphore_mem>>
      %dma_start3A_232 = arith.constant 0 : i32
      %dma_start3A_233 = tpu.memref_slice %arg6[%add3A_6, %dma_start3A_232] : memref<10240x128xf32, #tpu.memory_space<vmem_shared>> -> memref<128x128xf32, #tpu.memory_space<vmem_shared>>
      %dma_start3A_234 = arith.constant 0 : i32
      %dma_start3A_235 = tpu.memref_slice %arg6[%add3A_6, %dma_start3A_234] : memref<10240x128xf32, #tpu.memory_space<vmem_shared>> -> memref<128x128xf32, #tpu.memory_space<vmem_shared>>
      tpu.enqueue_dma source(%arg13 : memref<128x128xf32, #tpu.memory_space<vmem>>) target(%dma_start3A_235 : memref<128x128xf32, #tpu.memory_space<vmem_shared>>) target_semaphore(%run_scoped3A : memref<!tpu.dma_semaphore, #tpu.memory_space<semaphore_mem>>)
      %dma_wait3A_236 = arith.constant 0 : i32
      %dma_wait3A_237 = tpu.memref_slice %arg6[%add3A_6, %dma_wait3A_236] : memref<10240x128xf32, #tpu.memory_space<vmem_shared>> -> memref<128x128xf32, #tpu.memory_space<vmem_shared>>
      %dma_wait3A_238 = arith.constant 0 : i32
      %dma_wait3A_239 = tpu.memref_slice %arg6[%add3A_6, %dma_wait3A_238] : memref<10240x128xf32, #tpu.memory_space<vmem_shared>> -> memref<128x128xf32, #tpu.memory_space<vmem_shared>>
      tpu.wait_dma2 semaphore(%run_scoped3A : memref<!tpu.dma_semaphore, #tpu.memory_space<semaphore_mem>>) src(%arg13 : memref<128x128xf32, #tpu.memory_space<vmem>>) dst(%dma_wait3A_239 : memref<128x128xf32, #tpu.memory_space<vmem_shared>>)
      tpu.yield
    }) : () -> ()
    %add3A_7 = arith.constant 128 : i32
    %add3A_8 = arith.addi %mul3A_1, %add3A_7 : i32
    "tpu.region"() ({
      %run_scoped3A = tpu.sem_alloc : memref<!tpu.dma_semaphore, #tpu.memory_space<semaphore_mem>>
      %dma_start3A_232 = arith.constant 0 : i32
      %dma_start3A_233 = tpu.memref_slice %arg6[%add3A_8, %dma_start3A_232] : memref<10240x128xf32, #tpu.memory_space<vmem_shared>> -> memref<128x128xf32, #tpu.memory_space<vmem_shared>>
      %dma_start3A_234 = arith.constant 0 : i32
      %dma_start3A_235 = tpu.memref_slice %arg6[%add3A_8, %dma_start3A_234] : memref<10240x128xf32, #tpu.memory_space<vmem_shared>> -> memref<128x128xf32, #tpu.memory_space<vmem_shared>>
      tpu.enqueue_dma source(%arg13 : memref<128x128xf32, #tpu.memory_space<vmem>>) target(%dma_start3A_235 : memref<128x128xf32, #tpu.memory_space<vmem_shared>>) target_semaphore(%run_scoped3A : memref<!tpu.dma_semaphore, #tpu.memory_space<semaphore_mem>>)
      %dma_wait3A_236 = arith.constant 0 : i32
      %dma_wait3A_237 = tpu.memref_slice %arg6[%add3A_8, %dma_wait3A_236] : memref<10240x128xf32, #tpu.memory_space<vmem_shared>> -> memref<128x128xf32, #tpu.memory_space<vmem_shared>>
      %dma_wait3A_238 = arith.constant 0 : i32
      %dma_wait3A_239 = tpu.memref_slice %arg6[%add3A_8, %dma_wait3A_238] : memref<10240x128xf32, #tpu.memory_space<vmem_shared>> -> memref<128x128xf32, #tpu.memory_space<vmem_shared>>
      tpu.wait_dma2 semaphore(%run_scoped3A : memref<!tpu.dma_semaphore, #tpu.memory_space<semaphore_mem>>) src(%arg13 : memref<128x128xf32, #tpu.memory_space<vmem>>) dst(%dma_wait3A_239 : memref<128x128xf32, #tpu.memory_space<vmem_shared>>)
      tpu.yield
    }) : () -> ()
    %add3A_9 = arith.constant 256 : i32
    %add3A_10 = arith.addi %mul3A_1, %add3A_9 : i32
    "tpu.region"() ({
      %run_scoped3A = tpu.sem_alloc : memref<!tpu.dma_semaphore, #tpu.memory_space<semaphore_mem>>
      %dma_start3A_232 = arith.constant 0 : i32
      %dma_start3A_233 = tpu.memref_slice %arg6[%add3A_10, %dma_start3A_232] : memref<10240x128xf32, #tpu.memory_space<vmem_shared>> -> memref<128x128xf32, #tpu.memory_space<vmem_shared>>
      %dma_start3A_234 = arith.constant 0 : i32
      %dma_start3A_235 = tpu.memref_slice %arg6[%add3A_10, %dma_start3A_234] : memref<10240x128xf32, #tpu.memory_space<vmem_shared>> -> memref<128x128xf32, #tpu.memory_space<vmem_shared>>
      tpu.enqueue_dma source(%arg13 : memref<128x128xf32, #tpu.memory_space<vmem>>) target(%dma_start3A_235 : memref<128x128xf32, #tpu.memory_space<vmem_shared>>) target_semaphore(%run_scoped3A : memref<!tpu.dma_semaphore, #tpu.memory_space<semaphore_mem>>)
      %dma_wait3A_236 = arith.constant 0 : i32
      %dma_wait3A_237 = tpu.memref_slice %arg6[%add3A_10, %dma_wait3A_236] : memref<10240x128xf32, #tpu.memory_space<vmem_shared>> -> memref<128x128xf32, #tpu.memory_space<vmem_shared>>
      %dma_wait3A_238 = arith.constant 0 : i32
      %dma_wait3A_239 = tpu.memref_slice %arg6[%add3A_10, %dma_wait3A_238] : memref<10240x128xf32, #tpu.memory_space<vmem_shared>> -> memref<128x128xf32, #tpu.memory_space<vmem_shared>>
      tpu.wait_dma2 semaphore(%run_scoped3A : memref<!tpu.dma_semaphore, #tpu.memory_space<semaphore_mem>>) src(%arg13 : memref<128x128xf32, #tpu.memory_space<vmem>>) dst(%dma_wait3A_239 : memref<128x128xf32, #tpu.memory_space<vmem_shared>>)
      tpu.yield
    }) : () -> ()
    %add3A_11 = arith.constant 384 : i32
    %add3A_12 = arith.addi %mul3A_1, %add3A_11 : i32
    "tpu.region"() ({
      %run_scoped3A = tpu.sem_alloc : memref<!tpu.dma_semaphore, #tpu.memory_space<semaphore_mem>>
      %dma_start3A_232 = arith.constant 0 : i32
      %dma_start3A_233 = tpu.memref_slice %arg6[%add3A_12, %dma_start3A_232] : memref<10240x128xf32, #tpu.memory_space<vmem_shared>> -> memref<128x128xf32, #tpu.memory_space<vmem_shared>>
      %dma_start3A_234 = arith.constant 0 : i32
      %dma_start3A_235 = tpu.memref_slice %arg6[%add3A_12, %dma_start3A_234] : memref<10240x128xf32, #tpu.memory_space<vmem_shared>> -> memref<128x128xf32, #tpu.memory_space<vmem_shared>>
      tpu.enqueue_dma source(%arg13 : memref<128x128xf32, #tpu.memory_space<vmem>>) target(%dma_start3A_235 : memref<128x128xf32, #tpu.memory_space<vmem_shared>>) target_semaphore(%run_scoped3A : memref<!tpu.dma_semaphore, #tpu.memory_space<semaphore_mem>>)
      %dma_wait3A_236 = arith.constant 0 : i32
      %dma_wait3A_237 = tpu.memref_slice %arg6[%add3A_12, %dma_wait3A_236] : memref<10240x128xf32, #tpu.memory_space<vmem_shared>> -> memref<128x128xf32, #tpu.memory_space<vmem_shared>>
      %dma_wait3A_238 = arith.constant 0 : i32
      %dma_wait3A_239 = tpu.memref_slice %arg6[%add3A_12, %dma_wait3A_238] : memref<10240x128xf32, #tpu.memory_space<vmem_shared>> -> memref<128x128xf32, #tpu.memory_space<vmem_shared>>
      tpu.wait_dma2 semaphore(%run_scoped3A : memref<!tpu.dma_semaphore, #tpu.memory_space<semaphore_mem>>) src(%arg13 : memref<128x128xf32, #tpu.memory_space<vmem>>) dst(%dma_wait3A_239 : memref<128x128xf32, #tpu.memory_space<vmem_shared>>)
      tpu.yield
    }) : () -> ()
    %add3A_13 = arith.constant 512 : i32
    %add3A_14 = arith.addi %mul3A_1, %add3A_13 : i32
    "tpu.region"() ({
      %run_scoped3A = tpu.sem_alloc : memref<!tpu.dma_semaphore, #tpu.memory_space<semaphore_mem>>
      %dma_start3A_232 = arith.constant 0 : i32
      %dma_start3A_233 = tpu.memref_slice %arg6[%add3A_14, %dma_start3A_232] : memref<10240x128xf32, #tpu.memory_space<vmem_shared>> -> memref<128x128xf32, #tpu.memory_space<vmem_shared>>
      %dma_start3A_234 = arith.constant 0 : i32
      %dma_start3A_235 = tpu.memref_slice %arg6[%add3A_14, %dma_start3A_234] : memref<10240x128xf32, #tpu.memory_space<vmem_shared>> -> memref<128x128xf32, #tpu.memory_space<vmem_shared>>
      tpu.enqueue_dma source(%arg13 : memref<128x128xf32, #tpu.memory_space<vmem>>) target(%dma_start3A_235 : memref<128x128xf32, #tpu.memory_space<vmem_shared>>) target_semaphore(%run_scoped3A : memref<!tpu.dma_semaphore, #tpu.memory_space<semaphore_mem>>)
      %dma_wait3A_236 = arith.constant 0 : i32
      %dma_wait3A_237 = tpu.memref_slice %arg6[%add3A_14, %dma_wait3A_236] : memref<10240x128xf32, #tpu.memory_space<vmem_shared>> -> memref<128x128xf32, #tpu.memory_space<vmem_shared>>
      %dma_wait3A_238 = arith.constant 0 : i32
      %dma_wait3A_239 = tpu.memref_slice %arg6[%add3A_14, %dma_wait3A_238] : memref<10240x128xf32, #tpu.memory_space<vmem_shared>> -> memref<128x128xf32, #tpu.memory_space<vmem_shared>>
      tpu.wait_dma2 semaphore(%run_scoped3A : memref<!tpu.dma_semaphore, #tpu.memory_space<semaphore_mem>>) src(%arg13 : memref<128x128xf32, #tpu.memory_space<vmem>>) dst(%dma_wait3A_239 : memref<128x128xf32, #tpu.memory_space<vmem_shared>>)
      tpu.yield
    }) : () -> ()
    %barrier3A = arith.constant 0 : index
    tpu.barrier barrier_id(%barrier3A)
    %mul3A_15 = arith.constant 16 : i32
    %mul3A_16 = arith.muli %arg0, %mul3A_15 : i32
    %add3A_17 = arith.addi %mul3A_16, %arg1 : i32
    %mul3A_18 = arith.constant 10000 : i32
    %mul3A_19 = arith.muli %add3A_17, %mul3A_18 : i32
    %add3A_20 = arith.constant 0 : i32
    %add3A_21 = arith.addi %mul3A_19, %add3A_20 : i32
    %dma_start3A = tpu.memref_slice %arg2[%add3A_21] : memref<320000xi32, #tpu.memory_space<hbm>> -> memref<128xi32, #tpu.memory_space<hbm>>
    %dma_start3A_22 = tpu.memref_slice %arg2[%add3A_21] : memref<320000xi32, #tpu.memory_space<hbm>> -> memref<128xi32, #tpu.memory_space<hbm>>
    tpu.enqueue_dma source(%dma_start3A_22 : memref<128xi32, #tpu.memory_space<hbm>>) target(%arg7 : memref<128xi32, #tpu.memory_space<vmem>>) target_semaphore(%arg17 : memref<!tpu.dma_semaphore, #tpu.memory_space<semaphore_mem>>)
    %add3A_23 = arith.constant 0 : i32
    %add3A_24 = arith.addi %mul3A_19, %add3A_23 : i32
    %dma_start3A_25 = tpu.memref_slice %arg3[%add3A_24] : memref<320000xi32, #tpu.memory_space<hbm>> -> memref<128xi32, #tpu.memory_space<hbm>>
    %dma_start3A_26 = tpu.memref_slice %arg3[%add3A_24] : memref<320000xi32, #tpu.memory_space<hbm>> -> memref<128xi32, #tpu.memory_space<hbm>>
    tpu.enqueue_dma source(%dma_start3A_26 : memref<128xi32, #tpu.memory_space<hbm>>) target(%arg10 : memref<128xi32, #tpu.memory_space<vmem>>) target_semaphore(%arg17 : memref<!tpu.dma_semaphore, #tpu.memory_space<semaphore_mem>>)
    %add3A_27 = arith.constant 128 : i32
    %add3A_28 = arith.addi %mul3A_19, %add3A_27 : i32
    %dma_start3A_29 = tpu.memref_slice %arg2[%add3A_28] : memref<320000xi32, #tpu.memory_space<hbm>> -> memref<128xi32, #tpu.memory_space<hbm>>
    %dma_start3A_30 = tpu.memref_slice %arg2[%add3A_28] : memref<320000xi32, #tpu.memory_space<hbm>> -> memref<128xi32, #tpu.memory_space<hbm>>
    tpu.enqueue_dma source(%dma_start3A_30 : memref<128xi32, #tpu.memory_space<hbm>>) target(%arg8 : memref<128xi32, #tpu.memory_space<vmem>>) target_semaphore(%arg18 : memref<!tpu.dma_semaphore, #tpu.memory_space<semaphore_mem>>)
    %add3A_31 = arith.constant 128 : i32
    %add3A_32 = arith.addi %mul3A_19, %add3A_31 : i32
    %dma_start3A_33 = tpu.memref_slice %arg3[%add3A_32] : memref<320000xi32, #tpu.memory_space<hbm>> -> memref<128xi32, #tpu.memory_space<hbm>>
    %dma_start3A_34 = tpu.memref_slice %arg3[%add3A_32] : memref<320000xi32, #tpu.memory_space<hbm>> -> memref<128xi32, #tpu.memory_space<hbm>>
    tpu.enqueue_dma source(%dma_start3A_34 : memref<128xi32, #tpu.memory_space<hbm>>) target(%arg11 : memref<128xi32, #tpu.memory_space<vmem>>) target_semaphore(%arg18 : memref<!tpu.dma_semaphore, #tpu.memory_space<semaphore_mem>>)
    %dma_wait3A = arith.constant 0 : i32
    %dma_wait3A_35 = tpu.memref_slice %arg2[%dma_wait3A] : memref<320000xi32, #tpu.memory_space<hbm>> -> memref<128xi32, #tpu.memory_space<hbm>>
    %dma_wait3A_36 = arith.constant 0 : i32
    %dma_wait3A_37 = tpu.memref_slice %arg2[%dma_wait3A_36] : memref<320000xi32, #tpu.memory_space<hbm>> -> memref<128xi32, #tpu.memory_space<hbm>>
    tpu.wait_dma2 semaphore(%arg17 : memref<!tpu.dma_semaphore, #tpu.memory_space<semaphore_mem>>) src(%dma_wait3A_37 : memref<128xi32, #tpu.memory_space<hbm>>) dst(%arg7 : memref<128xi32, #tpu.memory_space<vmem>>)
    %dma_wait3A_38 = arith.constant 0 : i32
    %dma_wait3A_39 = tpu.memref_slice %arg3[%dma_wait3A_38] : memref<320000xi32, #tpu.memory_space<hbm>> -> memref<128xi32, #tpu.memory_space<hbm>>
    %dma_wait3A_40 = arith.constant 0 : i32
    %dma_wait3A_41 = tpu.memref_slice %arg3[%dma_wait3A_40] : memref<320000xi32, #tpu.memory_space<hbm>> -> memref<128xi32, #tpu.memory_space<hbm>>
    tpu.wait_dma2 semaphore(%arg17 : memref<!tpu.dma_semaphore, #tpu.memory_space<semaphore_mem>>) src(%dma_wait3A_41 : memref<128xi32, #tpu.memory_space<hbm>>) dst(%arg10 : memref<128xi32, #tpu.memory_space<vmem>>)
    %dma_start3A_42 = arith.constant 0 : i32
    %dma_start3A_43 = arith.constant 0 : i32
    %dma_start3A_44 = tpu.memref_slice %arg4[%dma_start3A_42, %dma_start3A_43] : memref<10000x128xf32, #tpu.memory_space<hbm>> -> memref<10000x128xf32, #tpu.memory_space<hbm>>
    tpu.enqueue_indirect_dma source(%dma_start3A_44 : memref<10000x128xf32, #tpu.memory_space<hbm>>) target(%arg13 : memref<128x128xf32, #tpu.memory_space<vmem>>) offsets(%arg7 : memref<128xi32, #tpu.memory_space<vmem>>) semaphore(%arg20 : memref<!tpu.dma_semaphore, #tpu.memory_space<semaphore_mem>>)
    %dma_wait3A_45 = arith.constant 0 : i32
    %dma_wait3A_46 = arith.constant 0 : i32
    %dma_wait3A_47 = tpu.memref_slice %arg4[%dma_wait3A_45, %dma_wait3A_46] : memref<10000x128xf32, #tpu.memory_space<hbm>> -> memref<10000x128xf32, #tpu.memory_space<hbm>>
    tpu.wait_indirect_dma semaphore(%arg20 : memref<!tpu.dma_semaphore, #tpu.memory_space<semaphore_mem>>) src(%dma_wait3A_47 : memref<10000x128xf32, #tpu.memory_space<hbm>>) dst(%arg13 : memref<128x128xf32, #tpu.memory_space<vmem>>)
    %dma_start3A_48 = arith.constant 0 : i32
    %dma_start3A_49 = arith.constant 0 : i32
    %dma_start3A_50 = tpu.memref_slice %arg6[%dma_start3A_48, %dma_start3A_49] : memref<10240x128xf32, #tpu.memory_space<vmem_shared>> -> memref<10240x128xf32, #tpu.memory_space<vmem_shared>>
    tpu.enqueue_indirect_dma source(%arg13 : memref<128x128xf32, #tpu.memory_space<vmem>>) target(%dma_start3A_50 : memref<10240x128xf32, #tpu.memory_space<vmem_shared>>) offsets(%arg10 : memref<128xi32, #tpu.memory_space<vmem>>) semaphore(%arg22 : memref<!tpu.dma_semaphore, #tpu.memory_space<semaphore_mem>>) {add = true}
    %add3A_51 = arith.constant 256 : i32
    %add3A_52 = arith.addi %mul3A_19, %add3A_51 : i32
    %dma_start3A_53 = tpu.memref_slice %arg2[%add3A_52] : memref<320000xi32, #tpu.memory_space<hbm>> -> memref<128xi32, #tpu.memory_space<hbm>>
    %dma_start3A_54 = tpu.memref_slice %arg2[%add3A_52] : memref<320000xi32, #tpu.memory_space<hbm>> -> memref<128xi32, #tpu.memory_space<hbm>>
    tpu.enqueue_dma source(%dma_start3A_54 : memref<128xi32, #tpu.memory_space<hbm>>) target(%arg9 : memref<128xi32, #tpu.memory_space<vmem>>) target_semaphore(%arg19 : memref<!tpu.dma_semaphore, #tpu.memory_space<semaphore_mem>>)
    %add3A_55 = arith.constant 256 : i32
    %add3A_56 = arith.addi %mul3A_19, %add3A_55 : i32
    %dma_start3A_57 = tpu.memref_slice %arg3[%add3A_56] : memref<320000xi32, #tpu.memory_space<hbm>> -> memref<128xi32, #tpu.memory_space<hbm>>
    %dma_start3A_58 = tpu.memref_slice %arg3[%add3A_56] : memref<320000xi32, #tpu.memory_space<hbm>> -> memref<128xi32, #tpu.memory_space<hbm>>
    tpu.enqueue_dma source(%dma_start3A_58 : memref<128xi32, #tpu.memory_space<hbm>>) target(%arg12 : memref<128xi32, #tpu.memory_space<vmem>>) target_semaphore(%arg19 : memref<!tpu.dma_semaphore, #tpu.memory_space<semaphore_mem>>)
    %dma_wait3A_59 = arith.constant 0 : i32
    %dma_wait3A_60 = tpu.memref_slice %arg2[%dma_wait3A_59] : memref<320000xi32, #tpu.memory_space<hbm>> -> memref<128xi32, #tpu.memory_space<hbm>>
    %dma_wait3A_61 = arith.constant 0 : i32
    %dma_wait3A_62 = tpu.memref_slice %arg2[%dma_wait3A_61] : memref<320000xi32, #tpu.memory_space<hbm>> -> memref<128xi32, #tpu.memory_space<hbm>>
    tpu.wait_dma2 semaphore(%arg18 : memref<!tpu.dma_semaphore, #tpu.memory_space<semaphore_mem>>) src(%dma_wait3A_62 : memref<128xi32, #tpu.memory_space<hbm>>) dst(%arg8 : memref<128xi32, #tpu.memory_space<vmem>>)
    %dma_wait3A_63 = arith.constant 0 : i32
    %dma_wait3A_64 = tpu.memref_slice %arg3[%dma_wait3A_63] : memref<320000xi32, #tpu.memory_space<hbm>> -> memref<128xi32, #tpu.memory_space<hbm>>
    %dma_wait3A_65 = arith.constant 0 : i32
    %dma_wait3A_66 = tpu.memref_slice %arg3[%dma_wait3A_65] : memref<320000xi32, #tpu.memory_space<hbm>> -> memref<128xi32, #tpu.memory_space<hbm>>
    tpu.wait_dma2 semaphore(%arg18 : memref<!tpu.dma_semaphore, #tpu.memory_space<semaphore_mem>>) src(%dma_wait3A_66 : memref<128xi32, #tpu.memory_space<hbm>>) dst(%arg11 : memref<128xi32, #tpu.memory_space<vmem>>)
    %dma_start3A_67 = arith.constant 0 : i32
    %dma_start3A_68 = arith.constant 0 : i32
    %dma_start3A_69 = tpu.memref_slice %arg4[%dma_start3A_67, %dma_start3A_68] : memref<10000x128xf32, #tpu.memory_space<hbm>> -> memref<10000x128xf32, #tpu.memory_space<hbm>>
    tpu.enqueue_indirect_dma source(%dma_start3A_69 : memref<10000x128xf32, #tpu.memory_space<hbm>>) target(%arg14 : memref<128x128xf32, #tpu.memory_space<vmem>>) offsets(%arg8 : memref<128xi32, #tpu.memory_space<vmem>>) semaphore(%arg21 : memref<!tpu.dma_semaphore, #tpu.memory_space<semaphore_mem>>)
    %dma_wait3A_70 = arith.constant 0 : i32
    %dma_wait3A_71 = arith.constant 0 : i32
    %dma_wait3A_72 = tpu.memref_slice %arg4[%dma_wait3A_70, %dma_wait3A_71] : memref<10000x128xf32, #tpu.memory_space<hbm>> -> memref<10000x128xf32, #tpu.memory_space<hbm>>
    tpu.wait_indirect_dma semaphore(%arg21 : memref<!tpu.dma_semaphore, #tpu.memory_space<semaphore_mem>>) src(%dma_wait3A_72 : memref<10000x128xf32, #tpu.memory_space<hbm>>) dst(%arg14 : memref<128x128xf32, #tpu.memory_space<vmem>>)
    %dma_start3A_73 = arith.constant 0 : i32
    %dma_start3A_74 = arith.constant 0 : i32
    %dma_start3A_75 = tpu.memref_slice %arg6[%dma_start3A_73, %dma_start3A_74] : memref<10240x128xf32, #tpu.memory_space<vmem_shared>> -> memref<10240x128xf32, #tpu.memory_space<vmem_shared>>
    tpu.enqueue_indirect_dma source(%arg14 : memref<128x128xf32, #tpu.memory_space<vmem>>) target(%dma_start3A_75 : memref<10240x128xf32, #tpu.memory_space<vmem_shared>>) offsets(%arg11 : memref<128xi32, #tpu.memory_space<vmem>>) semaphore(%arg23 : memref<!tpu.dma_semaphore, #tpu.memory_space<semaphore_mem>>) {add = true}
    %dma_wait3A_76 = arith.constant 0 : i32
    %dma_wait3A_77 = arith.constant 0 : i32
    %dma_wait3A_78 = tpu.memref_slice %arg4[%dma_wait3A_76, %dma_wait3A_77] : memref<10000x128xf32, #tpu.memory_space<hbm>> -> memref<128x128xf32, #tpu.memory_space<hbm>>
    %dma_wait3A_79 = arith.constant 0 : i32
    %dma_wait3A_80 = arith.constant 0 : i32
    %dma_wait3A_81 = tpu.memref_slice %arg4[%dma_wait3A_79, %dma_wait3A_80] : memref<10000x128xf32, #tpu.memory_space<hbm>> -> memref<128x128xf32, #tpu.memory_space<hbm>>
    tpu.wait_dma2 semaphore(%arg22 : memref<!tpu.dma_semaphore, #tpu.memory_space<semaphore_mem>>) src(%dma_wait3A_81 : memref<128x128xf32, #tpu.memory_space<hbm>>) dst(%arg13 : memref<128x128xf32, #tpu.memory_space<vmem>>)
    %add3A_82 = arith.constant 384 : i32
    %add3A_83 = arith.addi %mul3A_19, %add3A_82 : i32
    %dma_start3A_84 = tpu.memref_slice %arg2[%add3A_83] : memref<320000xi32, #tpu.memory_space<hbm>> -> memref<128xi32, #tpu.memory_space<hbm>>
    %dma_start3A_85 = tpu.memref_slice %arg2[%add3A_83] : memref<320000xi32, #tpu.memory_space<hbm>> -> memref<128xi32, #tpu.memory_space<hbm>>
    tpu.enqueue_dma source(%dma_start3A_85 : memref<128xi32, #tpu.memory_space<hbm>>) target(%arg7 : memref<128xi32, #tpu.memory_space<vmem>>) target_semaphore(%arg17 : memref<!tpu.dma_semaphore, #tpu.memory_space<semaphore_mem>>)
    %add3A_86 = arith.constant 384 : i32
    %add3A_87 = arith.addi %mul3A_19, %add3A_86 : i32
    %dma_start3A_88 = tpu.memref_slice %arg3[%add3A_87] : memref<320000xi32, #tpu.memory_space<hbm>> -> memref<128xi32, #tpu.memory_space<hbm>>
    %dma_start3A_89 = tpu.memref_slice %arg3[%add3A_87] : memref<320000xi32, #tpu.memory_space<hbm>> -> memref<128xi32, #tpu.memory_space<hbm>>
    tpu.enqueue_dma source(%dma_start3A_89 : memref<128xi32, #tpu.memory_space<hbm>>) target(%arg10 : memref<128xi32, #tpu.memory_space<vmem>>) target_semaphore(%arg17 : memref<!tpu.dma_semaphore, #tpu.memory_space<semaphore_mem>>)
    %dma_wait3A_90 = arith.constant 0 : i32
    %dma_wait3A_91 = tpu.memref_slice %arg2[%dma_wait3A_90] : memref<320000xi32, #tpu.memory_space<hbm>> -> memref<128xi32, #tpu.memory_space<hbm>>
    %dma_wait3A_92 = arith.constant 0 : i32
    %dma_wait3A_93 = tpu.memref_slice %arg2[%dma_wait3A_92] : memref<320000xi32, #tpu.memory_space<hbm>> -> memref<128xi32, #tpu.memory_space<hbm>>
    tpu.wait_dma2 semaphore(%arg19 : memref<!tpu.dma_semaphore, #tpu.memory_space<semaphore_mem>>) src(%dma_wait3A_93 : memref<128xi32, #tpu.memory_space<hbm>>) dst(%arg9 : memref<128xi32, #tpu.memory_space<vmem>>)
    %dma_wait3A_94 = arith.constant 0 : i32
    %dma_wait3A_95 = tpu.memref_slice %arg3[%dma_wait3A_94] : memref<320000xi32, #tpu.memory_space<hbm>> -> memref<128xi32, #tpu.memory_space<hbm>>
    %dma_wait3A_96 = arith.constant 0 : i32
    %dma_wait3A_97 = tpu.memref_slice %arg3[%dma_wait3A_96] : memref<320000xi32, #tpu.memory_space<hbm>> -> memref<128xi32, #tpu.memory_space<hbm>>
    tpu.wait_dma2 semaphore(%arg19 : memref<!tpu.dma_semaphore, #tpu.memory_space<semaphore_mem>>) src(%dma_wait3A_97 : memref<128xi32, #tpu.memory_space<hbm>>) dst(%arg12 : memref<128xi32, #tpu.memory_space<vmem>>)
    %dma_start3A_98 = arith.constant 0 : i32
    %dma_start3A_99 = arith.constant 0 : i32
    %dma_start3A_100 = tpu.memref_slice %arg4[%dma_start3A_98, %dma_start3A_99] : memref<10000x128xf32, #tpu.memory_space<hbm>> -> memref<10000x128xf32, #tpu.memory_space<hbm>>
    tpu.enqueue_indirect_dma source(%dma_start3A_100 : memref<10000x128xf32, #tpu.memory_space<hbm>>) target(%arg13 : memref<128x128xf32, #tpu.memory_space<vmem>>) offsets(%arg9 : memref<128xi32, #tpu.memory_space<vmem>>) semaphore(%arg20 : memref<!tpu.dma_semaphore, #tpu.memory_space<semaphore_mem>>)
    %dma_wait3A_101 = arith.constant 0 : i32
    %dma_wait3A_102 = arith.constant 0 : i32
    %dma_wait3A_103 = tpu.memref_slice %arg4[%dma_wait3A_101, %dma_wait3A_102] : memref<10000x128xf32, #tpu.memory_space<hbm>> -> memref<10000x128xf32, #tpu.memory_space<hbm>>
    tpu.wait_indirect_dma semaphore(%arg20 : memref<!tpu.dma_semaphore, #tpu.memory_space<semaphore_mem>>) src(%dma_wait3A_103 : memref<10000x128xf32, #tpu.memory_space<hbm>>) dst(%arg13 : memref<128x128xf32, #tpu.memory_space<vmem>>)
    %dma_start3A_104 = arith.constant 0 : i32
    %dma_start3A_105 = arith.constant 0 : i32
    %dma_start3A_106 = tpu.memref_slice %arg6[%dma_start3A_104, %dma_start3A_105] : memref<10240x128xf32, #tpu.memory_space<vmem_shared>> -> memref<10240x128xf32, #tpu.memory_space<vmem_shared>>
    tpu.enqueue_indirect_dma source(%arg13 : memref<128x128xf32, #tpu.memory_space<vmem>>) target(%dma_start3A_106 : memref<10240x128xf32, #tpu.memory_space<vmem_shared>>) offsets(%arg12 : memref<128xi32, #tpu.memory_space<vmem>>) semaphore(%arg22 : memref<!tpu.dma_semaphore, #tpu.memory_space<semaphore_mem>>) {add = true}
    %dma_wait3A_107 = arith.constant 0 : i32
    %dma_wait3A_108 = arith.constant 0 : i32
    %dma_wait3A_109 = tpu.memref_slice %arg4[%dma_wait3A_107, %dma_wait3A_108] : memref<10000x128xf32, #tpu.memory_space<hbm>> -> memref<128x128xf32, #tpu.memory_space<hbm>>
    %dma_wait3A_110 = arith.constant 0 : i32
    %dma_wait3A_111 = arith.constant 0 : i32
    %dma_wait3A_112 = tpu.memref_slice %arg4[%dma_wait3A_110, %dma_wait3A_111] : memref<10000x128xf32, #tpu.memory_space<hbm>> -> memref<128x128xf32, #tpu.memory_space<hbm>>
    tpu.wait_dma2 semaphore(%arg23 : memref<!tpu.dma_semaphore, #tpu.memory_space<semaphore_mem>>) src(%dma_wait3A_112 : memref<128x128xf32, #tpu.memory_space<hbm>>) dst(%arg14 : memref<128x128xf32, #tpu.memory_space<vmem>>)
    %add3A_113 = arith.constant 512 : i32
    %add3A_114 = arith.addi %mul3A_19, %add3A_113 : i32
    %dma_start3A_115 = tpu.memref_slice %arg2[%add3A_114] : memref<320000xi32, #tpu.memory_space<hbm>> -> memref<128xi32, #tpu.memory_space<hbm>>
    %dma_start3A_116 = tpu.memref_slice %arg2[%add3A_114] : memref<320000xi32, #tpu.memory_space<hbm>> -> memref<128xi32, #tpu.memory_space<hbm>>
    tpu.enqueue_dma source(%dma_start3A_116 : memref<128xi32, #tpu.memory_space<hbm>>) target(%arg8 : memref<128xi32, #tpu.memory_space<vmem>>) target_semaphore(%arg18 : memref<!tpu.dma_semaphore, #tpu.memory_space<semaphore_mem>>)
    %add3A_117 = arith.constant 512 : i32
    %add3A_118 = arith.addi %mul3A_19, %add3A_117 : i32
    %dma_start3A_119 = tpu.memref_slice %arg3[%add3A_118] : memref<320000xi32, #tpu.memory_space<hbm>> -> memref<128xi32, #tpu.memory_space<hbm>>
    %dma_start3A_120 = tpu.memref_slice %arg3[%add3A_118] : memref<320000xi32, #tpu.memory_space<hbm>> -> memref<128xi32, #tpu.memory_space<hbm>>
    tpu.enqueue_dma source(%dma_start3A_120 : memref<128xi32, #tpu.memory_space<hbm>>) target(%arg11 : memref<128xi32, #tpu.memory_space<vmem>>) target_semaphore(%arg18 : memref<!tpu.dma_semaphore, #tpu.memory_space<semaphore_mem>>)
    %dma_wait3A_121 = arith.constant 0 : i32
    %dma_wait3A_122 = tpu.memref_slice %arg2[%dma_wait3A_121] : memref<320000xi32, #tpu.memory_space<hbm>> -> memref<128xi32, #tpu.memory_space<hbm>>
    %dma_wait3A_123 = arith.constant 0 : i32
    %dma_wait3A_124 = tpu.memref_slice %arg2[%dma_wait3A_123] : memref<320000xi32, #tpu.memory_space<hbm>> -> memref<128xi32, #tpu.memory_space<hbm>>
    tpu.wait_dma2 semaphore(%arg17 : memref<!tpu.dma_semaphore, #tpu.memory_space<semaphore_mem>>) src(%dma_wait3A_124 : memref<128xi32, #tpu.memory_space<hbm>>) dst(%arg7 : memref<128xi32, #tpu.memory_space<vmem>>)
    %dma_wait3A_125 = arith.constant 0 : i32
    %dma_wait3A_126 = tpu.memref_slice %arg3[%dma_wait3A_125] : memref<320000xi32, #tpu.memory_space<hbm>> -> memref<128xi32, #tpu.memory_space<hbm>>
    %dma_wait3A_127 = arith.constant 0 : i32
    %dma_wait3A_128 = tpu.memref_slice %arg3[%dma_wait3A_127] : memref<320000xi32, #tpu.memory_space<hbm>> -> memref<128xi32, #tpu.memory_space<hbm>>
    tpu.wait_dma2 semaphore(%arg17 : memref<!tpu.dma_semaphore, #tpu.memory_space<semaphore_mem>>) src(%dma_wait3A_128 : memref<128xi32, #tpu.memory_space<hbm>>) dst(%arg10 : memref<128xi32, #tpu.memory_space<vmem>>)
    %dma_start3A_129 = arith.constant 0 : i32
    %dma_start3A_130 = arith.constant 0 : i32
    %dma_start3A_131 = tpu.memref_slice %arg4[%dma_start3A_129, %dma_start3A_130] : memref<10000x128xf32, #tpu.memory_space<hbm>> -> memref<10000x128xf32, #tpu.memory_space<hbm>>
    tpu.enqueue_indirect_dma source(%dma_start3A_131 : memref<10000x128xf32, #tpu.memory_space<hbm>>) target(%arg14 : memref<128x128xf32, #tpu.memory_space<vmem>>) offsets(%arg7 : memref<128xi32, #tpu.memory_space<vmem>>) semaphore(%arg21 : memref<!tpu.dma_semaphore, #tpu.memory_space<semaphore_mem>>)
    %dma_wait3A_132 = arith.constant 0 : i32
    %dma_wait3A_133 = arith.constant 0 : i32
    %dma_wait3A_134 = tpu.memref_slice %arg4[%dma_wait3A_132, %dma_wait3A_133] : memref<10000x128xf32, #tpu.memory_space<hbm>> -> memref<10000x128xf32, #tpu.memory_space<hbm>>
    tpu.wait_indirect_dma semaphore(%arg21 : memref<!tpu.dma_semaphore, #tpu.memory_space<semaphore_mem>>) src(%dma_wait3A_134 : memref<10000x128xf32, #tpu.memory_space<hbm>>) dst(%arg14 : memref<128x128xf32, #tpu.memory_space<vmem>>)
    %dma_start3A_135 = arith.constant 0 : i32
    %dma_start3A_136 = arith.constant 0 : i32
    %dma_start3A_137 = tpu.memref_slice %arg6[%dma_start3A_135, %dma_start3A_136] : memref<10240x128xf32, #tpu.memory_space<vmem_shared>> -> memref<10240x128xf32, #tpu.memory_space<vmem_shared>>
    tpu.enqueue_indirect_dma source(%arg14 : memref<128x128xf32, #tpu.memory_space<vmem>>) target(%dma_start3A_137 : memref<10240x128xf32, #tpu.memory_space<vmem_shared>>) offsets(%arg10 : memref<128xi32, #tpu.memory_space<vmem>>) semaphore(%arg23 : memref<!tpu.dma_semaphore, #tpu.memory_space<semaphore_mem>>) {add = true}
    %dma_wait3A_138 = arith.constant 0 : i32
    %dma_wait3A_139 = arith.constant 0 : i32
    %dma_wait3A_140 = tpu.memref_slice %arg4[%dma_wait3A_138, %dma_wait3A_139] : memref<10000x128xf32, #tpu.memory_space<hbm>> -> memref<128x128xf32, #tpu.memory_space<hbm>>
    %dma_wait3A_141 = arith.constant 0 : i32
    %dma_wait3A_142 = arith.constant 0 : i32
    %dma_wait3A_143 = tpu.memref_slice %arg4[%dma_wait3A_141, %dma_wait3A_142] : memref<10000x128xf32, #tpu.memory_space<hbm>> -> memref<128x128xf32, #tpu.memory_space<hbm>>
    tpu.wait_dma2 semaphore(%arg22 : memref<!tpu.dma_semaphore, #tpu.memory_space<semaphore_mem>>) src(%dma_wait3A_143 : memref<128x128xf32, #tpu.memory_space<hbm>>) dst(%arg13 : memref<128x128xf32, #tpu.memory_space<vmem>>)
    %add3A_144 = arith.constant 640 : i32
    %add3A_145 = arith.addi %mul3A_19, %add3A_144 : i32
    %dma_start3A_146 = tpu.memref_slice %arg2[%add3A_145] : memref<320000xi32, #tpu.memory_space<hbm>> -> memref<128xi32, #tpu.memory_space<hbm>>
    %dma_start3A_147 = tpu.memref_slice %arg2[%add3A_145] : memref<320000xi32, #tpu.memory_space<hbm>> -> memref<128xi32, #tpu.memory_space<hbm>>
    tpu.enqueue_dma source(%dma_start3A_147 : memref<128xi32, #tpu.memory_space<hbm>>) target(%arg9 : memref<128xi32, #tpu.memory_space<vmem>>) target_semaphore(%arg19 : memref<!tpu.dma_semaphore, #tpu.memory_space<semaphore_mem>>)
    %add3A_148 = arith.constant 640 : i32
    %add3A_149 = arith.addi %mul3A_19, %add3A_148 : i32
    %dma_start3A_150 = tpu.memref_slice %arg3[%add3A_149] : memref<320000xi32, #tpu.memory_space<hbm>> -> memref<128xi32, #tpu.memory_space<hbm>>
    %dma_start3A_151 = tpu.memref_slice %arg3[%add3A_149] : memref<320000xi32, #tpu.memory_space<hbm>> -> memref<128xi32, #tpu.memory_space<hbm>>
    tpu.enqueue_dma source(%dma_start3A_151 : memref<128xi32, #tpu.memory_space<hbm>>) target(%arg12 : memref<128xi32, #tpu.memory_space<vmem>>) target_semaphore(%arg19 : memref<!tpu.dma_semaphore, #tpu.memory_space<semaphore_mem>>)
    %dma_wait3A_152 = arith.constant 0 : i32
    %dma_wait3A_153 = tpu.memref_slice %arg2[%dma_wait3A_152] : memref<320000xi32, #tpu.memory_space<hbm>> -> memref<128xi32, #tpu.memory_space<hbm>>
    %dma_wait3A_154 = arith.constant 0 : i32
    %dma_wait3A_155 = tpu.memref_slice %arg2[%dma_wait3A_154] : memref<320000xi32, #tpu.memory_space<hbm>> -> memref<128xi32, #tpu.memory_space<hbm>>
    tpu.wait_dma2 semaphore(%arg18 : memref<!tpu.dma_semaphore, #tpu.memory_space<semaphore_mem>>) src(%dma_wait3A_155 : memref<128xi32, #tpu.memory_space<hbm>>) dst(%arg8 : memref<128xi32, #tpu.memory_space<vmem>>)
    %dma_wait3A_156 = arith.constant 0 : i32
    %dma_wait3A_157 = tpu.memref_slice %arg3[%dma_wait3A_156] : memref<320000xi32, #tpu.memory_space<hbm>> -> memref<128xi32, #tpu.memory_space<hbm>>
    %dma_wait3A_158 = arith.constant 0 : i32
    %dma_wait3A_159 = tpu.memref_slice %arg3[%dma_wait3A_158] : memref<320000xi32, #tpu.memory_space<hbm>> -> memref<128xi32, #tpu.memory_space<hbm>>
    tpu.wait_dma2 semaphore(%arg18 : memref<!tpu.dma_semaphore, #tpu.memory_space<semaphore_mem>>) src(%dma_wait3A_159 : memref<128xi32, #tpu.memory_space<hbm>>) dst(%arg11 : memref<128xi32, #tpu.memory_space<vmem>>)
    %dma_start3A_160 = arith.constant 0 : i32
    %dma_start3A_161 = arith.constant 0 : i32
    %dma_start3A_162 = tpu.memref_slice %arg4[%dma_start3A_160, %dma_start3A_161] : memref<10000x128xf32, #tpu.memory_space<hbm>> -> memref<10000x128xf32, #tpu.memory_space<hbm>>
    tpu.enqueue_indirect_dma source(%dma_start3A_162 : memref<10000x128xf32, #tpu.memory_space<hbm>>) target(%arg13 : memref<128x128xf32, #tpu.memory_space<vmem>>) offsets(%arg8 : memref<128xi32, #tpu.memory_space<vmem>>) semaphore(%arg20 : memref<!tpu.dma_semaphore, #tpu.memory_space<semaphore_mem>>)
    %dma_wait3A_163 = arith.constant 0 : i32
    %dma_wait3A_164 = arith.constant 0 : i32
    %dma_wait3A_165 = tpu.memref_slice %arg4[%dma_wait3A_163, %dma_wait3A_164] : memref<10000x128xf32, #tpu.memory_space<hbm>> -> memref<10000x128xf32, #tpu.memory_space<hbm>>
    tpu.wait_indirect_dma semaphore(%arg20 : memref<!tpu.dma_semaphore, #tpu.memory_space<semaphore_mem>>) src(%dma_wait3A_165 : memref<10000x128xf32, #tpu.memory_space<hbm>>) dst(%arg13 : memref<128x128xf32, #tpu.memory_space<vmem>>)
    %dma_start3A_166 = arith.constant 0 : i32
    %dma_start3A_167 = arith.constant 0 : i32
    %dma_start3A_168 = tpu.memref_slice %arg6[%dma_start3A_166, %dma_start3A_167] : memref<10240x128xf32, #tpu.memory_space<vmem_shared>> -> memref<10240x128xf32, #tpu.memory_space<vmem_shared>>
    tpu.enqueue_indirect_dma source(%arg13 : memref<128x128xf32, #tpu.memory_space<vmem>>) target(%dma_start3A_168 : memref<10240x128xf32, #tpu.memory_space<vmem_shared>>) offsets(%arg11 : memref<128xi32, #tpu.memory_space<vmem>>) semaphore(%arg22 : memref<!tpu.dma_semaphore, #tpu.memory_space<semaphore_mem>>) {add = true}
    %dma_wait3A_169 = arith.constant 0 : i32
    %dma_wait3A_170 = arith.constant 0 : i32
    %dma_wait3A_171 = tpu.memref_slice %arg4[%dma_wait3A_169, %dma_wait3A_170] : memref<10000x128xf32, #tpu.memory_space<hbm>> -> memref<128x128xf32, #tpu.memory_space<hbm>>
    %dma_wait3A_172 = arith.constant 0 : i32
    %dma_wait3A_173 = arith.constant 0 : i32
    %dma_wait3A_174 = tpu.memref_slice %arg4[%dma_wait3A_172, %dma_wait3A_173] : memref<10000x128xf32, #tpu.memory_space<hbm>> -> memref<128x128xf32, #tpu.memory_space<hbm>>
    tpu.wait_dma2 semaphore(%arg23 : memref<!tpu.dma_semaphore, #tpu.memory_space<semaphore_mem>>) src(%dma_wait3A_174 : memref<128x128xf32, #tpu.memory_space<hbm>>) dst(%arg14 : memref<128x128xf32, #tpu.memory_space<vmem>>)
    %add3A_175 = arith.constant 768 : i32
    %add3A_176 = arith.addi %mul3A_19, %add3A_175 : i32
    %dma_start3A_177 = tpu.memref_slice %arg2[%add3A_176] : memref<320000xi32, #tpu.memory_space<hbm>> -> memref<128xi32, #tpu.memory_space<hbm>>
    %dma_start3A_178 = tpu.memref_slice %arg2[%add3A_176] : memref<320000xi32, #tpu.memory_space<hbm>> -> memref<128xi32, #tpu.memory_space<hbm>>
    tpu.enqueue_dma source(%dma_start3A_178 : memref<128xi32, #tpu.memory_space<hbm>>) target(%arg7 : memref<128xi32, #tpu.memory_space<vmem>>) target_semaphore(%arg17 : memref<!tpu.dma_semaphore, #tpu.memory_space<semaphore_mem>>)
    %add3A_179 = arith.constant 768 : i32
    %add3A_180 = arith.addi %mul3A_19, %add3A_179 : i32
    %dma_start3A_181 = tpu.memref_slice %arg3[%add3A_180] : memref<320000xi32, #tpu.memory_space<hbm>> -> memref<128xi32, #tpu.memory_space<hbm>>
    %dma_start3A_182 = tpu.memref_slice %arg3[%add3A_180] : memref<320000xi32, #tpu.memory_space<hbm>> -> memref<128xi32, #tpu.memory_space<hbm>>
    tpu.enqueue_dma source(%dma_start3A_182 : memref<128xi32, #tpu.memory_space<hbm>>) target(%arg10 : memref<128xi32, #tpu.memory_space<vmem>>) target_semaphore(%arg17 : memref<!tpu.dma_semaphore, #tpu.memory_space<semaphore_mem>>)
    %dma_wait3A_183 = arith.constant 0 : i32
    %dma_wait3A_184 = tpu.memref_slice %arg2[%dma_wait3A_183] : memref<320000xi32, #tpu.memory_space<hbm>> -> memref<128xi32, #tpu.memory_space<hbm>>
    %dma_wait3A_185 = arith.constant 0 : i32
    %dma_wait3A_186 = tpu.memref_slice %arg2[%dma_wait3A_185] : memref<320000xi32, #tpu.memory_space<hbm>> -> memref<128xi32, #tpu.memory_space<hbm>>
    tpu.wait_dma2 semaphore(%arg19 : memref<!tpu.dma_semaphore, #tpu.memory_space<semaphore_mem>>) src(%dma_wait3A_186 : memref<128xi32, #tpu.memory_space<hbm>>) dst(%arg9 : memref<128xi32, #tpu.memory_space<vmem>>)
    %dma_wait3A_187 = arith.constant 0 : i32
    %dma_wait3A_188 = tpu.memref_slice %arg3[%dma_wait3A_187] : memref<320000xi32, #tpu.memory_space<hbm>> -> memref<128xi32, #tpu.memory_space<hbm>>
    %dma_wait3A_189 = arith.constant 0 : i32
    %dma_wait3A_190 = tpu.memref_slice %arg3[%dma_wait3A_189] : memref<320000xi32, #tpu.memory_space<hbm>> -> memref<128xi32, #tpu.memory_space<hbm>>
    tpu.wait_dma2 semaphore(%arg19 : memref<!tpu.dma_semaphore, #tpu.memory_space<semaphore_mem>>) src(%dma_wait3A_190 : memref<128xi32, #tpu.memory_space<hbm>>) dst(%arg12 : memref<128xi32, #tpu.memory_space<vmem>>)
    %dma_start3A_191 = arith.constant 0 : i32
    %dma_start3A_192 = arith.constant 0 : i32
    %dma_start3A_193 = tpu.memref_slice %arg4[%dma_start3A_191, %dma_start3A_192] : memref<10000x128xf32, #tpu.memory_space<hbm>> -> memref<10000x128xf32, #tpu.memory_space<hbm>>
    tpu.enqueue_indirect_dma source(%dma_start3A_193 : memref<10000x128xf32, #tpu.memory_space<hbm>>) target(%arg14 : memref<128x128xf32, #tpu.memory_space<vmem>>) offsets(%arg9 : memref<128xi32, #tpu.memory_space<vmem>>) semaphore(%arg21 : memref<!tpu.dma_semaphore, #tpu.memory_space<semaphore_mem>>)
    %dma_wait3A_194 = arith.constant 0 : i32
    %dma_wait3A_195 = arith.constant 0 : i32
    %dma_wait3A_196 = tpu.memref_slice %arg4[%dma_wait3A_194, %dma_wait3A_195] : memref<10000x128xf32, #tpu.memory_space<hbm>> -> memref<10000x128xf32, #tpu.memory_space<hbm>>
    tpu.wait_indirect_dma semaphore(%arg21 : memref<!tpu.dma_semaphore, #tpu.memory_space<semaphore_mem>>) src(%dma_wait3A_196 : memref<10000x128xf32, #tpu.memory_space<hbm>>) dst(%arg14 : memref<128x128xf32, #tpu.memory_space<vmem>>)
    %dma_start3A_197 = arith.constant 0 : i32
    %dma_start3A_198 = arith.constant 0 : i32
    %dma_start3A_199 = tpu.memref_slice %arg6[%dma_start3A_197, %dma_start3A_198] : memref<10240x128xf32, #tpu.memory_space<vmem_shared>> -> memref<10240x128xf32, #tpu.memory_space<vmem_shared>>
    tpu.enqueue_indirect_dma source(%arg14 : memref<128x128xf32, #tpu.memory_space<vmem>>) target(%dma_start3A_199 : memref<10240x128xf32, #tpu.memory_space<vmem_shared>>) offsets(%arg12 : memref<128xi32, #tpu.memory_space<vmem>>) semaphore(%arg23 : memref<!tpu.dma_semaphore, #tpu.memory_space<semaphore_mem>>) {add = true}
    %scan3A_200 = arith.constant 0 : i32
    %scan3A_201 = arith.constant 12 : i32
    %scan3A_202 = arith.addi %scan3A_200, %scan3A_201 : i32
    %scan3A_203 = arith.constant 1 : i32
    scf.for %scan3A_232 = %scan3A_200 to %scan3A_202 step %scan3A_203  : i32 {
      %mul3A_233 = arith.constant 1 : i32
      %mul3A_234 = arith.muli %scan3A_232, %mul3A_233 : i32
      %add3A_235 = arith.constant 1 : i32
      %add3A_236 = arith.addi %add3A_235, %mul3A_234 : i32
      %mul3A_237 = arith.constant 6 : i32
      %mul3A_238 = arith.muli %add3A_236, %mul3A_237 : i32
      %add3A_239 = arith.constant 0 : i32
      %add3A_240 = arith.addi %mul3A_238, %add3A_239 : i32
      %add3A_241 = arith.constant 1 : i32
      %add3A_242 = arith.addi %add3A_240, %add3A_241 : i32
      %lt3A = arith.constant 78 : i32
      %lt3A_243 = arith.cmpi slt, %add3A_242, %lt3A : i32
      %dma_wait3A_244 = arith.constant 0 : i32
      %dma_wait3A_245 = arith.constant 0 : i32
      %dma_wait3A_246 = tpu.memref_slice %arg4[%dma_wait3A_244, %dma_wait3A_245] : memref<10000x128xf32, #tpu.memory_space<hbm>> -> memref<128x128xf32, #tpu.memory_space<hbm>>
      %dma_wait3A_247 = arith.constant 0 : i32
      %dma_wait3A_248 = arith.constant 0 : i32
      %dma_wait3A_249 = tpu.memref_slice %arg4[%dma_wait3A_247, %dma_wait3A_248] : memref<10000x128xf32, #tpu.memory_space<hbm>> -> memref<128x128xf32, #tpu.memory_space<hbm>>
      tpu.wait_dma2 semaphore(%arg22 : memref<!tpu.dma_semaphore, #tpu.memory_space<semaphore_mem>>) src(%dma_wait3A_249 : memref<128x128xf32, #tpu.memory_space<hbm>>) dst(%arg13 : memref<128x128xf32, #tpu.memory_space<vmem>>)
      %convert_element_type3A = arith.extui %lt3A_243 : i1 to i32
      %cond3A = arith.constant 0 : i32
      %cond3A_250 = arith.cmpi ne, %convert_element_type3A, %cond3A : i32
      scf.if %cond3A_250 {
        %add3A_428 = arith.constant 1 : i32
        %add3A_429 = arith.addi %add3A_240, %add3A_428 : i32
        %mul3A_430 = arith.constant 128 : i32
        %mul3A_431 = arith.muli %add3A_429, %mul3A_430 : i32
        %add3A_432 = arith.addi %mul3A_19, %mul3A_431 : i32
        %dma_start3A_433 = tpu.memref_slice %arg2[%add3A_432] : memref<320000xi32, #tpu.memory_space<hbm>> -> memref<128xi32, #tpu.memory_space<hbm>>
        %dma_start3A_434 = tpu.memref_slice %arg2[%add3A_432] : memref<320000xi32, #tpu.memory_space<hbm>> -> memref<128xi32, #tpu.memory_space<hbm>>
        tpu.enqueue_dma source(%dma_start3A_434 : memref<128xi32, #tpu.memory_space<hbm>>) target(%arg8 : memref<128xi32, #tpu.memory_space<vmem>>) target_semaphore(%arg18 : memref<!tpu.dma_semaphore, #tpu.memory_space<semaphore_mem>>)
        %mul3A_435 = arith.constant 128 : i32
        %mul3A_436 = arith.muli %add3A_429, %mul3A_435 : i32
        %add3A_437 = arith.addi %mul3A_19, %mul3A_436 : i32
        %dma_start3A_438 = tpu.memref_slice %arg3[%add3A_437] : memref<320000xi32, #tpu.memory_space<hbm>> -> memref<128xi32, #tpu.memory_space<hbm>>
        %dma_start3A_439 = tpu.memref_slice %arg3[%add3A_437] : memref<320000xi32, #tpu.memory_space<hbm>> -> memref<128xi32, #tpu.memory_space<hbm>>
        tpu.enqueue_dma source(%dma_start3A_439 : memref<128xi32, #tpu.memory_space<hbm>>) target(%arg11 : memref<128xi32, #tpu.memory_space<vmem>>) target_semaphore(%arg18 : memref<!tpu.dma_semaphore, #tpu.memory_space<semaphore_mem>>)
      } else {
      }
      %dma_wait3A_251 = arith.constant 0 : i32
      %dma_wait3A_252 = tpu.memref_slice %arg2[%dma_wait3A_251] : memref<320000xi32, #tpu.memory_space<hbm>> -> memref<128xi32, #tpu.memory_space<hbm>>
      %dma_wait3A_253 = arith.constant 0 : i32
      %dma_wait3A_254 = tpu.memref_slice %arg2[%dma_wait3A_253] : memref<320000xi32, #tpu.memory_space<hbm>> -> memref<128xi32, #tpu.memory_space<hbm>>
      tpu.wait_dma2 semaphore(%arg17 : memref<!tpu.dma_semaphore, #tpu.memory_space<semaphore_mem>>) src(%dma_wait3A_254 : memref<128xi32, #tpu.memory_space<hbm>>) dst(%arg7 : memref<128xi32, #tpu.memory_space<vmem>>)
      %dma_wait3A_255 = arith.constant 0 : i32
      %dma_wait3A_256 = tpu.memref_slice %arg3[%dma_wait3A_255] : memref<320000xi32, #tpu.memory_space<hbm>> -> memref<128xi32, #tpu.memory_space<hbm>>
      %dma_wait3A_257 = arith.constant 0 : i32
      %dma_wait3A_258 = tpu.memref_slice %arg3[%dma_wait3A_257] : memref<320000xi32, #tpu.memory_space<hbm>> -> memref<128xi32, #tpu.memory_space<hbm>>
      tpu.wait_dma2 semaphore(%arg17 : memref<!tpu.dma_semaphore, #tpu.memory_space<semaphore_mem>>) src(%dma_wait3A_258 : memref<128xi32, #tpu.memory_space<hbm>>) dst(%arg10 : memref<128xi32, #tpu.memory_space<vmem>>)
      %dma_start3A_259 = arith.constant 0 : i32
      %dma_start3A_260 = arith.constant 0 : i32
      %dma_start3A_261 = tpu.memref_slice %arg4[%dma_start3A_259, %dma_start3A_260] : memref<10000x128xf32, #tpu.memory_space<hbm>> -> memref<10000x128xf32, #tpu.memory_space<hbm>>
      tpu.enqueue_indirect_dma source(%dma_start3A_261 : memref<10000x128xf32, #tpu.memory_space<hbm>>) target(%arg13 : memref<128x128xf32, #tpu.memory_space<vmem>>) offsets(%arg7 : memref<128xi32, #tpu.memory_space<vmem>>) semaphore(%arg20 : memref<!tpu.dma_semaphore, #tpu.memory_space<semaphore_mem>>)
      %dma_wait3A_262 = arith.constant 0 : i32
      %dma_wait3A_263 = arith.constant 0 : i32
      %dma_wait3A_264 = tpu.memref_slice %arg4[%dma_wait3A_262, %dma_wait3A_263] : memref<10000x128xf32, #tpu.memory_space<hbm>> -> memref<10000x128xf32, #tpu.memory_space<hbm>>
      tpu.wait_indirect_dma semaphore(%arg20 : memref<!tpu.dma_semaphore, #tpu.memory_space<semaphore_mem>>) src(%dma_wait3A_264 : memref<10000x128xf32, #tpu.memory_space<hbm>>) dst(%arg13 : memref<128x128xf32, #tpu.memory_space<vmem>>)
      %dma_start3A_265 = arith.constant 0 : i32
      %dma_start3A_266 = arith.constant 0 : i32
      %dma_start3A_267 = tpu.memref_slice %arg6[%dma_start3A_265, %dma_start3A_266] : memref<10240x128xf32, #tpu.memory_space<vmem_shared>> -> memref<10240x128xf32, #tpu.memory_space<vmem_shared>>
      tpu.enqueue_indirect_dma source(%arg13 : memref<128x128xf32, #tpu.memory_space<vmem>>) target(%dma_start3A_267 : memref<10240x128xf32, #tpu.memory_space<vmem_shared>>) offsets(%arg10 : memref<128xi32, #tpu.memory_space<vmem>>) semaphore(%arg22 : memref<!tpu.dma_semaphore, #tpu.memory_space<semaphore_mem>>) {add = true}
      %add3A_268 = arith.constant 1 : i32
      %add3A_269 = arith.addi %mul3A_238, %add3A_268 : i32
      %add3A_270 = arith.constant 1 : i32
      %add3A_271 = arith.addi %add3A_269, %add3A_270 : i32
      %lt3A_272 = arith.constant 78 : i32
      %lt3A_273 = arith.cmpi slt, %add3A_271, %lt3A_272 : i32
      %dma_wait3A_274 = arith.constant 0 : i32
      %dma_wait3A_275 = arith.constant 0 : i32
      %dma_wait3A_276 = tpu.memref_slice %arg4[%dma_wait3A_274, %dma_wait3A_275] : memref<10000x128xf32, #tpu.memory_space<hbm>> -> memref<128x128xf32, #tpu.memory_space<hbm>>
      %dma_wait3A_277 = arith.constant 0 : i32
      %dma_wait3A_278 = arith.constant 0 : i32
      %dma_wait3A_279 = tpu.memref_slice %arg4[%dma_wait3A_277, %dma_wait3A_278] : memref<10000x128xf32, #tpu.memory_space<hbm>> -> memref<128x128xf32, #tpu.memory_space<hbm>>
      tpu.wait_dma2 semaphore(%arg23 : memref<!tpu.dma_semaphore, #tpu.memory_space<semaphore_mem>>) src(%dma_wait3A_279 : memref<128x128xf32, #tpu.memory_space<hbm>>) dst(%arg14 : memref<128x128xf32, #tpu.memory_space<vmem>>)
      %convert_element_type3A_280 = arith.extui %lt3A_273 : i1 to i32
      %cond3A_281 = arith.constant 0 : i32
      %cond3A_282 = arith.cmpi ne, %convert_element_type3A_280, %cond3A_281 : i32
      scf.if %cond3A_282 {
        %add3A_428 = arith.constant 1 : i32
        %add3A_429 = arith.addi %add3A_269, %add3A_428 : i32
        %mul3A_430 = arith.constant 128 : i32
        %mul3A_431 = arith.muli %add3A_429, %mul3A_430 : i32
        %add3A_432 = arith.addi %mul3A_19, %mul3A_431 : i32
        %dma_start3A_433 = tpu.memref_slice %arg2[%add3A_432] : memref<320000xi32, #tpu.memory_space<hbm>> -> memref<128xi32, #tpu.memory_space<hbm>>
        %dma_start3A_434 = tpu.memref_slice %arg2[%add3A_432] : memref<320000xi32, #tpu.memory_space<hbm>> -> memref<128xi32, #tpu.memory_space<hbm>>
        tpu.enqueue_dma source(%dma_start3A_434 : memref<128xi32, #tpu.memory_space<hbm>>) target(%arg9 : memref<128xi32, #tpu.memory_space<vmem>>) target_semaphore(%arg19 : memref<!tpu.dma_semaphore, #tpu.memory_space<semaphore_mem>>)
        %mul3A_435 = arith.constant 128 : i32
        %mul3A_436 = arith.muli %add3A_429, %mul3A_435 : i32
        %add3A_437 = arith.addi %mul3A_19, %mul3A_436 : i32
        %dma_start3A_438 = tpu.memref_slice %arg3[%add3A_437] : memref<320000xi32, #tpu.memory_space<hbm>> -> memref<128xi32, #tpu.memory_space<hbm>>
        %dma_start3A_439 = tpu.memref_slice %arg3[%add3A_437] : memref<320000xi32, #tpu.memory_space<hbm>> -> memref<128xi32, #tpu.memory_space<hbm>>
        tpu.enqueue_dma source(%dma_start3A_439 : memref<128xi32, #tpu.memory_space<hbm>>) target(%arg12 : memref<128xi32, #tpu.memory_space<vmem>>) target_semaphore(%arg19 : memref<!tpu.dma_semaphore, #tpu.memory_space<semaphore_mem>>)
      } else {
      }
      %dma_wait3A_283 = arith.constant 0 : i32
      %dma_wait3A_284 = tpu.memref_slice %arg2[%dma_wait3A_283] : memref<320000xi32, #tpu.memory_space<hbm>> -> memref<128xi32, #tpu.memory_space<hbm>>
      %dma_wait3A_285 = arith.constant 0 : i32
      %dma_wait3A_286 = tpu.memref_slice %arg2[%dma_wait3A_285] : memref<320000xi32, #tpu.memory_space<hbm>> -> memref<128xi32, #tpu.memory_space<hbm>>
      tpu.wait_dma2 semaphore(%arg18 : memref<!tpu.dma_semaphore, #tpu.memory_space<semaphore_mem>>) src(%dma_wait3A_286 : memref<128xi32, #tpu.memory_space<hbm>>) dst(%arg8 : memref<128xi32, #tpu.memory_space<vmem>>)
      %dma_wait3A_287 = arith.constant 0 : i32
      %dma_wait3A_288 = tpu.memref_slice %arg3[%dma_wait3A_287] : memref<320000xi32, #tpu.memory_space<hbm>> -> memref<128xi32, #tpu.memory_space<hbm>>
      %dma_wait3A_289 = arith.constant 0 : i32
      %dma_wait3A_290 = tpu.memref_slice %arg3[%dma_wait3A_289] : memref<320000xi32, #tpu.memory_space<hbm>> -> memref<128xi32, #tpu.memory_space<hbm>>
      tpu.wait_dma2 semaphore(%arg18 : memref<!tpu.dma_semaphore, #tpu.memory_space<semaphore_mem>>) src(%dma_wait3A_290 : memref<128xi32, #tpu.memory_space<hbm>>) dst(%arg11 : memref<128xi32, #tpu.memory_space<vmem>>)
      %dma_start3A_291 = arith.constant 0 : i32
      %dma_start3A_292 = arith.constant 0 : i32
      %dma_start3A_293 = tpu.memref_slice %arg4[%dma_start3A_291, %dma_start3A_292] : memref<10000x128xf32, #tpu.memory_space<hbm>> -> memref<10000x128xf32, #tpu.memory_space<hbm>>
      tpu.enqueue_indirect_dma source(%dma_start3A_293 : memref<10000x128xf32, #tpu.memory_space<hbm>>) target(%arg14 : memref<128x128xf32, #tpu.memory_space<vmem>>) offsets(%arg8 : memref<128xi32, #tpu.memory_space<vmem>>) semaphore(%arg21 : memref<!tpu.dma_semaphore, #tpu.memory_space<semaphore_mem>>)
      %dma_wait3A_294 = arith.constant 0 : i32
      %dma_wait3A_295 = arith.constant 0 : i32
      %dma_wait3A_296 = tpu.memref_slice %arg4[%dma_wait3A_294, %dma_wait3A_295] : memref<10000x128xf32, #tpu.memory_space<hbm>> -> memref<10000x128xf32, #tpu.memory_space<hbm>>
      tpu.wait_indirect_dma semaphore(%arg21 : memref<!tpu.dma_semaphore, #tpu.memory_space<semaphore_mem>>) src(%dma_wait3A_296 : memref<10000x128xf32, #tpu.memory_space<hbm>>) dst(%arg14 : memref<128x128xf32, #tpu.memory_space<vmem>>)
      %dma_start3A_297 = arith.constant 0 : i32
      %dma_start3A_298 = arith.constant 0 : i32
      %dma_start3A_299 = tpu.memref_slice %arg6[%dma_start3A_297, %dma_start3A_298] : memref<10240x128xf32, #tpu.memory_space<vmem_shared>> -> memref<10240x128xf32, #tpu.memory_space<vmem_shared>>
      tpu.enqueue_indirect_dma source(%arg14 : memref<128x128xf32, #tpu.memory_space<vmem>>) target(%dma_start3A_299 : memref<10240x128xf32, #tpu.memory_space<vmem_shared>>) offsets(%arg11 : memref<128xi32, #tpu.memory_space<vmem>>) semaphore(%arg23 : memref<!tpu.dma_semaphore, #tpu.memory_space<semaphore_mem>>) {add = true}
      %add3A_300 = arith.constant 2 : i32
      %add3A_301 = arith.addi %mul3A_238, %add3A_300 : i32
      %add3A_302 = arith.constant 1 : i32
      %add3A_303 = arith.addi %add3A_301, %add3A_302 : i32
      %lt3A_304 = arith.constant 78 : i32
      %lt3A_305 = arith.cmpi slt, %add3A_303, %lt3A_304 : i32
      %dma_wait3A_306 = arith.constant 0 : i32
      %dma_wait3A_307 = arith.constant 0 : i32
      %dma_wait3A_308 = tpu.memref_slice %arg4[%dma_wait3A_306, %dma_wait3A_307] : memref<10000x128xf32, #tpu.memory_space<hbm>> -> memref<128x128xf32, #tpu.memory_space<hbm>>
      %dma_wait3A_309 = arith.constant 0 : i32
      %dma_wait3A_310 = arith.constant 0 : i32
      %dma_wait3A_311 = tpu.memref_slice %arg4[%dma_wait3A_309, %dma_wait3A_310] : memref<10000x128xf32, #tpu.memory_space<hbm>> -> memref<128x128xf32, #tpu.memory_space<hbm>>
      tpu.wait_dma2 semaphore(%arg22 : memref<!tpu.dma_semaphore, #tpu.memory_space<semaphore_mem>>) src(%dma_wait3A_311 : memref<128x128xf32, #tpu.memory_space<hbm>>) dst(%arg13 : memref<128x128xf32, #tpu.memory_space<vmem>>)
      %convert_element_type3A_312 = arith.extui %lt3A_305 : i1 to i32
      %cond3A_313 = arith.constant 0 : i32
      %cond3A_314 = arith.cmpi ne, %convert_element_type3A_312, %cond3A_313 : i32
      scf.if %cond3A_314 {
        %add3A_428 = arith.constant 1 : i32
        %add3A_429 = arith.addi %add3A_301, %add3A_428 : i32
        %mul3A_430 = arith.constant 128 : i32
        %mul3A_431 = arith.muli %add3A_429, %mul3A_430 : i32
        %add3A_432 = arith.addi %mul3A_19, %mul3A_431 : i32
        %dma_start3A_433 = tpu.memref_slice %arg2[%add3A_432] : memref<320000xi32, #tpu.memory_space<hbm>> -> memref<128xi32, #tpu.memory_space<hbm>>
        %dma_start3A_434 = tpu.memref_slice %arg2[%add3A_432] : memref<320000xi32, #tpu.memory_space<hbm>> -> memref<128xi32, #tpu.memory_space<hbm>>
        tpu.enqueue_dma source(%dma_start3A_434 : memref<128xi32, #tpu.memory_space<hbm>>) target(%arg7 : memref<128xi32, #tpu.memory_space<vmem>>) target_semaphore(%arg17 : memref<!tpu.dma_semaphore, #tpu.memory_space<semaphore_mem>>)
        %mul3A_435 = arith.constant 128 : i32
        %mul3A_436 = arith.muli %add3A_429, %mul3A_435 : i32
        %add3A_437 = arith.addi %mul3A_19, %mul3A_436 : i32
        %dma_start3A_438 = tpu.memref_slice %arg3[%add3A_437] : memref<320000xi32, #tpu.memory_space<hbm>> -> memref<128xi32, #tpu.memory_space<hbm>>
        %dma_start3A_439 = tpu.memref_slice %arg3[%add3A_437] : memref<320000xi32, #tpu.memory_space<hbm>> -> memref<128xi32, #tpu.memory_space<hbm>>
        tpu.enqueue_dma source(%dma_start3A_439 : memref<128xi32, #tpu.memory_space<hbm>>) target(%arg10 : memref<128xi32, #tpu.memory_space<vmem>>) target_semaphore(%arg17 : memref<!tpu.dma_semaphore, #tpu.memory_space<semaphore_mem>>)
      } else {
      }
      %dma_wait3A_315 = arith.constant 0 : i32
      %dma_wait3A_316 = tpu.memref_slice %arg2[%dma_wait3A_315] : memref<320000xi32, #tpu.memory_space<hbm>> -> memref<128xi32, #tpu.memory_space<hbm>>
      %dma_wait3A_317 = arith.constant 0 : i32
      %dma_wait3A_318 = tpu.memref_slice %arg2[%dma_wait3A_317] : memref<320000xi32, #tpu.memory_space<hbm>> -> memref<128xi32, #tpu.memory_space<hbm>>
      tpu.wait_dma2 semaphore(%arg19 : memref<!tpu.dma_semaphore, #tpu.memory_space<semaphore_mem>>) src(%dma_wait3A_318 : memref<128xi32, #tpu.memory_space<hbm>>) dst(%arg9 : memref<128xi32, #tpu.memory_space<vmem>>)
      %dma_wait3A_319 = arith.constant 0 : i32
      %dma_wait3A_320 = tpu.memref_slice %arg3[%dma_wait3A_319] : memref<320000xi32, #tpu.memory_space<hbm>> -> memref<128xi32, #tpu.memory_space<hbm>>
      %dma_wait3A_321 = arith.constant 0 : i32
      %dma_wait3A_322 = tpu.memref_slice %arg3[%dma_wait3A_321] : memref<320000xi32, #tpu.memory_space<hbm>> -> memref<128xi32, #tpu.memory_space<hbm>>
      tpu.wait_dma2 semaphore(%arg19 : memref<!tpu.dma_semaphore, #tpu.memory_space<semaphore_mem>>) src(%dma_wait3A_322 : memref<128xi32, #tpu.memory_space<hbm>>) dst(%arg12 : memref<128xi32, #tpu.memory_space<vmem>>)
      %dma_start3A_323 = arith.constant 0 : i32
      %dma_start3A_324 = arith.constant 0 : i32
      %dma_start3A_325 = tpu.memref_slice %arg4[%dma_start3A_323, %dma_start3A_324] : memref<10000x128xf32, #tpu.memory_space<hbm>> -> memref<10000x128xf32, #tpu.memory_space<hbm>>
      tpu.enqueue_indirect_dma source(%dma_start3A_325 : memref<10000x128xf32, #tpu.memory_space<hbm>>) target(%arg13 : memref<128x128xf32, #tpu.memory_space<vmem>>) offsets(%arg9 : memref<128xi32, #tpu.memory_space<vmem>>) semaphore(%arg20 : memref<!tpu.dma_semaphore, #tpu.memory_space<semaphore_mem>>)
      %dma_wait3A_326 = arith.constant 0 : i32
      %dma_wait3A_327 = arith.constant 0 : i32
      %dma_wait3A_328 = tpu.memref_slice %arg4[%dma_wait3A_326, %dma_wait3A_327] : memref<10000x128xf32, #tpu.memory_space<hbm>> -> memref<10000x128xf32, #tpu.memory_space<hbm>>
      tpu.wait_indirect_dma semaphore(%arg20 : memref<!tpu.dma_semaphore, #tpu.memory_space<semaphore_mem>>) src(%dma_wait3A_328 : memref<10000x128xf32, #tpu.memory_space<hbm>>) dst(%arg13 : memref<128x128xf32, #tpu.memory_space<vmem>>)
      %dma_start3A_329 = arith.constant 0 : i32
      %dma_start3A_330 = arith.constant 0 : i32
      %dma_start3A_331 = tpu.memref_slice %arg6[%dma_start3A_329, %dma_start3A_330] : memref<10240x128xf32, #tpu.memory_space<vmem_shared>> -> memref<10240x128xf32, #tpu.memory_space<vmem_shared>>
      tpu.enqueue_indirect_dma source(%arg13 : memref<128x128xf32, #tpu.memory_space<vmem>>) target(%dma_start3A_331 : memref<10240x128xf32, #tpu.memory_space<vmem_shared>>) offsets(%arg12 : memref<128xi32, #tpu.memory_space<vmem>>) semaphore(%arg22 : memref<!tpu.dma_semaphore, #tpu.memory_space<semaphore_mem>>) {add = true}
      %add3A_332 = arith.constant 3 : i32
      %add3A_333 = arith.addi %mul3A_238, %add3A_332 : i32
      %add3A_334 = arith.constant 1 : i32
      %add3A_335 = arith.addi %add3A_333, %add3A_334 : i32
      %lt3A_336 = arith.constant 78 : i32
      %lt3A_337 = arith.cmpi slt, %add3A_335, %lt3A_336 : i32
      %dma_wait3A_338 = arith.constant 0 : i32
      %dma_wait3A_339 = arith.constant 0 : i32
      %dma_wait3A_340 = tpu.memref_slice %arg4[%dma_wait3A_338, %dma_wait3A_339] : memref<10000x128xf32, #tpu.memory_space<hbm>> -> memref<128x128xf32, #tpu.memory_space<hbm>>
      %dma_wait3A_341 = arith.constant 0 : i32
      %dma_wait3A_342 = arith.constant 0 : i32
      %dma_wait3A_343 = tpu.memref_slice %arg4[%dma_wait3A_341, %dma_wait3A_342] : memref<10000x128xf32, #tpu.memory_space<hbm>> -> memref<128x128xf32, #tpu.memory_space<hbm>>
      tpu.wait_dma2 semaphore(%arg23 : memref<!tpu.dma_semaphore, #tpu.memory_space<semaphore_mem>>) src(%dma_wait3A_343 : memref<128x128xf32, #tpu.memory_space<hbm>>) dst(%arg14 : memref<128x128xf32, #tpu.memory_space<vmem>>)
      %convert_element_type3A_344 = arith.extui %lt3A_337 : i1 to i32
      %cond3A_345 = arith.constant 0 : i32
      %cond3A_346 = arith.cmpi ne, %convert_element_type3A_344, %cond3A_345 : i32
      scf.if %cond3A_346 {
        %add3A_428 = arith.constant 1 : i32
        %add3A_429 = arith.addi %add3A_333, %add3A_428 : i32
        %mul3A_430 = arith.constant 128 : i32
        %mul3A_431 = arith.muli %add3A_429, %mul3A_430 : i32
        %add3A_432 = arith.addi %mul3A_19, %mul3A_431 : i32
        %dma_start3A_433 = tpu.memref_slice %arg2[%add3A_432] : memref<320000xi32, #tpu.memory_space<hbm>> -> memref<128xi32, #tpu.memory_space<hbm>>
        %dma_start3A_434 = tpu.memref_slice %arg2[%add3A_432] : memref<320000xi32, #tpu.memory_space<hbm>> -> memref<128xi32, #tpu.memory_space<hbm>>
        tpu.enqueue_dma source(%dma_start3A_434 : memref<128xi32, #tpu.memory_space<hbm>>) target(%arg8 : memref<128xi32, #tpu.memory_space<vmem>>) target_semaphore(%arg18 : memref<!tpu.dma_semaphore, #tpu.memory_space<semaphore_mem>>)
        %mul3A_435 = arith.constant 128 : i32
        %mul3A_436 = arith.muli %add3A_429, %mul3A_435 : i32
        %add3A_437 = arith.addi %mul3A_19, %mul3A_436 : i32
        %dma_start3A_438 = tpu.memref_slice %arg3[%add3A_437] : memref<320000xi32, #tpu.memory_space<hbm>> -> memref<128xi32, #tpu.memory_space<hbm>>
        %dma_start3A_439 = tpu.memref_slice %arg3[%add3A_437] : memref<320000xi32, #tpu.memory_space<hbm>> -> memref<128xi32, #tpu.memory_space<hbm>>
        tpu.enqueue_dma source(%dma_start3A_439 : memref<128xi32, #tpu.memory_space<hbm>>) target(%arg11 : memref<128xi32, #tpu.memory_space<vmem>>) target_semaphore(%arg18 : memref<!tpu.dma_semaphore, #tpu.memory_space<semaphore_mem>>)
      } else {
      }
      %dma_wait3A_347 = arith.constant 0 : i32
      %dma_wait3A_348 = tpu.memref_slice %arg2[%dma_wait3A_347] : memref<320000xi32, #tpu.memory_space<hbm>> -> memref<128xi32, #tpu.memory_space<hbm>>
      %dma_wait3A_349 = arith.constant 0 : i32
      %dma_wait3A_350 = tpu.memref_slice %arg2[%dma_wait3A_349] : memref<320000xi32, #tpu.memory_space<hbm>> -> memref<128xi32, #tpu.memory_space<hbm>>
      tpu.wait_dma2 semaphore(%arg17 : memref<!tpu.dma_semaphore, #tpu.memory_space<semaphore_mem>>) src(%dma_wait3A_350 : memref<128xi32, #tpu.memory_space<hbm>>) dst(%arg7 : memref<128xi32, #tpu.memory_space<vmem>>)
      %dma_wait3A_351 = arith.constant 0 : i32
      %dma_wait3A_352 = tpu.memref_slice %arg3[%dma_wait3A_351] : memref<320000xi32, #tpu.memory_space<hbm>> -> memref<128xi32, #tpu.memory_space<hbm>>
      %dma_wait3A_353 = arith.constant 0 : i32
      %dma_wait3A_354 = tpu.memref_slice %arg3[%dma_wait3A_353] : memref<320000xi32, #tpu.memory_space<hbm>> -> memref<128xi32, #tpu.memory_space<hbm>>
      tpu.wait_dma2 semaphore(%arg17 : memref<!tpu.dma_semaphore, #tpu.memory_space<semaphore_mem>>) src(%dma_wait3A_354 : memref<128xi32, #tpu.memory_space<hbm>>) dst(%arg10 : memref<128xi32, #tpu.memory_space<vmem>>)
      %dma_start3A_355 = arith.constant 0 : i32
      %dma_start3A_356 = arith.constant 0 : i32
      %dma_start3A_357 = tpu.memref_slice %arg4[%dma_start3A_355, %dma_start3A_356] : memref<10000x128xf32, #tpu.memory_space<hbm>> -> memref<10000x128xf32, #tpu.memory_space<hbm>>
      tpu.enqueue_indirect_dma source(%dma_start3A_357 : memref<10000x128xf32, #tpu.memory_space<hbm>>) target(%arg14 : memref<128x128xf32, #tpu.memory_space<vmem>>) offsets(%arg7 : memref<128xi32, #tpu.memory_space<vmem>>) semaphore(%arg21 : memref<!tpu.dma_semaphore, #tpu.memory_space<semaphore_mem>>)
      %dma_wait3A_358 = arith.constant 0 : i32
      %dma_wait3A_359 = arith.constant 0 : i32
      %dma_wait3A_360 = tpu.memref_slice %arg4[%dma_wait3A_358, %dma_wait3A_359] : memref<10000x128xf32, #tpu.memory_space<hbm>> -> memref<10000x128xf32, #tpu.memory_space<hbm>>
      tpu.wait_indirect_dma semaphore(%arg21 : memref<!tpu.dma_semaphore, #tpu.memory_space<semaphore_mem>>) src(%dma_wait3A_360 : memref<10000x128xf32, #tpu.memory_space<hbm>>) dst(%arg14 : memref<128x128xf32, #tpu.memory_space<vmem>>)
      %dma_start3A_361 = arith.constant 0 : i32
      %dma_start3A_362 = arith.constant 0 : i32
      %dma_start3A_363 = tpu.memref_slice %arg6[%dma_start3A_361, %dma_start3A_362] : memref<10240x128xf32, #tpu.memory_space<vmem_shared>> -> memref<10240x128xf32, #tpu.memory_space<vmem_shared>>
      tpu.enqueue_indirect_dma source(%arg14 : memref<128x128xf32, #tpu.memory_space<vmem>>) target(%dma_start3A_363 : memref<10240x128xf32, #tpu.memory_space<vmem_shared>>) offsets(%arg10 : memref<128xi32, #tpu.memory_space<vmem>>) semaphore(%arg23 : memref<!tpu.dma_semaphore, #tpu.memory_space<semaphore_mem>>) {add = true}
      %add3A_364 = arith.constant 4 : i32
      %add3A_365 = arith.addi %mul3A_238, %add3A_364 : i32
      %add3A_366 = arith.constant 1 : i32
      %add3A_367 = arith.addi %add3A_365, %add3A_366 : i32
      %lt3A_368 = arith.constant 78 : i32
      %lt3A_369 = arith.cmpi slt, %add3A_367, %lt3A_368 : i32
      %dma_wait3A_370 = arith.constant 0 : i32
      %dma_wait3A_371 = arith.constant 0 : i32
      %dma_wait3A_372 = tpu.memref_slice %arg4[%dma_wait3A_370, %dma_wait3A_371] : memref<10000x128xf32, #tpu.memory_space<hbm>> -> memref<128x128xf32, #tpu.memory_space<hbm>>
      %dma_wait3A_373 = arith.constant 0 : i32
      %dma_wait3A_374 = arith.constant 0 : i32
      %dma_wait3A_375 = tpu.memref_slice %arg4[%dma_wait3A_373, %dma_wait3A_374] : memref<10000x128xf32, #tpu.memory_space<hbm>> -> memref<128x128xf32, #tpu.memory_space<hbm>>
      tpu.wait_dma2 semaphore(%arg22 : memref<!tpu.dma_semaphore, #tpu.memory_space<semaphore_mem>>) src(%dma_wait3A_375 : memref<128x128xf32, #tpu.memory_space<hbm>>) dst(%arg13 : memref<128x128xf32, #tpu.memory_space<vmem>>)
      %convert_element_type3A_376 = arith.extui %lt3A_369 : i1 to i32
      %cond3A_377 = arith.constant 0 : i32
      %cond3A_378 = arith.cmpi ne, %convert_element_type3A_376, %cond3A_377 : i32
      scf.if %cond3A_378 {
        %add3A_428 = arith.constant 1 : i32
        %add3A_429 = arith.addi %add3A_365, %add3A_428 : i32
        %mul3A_430 = arith.constant 128 : i32
        %mul3A_431 = arith.muli %add3A_429, %mul3A_430 : i32
        %add3A_432 = arith.addi %mul3A_19, %mul3A_431 : i32
        %dma_start3A_433 = tpu.memref_slice %arg2[%add3A_432] : memref<320000xi32, #tpu.memory_space<hbm>> -> memref<128xi32, #tpu.memory_space<hbm>>
        %dma_start3A_434 = tpu.memref_slice %arg2[%add3A_432] : memref<320000xi32, #tpu.memory_space<hbm>> -> memref<128xi32, #tpu.memory_space<hbm>>
        tpu.enqueue_dma source(%dma_start3A_434 : memref<128xi32, #tpu.memory_space<hbm>>) target(%arg9 : memref<128xi32, #tpu.memory_space<vmem>>) target_semaphore(%arg19 : memref<!tpu.dma_semaphore, #tpu.memory_space<semaphore_mem>>)
        %mul3A_435 = arith.constant 128 : i32
        %mul3A_436 = arith.muli %add3A_429, %mul3A_435 : i32
        %add3A_437 = arith.addi %mul3A_19, %mul3A_436 : i32
        %dma_start3A_438 = tpu.memref_slice %arg3[%add3A_437] : memref<320000xi32, #tpu.memory_space<hbm>> -> memref<128xi32, #tpu.memory_space<hbm>>
        %dma_start3A_439 = tpu.memref_slice %arg3[%add3A_437] : memref<320000xi32, #tpu.memory_space<hbm>> -> memref<128xi32, #tpu.memory_space<hbm>>
        tpu.enqueue_dma source(%dma_start3A_439 : memref<128xi32, #tpu.memory_space<hbm>>) target(%arg12 : memref<128xi32, #tpu.memory_space<vmem>>) target_semaphore(%arg19 : memref<!tpu.dma_semaphore, #tpu.memory_space<semaphore_mem>>)
      } else {
      }
      %dma_wait3A_379 = arith.constant 0 : i32
      %dma_wait3A_380 = tpu.memref_slice %arg2[%dma_wait3A_379] : memref<320000xi32, #tpu.memory_space<hbm>> -> memref<128xi32, #tpu.memory_space<hbm>>
      %dma_wait3A_381 = arith.constant 0 : i32
      %dma_wait3A_382 = tpu.memref_slice %arg2[%dma_wait3A_381] : memref<320000xi32, #tpu.memory_space<hbm>> -> memref<128xi32, #tpu.memory_space<hbm>>
      tpu.wait_dma2 semaphore(%arg18 : memref<!tpu.dma_semaphore, #tpu.memory_space<semaphore_mem>>) src(%dma_wait3A_382 : memref<128xi32, #tpu.memory_space<hbm>>) dst(%arg8 : memref<128xi32, #tpu.memory_space<vmem>>)
      %dma_wait3A_383 = arith.constant 0 : i32
      %dma_wait3A_384 = tpu.memref_slice %arg3[%dma_wait3A_383] : memref<320000xi32, #tpu.memory_space<hbm>> -> memref<128xi32, #tpu.memory_space<hbm>>
      %dma_wait3A_385 = arith.constant 0 : i32
      %dma_wait3A_386 = tpu.memref_slice %arg3[%dma_wait3A_385] : memref<320000xi32, #tpu.memory_space<hbm>> -> memref<128xi32, #tpu.memory_space<hbm>>
      tpu.wait_dma2 semaphore(%arg18 : memref<!tpu.dma_semaphore, #tpu.memory_space<semaphore_mem>>) src(%dma_wait3A_386 : memref<128xi32, #tpu.memory_space<hbm>>) dst(%arg11 : memref<128xi32, #tpu.memory_space<vmem>>)
      %dma_start3A_387 = arith.constant 0 : i32
      %dma_start3A_388 = arith.constant 0 : i32
      %dma_start3A_389 = tpu.memref_slice %arg4[%dma_start3A_387, %dma_start3A_388] : memref<10000x128xf32, #tpu.memory_space<hbm>> -> memref<10000x128xf32, #tpu.memory_space<hbm>>
      tpu.enqueue_indirect_dma source(%dma_start3A_389 : memref<10000x128xf32, #tpu.memory_space<hbm>>) target(%arg13 : memref<128x128xf32, #tpu.memory_space<vmem>>) offsets(%arg8 : memref<128xi32, #tpu.memory_space<vmem>>) semaphore(%arg20 : memref<!tpu.dma_semaphore, #tpu.memory_space<semaphore_mem>>)
      %dma_wait3A_390 = arith.constant 0 : i32
      %dma_wait3A_391 = arith.constant 0 : i32
      %dma_wait3A_392 = tpu.memref_slice %arg4[%dma_wait3A_390, %dma_wait3A_391] : memref<10000x128xf32, #tpu.memory_space<hbm>> -> memref<10000x128xf32, #tpu.memory_space<hbm>>
      tpu.wait_indirect_dma semaphore(%arg20 : memref<!tpu.dma_semaphore, #tpu.memory_space<semaphore_mem>>) src(%dma_wait3A_392 : memref<10000x128xf32, #tpu.memory_space<hbm>>) dst(%arg13 : memref<128x128xf32, #tpu.memory_space<vmem>>)
      %dma_start3A_393 = arith.constant 0 : i32
      %dma_start3A_394 = arith.constant 0 : i32
      %dma_start3A_395 = tpu.memref_slice %arg6[%dma_start3A_393, %dma_start3A_394] : memref<10240x128xf32, #tpu.memory_space<vmem_shared>> -> memref<10240x128xf32, #tpu.memory_space<vmem_shared>>
      tpu.enqueue_indirect_dma source(%arg13 : memref<128x128xf32, #tpu.memory_space<vmem>>) target(%dma_start3A_395 : memref<10240x128xf32, #tpu.memory_space<vmem_shared>>) offsets(%arg11 : memref<128xi32, #tpu.memory_space<vmem>>) semaphore(%arg22 : memref<!tpu.dma_semaphore, #tpu.memory_space<semaphore_mem>>) {add = true}
      %add3A_396 = arith.constant 5 : i32
      %add3A_397 = arith.addi %mul3A_238, %add3A_396 : i32
      %add3A_398 = arith.constant 1 : i32
      %add3A_399 = arith.addi %add3A_397, %add3A_398 : i32
      %lt3A_400 = arith.constant 78 : i32
      %lt3A_401 = arith.cmpi slt, %add3A_399, %lt3A_400 : i32
      %dma_wait3A_402 = arith.constant 0 : i32
      %dma_wait3A_403 = arith.constant 0 : i32
      %dma_wait3A_404 = tpu.memref_slice %arg4[%dma_wait3A_402, %dma_wait3A_403] : memref<10000x128xf32, #tpu.memory_space<hbm>> -> memref<128x128xf32, #tpu.memory_space<hbm>>
      %dma_wait3A_405 = arith.constant 0 : i32
      %dma_wait3A_406 = arith.constant 0 : i32
      %dma_wait3A_407 = tpu.memref_slice %arg4[%dma_wait3A_405, %dma_wait3A_406] : memref<10000x128xf32, #tpu.memory_space<hbm>> -> memref<128x128xf32, #tpu.memory_space<hbm>>
      tpu.wait_dma2 semaphore(%arg23 : memref<!tpu.dma_semaphore, #tpu.memory_space<semaphore_mem>>) src(%dma_wait3A_407 : memref<128x128xf32, #tpu.memory_space<hbm>>) dst(%arg14 : memref<128x128xf32, #tpu.memory_space<vmem>>)
      %convert_element_type3A_408 = arith.extui %lt3A_401 : i1 to i32
      %cond3A_409 = arith.constant 0 : i32
      %cond3A_410 = arith.cmpi ne, %convert_element_type3A_408, %cond3A_409 : i32
      scf.if %cond3A_410 {
        %add3A_428 = arith.constant 1 : i32
        %add3A_429 = arith.addi %add3A_397, %add3A_428 : i32
        %mul3A_430 = arith.constant 128 : i32
        %mul3A_431 = arith.muli %add3A_429, %mul3A_430 : i32
        %add3A_432 = arith.addi %mul3A_19, %mul3A_431 : i32
        %dma_start3A_433 = tpu.memref_slice %arg2[%add3A_432] : memref<320000xi32, #tpu.memory_space<hbm>> -> memref<128xi32, #tpu.memory_space<hbm>>
        %dma_start3A_434 = tpu.memref_slice %arg2[%add3A_432] : memref<320000xi32, #tpu.memory_space<hbm>> -> memref<128xi32, #tpu.memory_space<hbm>>
        tpu.enqueue_dma source(%dma_start3A_434 : memref<128xi32, #tpu.memory_space<hbm>>) target(%arg7 : memref<128xi32, #tpu.memory_space<vmem>>) target_semaphore(%arg17 : memref<!tpu.dma_semaphore, #tpu.memory_space<semaphore_mem>>)
        %mul3A_435 = arith.constant 128 : i32
        %mul3A_436 = arith.muli %add3A_429, %mul3A_435 : i32
        %add3A_437 = arith.addi %mul3A_19, %mul3A_436 : i32
        %dma_start3A_438 = tpu.memref_slice %arg3[%add3A_437] : memref<320000xi32, #tpu.memory_space<hbm>> -> memref<128xi32, #tpu.memory_space<hbm>>
        %dma_start3A_439 = tpu.memref_slice %arg3[%add3A_437] : memref<320000xi32, #tpu.memory_space<hbm>> -> memref<128xi32, #tpu.memory_space<hbm>>
        tpu.enqueue_dma source(%dma_start3A_439 : memref<128xi32, #tpu.memory_space<hbm>>) target(%arg10 : memref<128xi32, #tpu.memory_space<vmem>>) target_semaphore(%arg17 : memref<!tpu.dma_semaphore, #tpu.memory_space<semaphore_mem>>)
      } else {
      }
      %dma_wait3A_411 = arith.constant 0 : i32
      %dma_wait3A_412 = tpu.memref_slice %arg2[%dma_wait3A_411] : memref<320000xi32, #tpu.memory_space<hbm>> -> memref<128xi32, #tpu.memory_space<hbm>>
      %dma_wait3A_413 = arith.constant 0 : i32
      %dma_wait3A_414 = tpu.memref_slice %arg2[%dma_wait3A_413] : memref<320000xi32, #tpu.memory_space<hbm>> -> memref<128xi32, #tpu.memory_space<hbm>>
      tpu.wait_dma2 semaphore(%arg19 : memref<!tpu.dma_semaphore, #tpu.memory_space<semaphore_mem>>) src(%dma_wait3A_414 : memref<128xi32, #tpu.memory_space<hbm>>) dst(%arg9 : memref<128xi32, #tpu.memory_space<vmem>>)
      %dma_wait3A_415 = arith.constant 0 : i32
      %dma_wait3A_416 = tpu.memref_slice %arg3[%dma_wait3A_415] : memref<320000xi32, #tpu.memory_space<hbm>> -> memref<128xi32, #tpu.memory_space<hbm>>
      %dma_wait3A_417 = arith.constant 0 : i32
      %dma_wait3A_418 = tpu.memref_slice %arg3[%dma_wait3A_417] : memref<320000xi32, #tpu.memory_space<hbm>> -> memref<128xi32, #tpu.memory_space<hbm>>
      tpu.wait_dma2 semaphore(%arg19 : memref<!tpu.dma_semaphore, #tpu.memory_space<semaphore_mem>>) src(%dma_wait3A_418 : memref<128xi32, #tpu.memory_space<hbm>>) dst(%arg12 : memref<128xi32, #tpu.memory_space<vmem>>)
      %dma_start3A_419 = arith.constant 0 : i32
      %dma_start3A_420 = arith.constant 0 : i32
      %dma_start3A_421 = tpu.memref_slice %arg4[%dma_start3A_419, %dma_start3A_420] : memref<10000x128xf32, #tpu.memory_space<hbm>> -> memref<10000x128xf32, #tpu.memory_space<hbm>>
      tpu.enqueue_indirect_dma source(%dma_start3A_421 : memref<10000x128xf32, #tpu.memory_space<hbm>>) target(%arg14 : memref<128x128xf32, #tpu.memory_space<vmem>>) offsets(%arg9 : memref<128xi32, #tpu.memory_space<vmem>>) semaphore(%arg21 : memref<!tpu.dma_semaphore, #tpu.memory_space<semaphore_mem>>)
      %dma_wait3A_422 = arith.constant 0 : i32
      %dma_wait3A_423 = arith.constant 0 : i32
      %dma_wait3A_424 = tpu.memref_slice %arg4[%dma_wait3A_422, %dma_wait3A_423] : memref<10000x128xf32, #tpu.memory_space<hbm>> -> memref<10000x128xf32, #tpu.memory_space<hbm>>
      tpu.wait_indirect_dma semaphore(%arg21 : memref<!tpu.dma_semaphore, #tpu.memory_space<semaphore_mem>>) src(%dma_wait3A_424 : memref<10000x128xf32, #tpu.memory_space<hbm>>) dst(%arg14 : memref<128x128xf32, #tpu.memory_space<vmem>>)
      %dma_start3A_425 = arith.constant 0 : i32
      %dma_start3A_426 = arith.constant 0 : i32
      %dma_start3A_427 = tpu.memref_slice %arg6[%dma_start3A_425, %dma_start3A_426] : memref<10240x128xf32, #tpu.memory_space<vmem_shared>> -> memref<10240x128xf32, #tpu.memory_space<vmem_shared>>
      tpu.enqueue_indirect_dma source(%arg14 : memref<128x128xf32, #tpu.memory_space<vmem>>) target(%dma_start3A_427 : memref<10240x128xf32, #tpu.memory_space<vmem_shared>>) offsets(%arg12 : memref<128xi32, #tpu.memory_space<vmem>>) semaphore(%arg23 : memref<!tpu.dma_semaphore, #tpu.memory_space<semaphore_mem>>) {add = true}
    }
    %scan3A_204 = arith.constant 12 : i32
    %dma_wait3A_205 = arith.constant 0 : i32
    %dma_wait3A_206 = arith.constant 0 : i32
    %dma_wait3A_207 = tpu.memref_slice %arg4[%dma_wait3A_205, %dma_wait3A_206] : memref<10000x128xf32, #tpu.memory_space<hbm>> -> memref<128x128xf32, #tpu.memory_space<hbm>>
    %dma_wait3A_208 = arith.constant 0 : i32
    %dma_wait3A_209 = arith.constant 0 : i32
    %dma_wait3A_210 = tpu.memref_slice %arg4[%dma_wait3A_208, %dma_wait3A_209] : memref<10000x128xf32, #tpu.memory_space<hbm>> -> memref<128x128xf32, #tpu.memory_space<hbm>>
    tpu.wait_dma2 semaphore(%arg22 : memref<!tpu.dma_semaphore, #tpu.memory_space<semaphore_mem>>) src(%dma_wait3A_210 : memref<128x128xf32, #tpu.memory_space<hbm>>) dst(%arg13 : memref<128x128xf32, #tpu.memory_space<vmem>>)
    %dma_wait3A_211 = arith.constant 0 : i32
    %dma_wait3A_212 = arith.constant 0 : i32
    %dma_wait3A_213 = tpu.memref_slice %arg4[%dma_wait3A_211, %dma_wait3A_212] : memref<10000x128xf32, #tpu.memory_space<hbm>> -> memref<128x128xf32, #tpu.memory_space<hbm>>
    %dma_wait3A_214 = arith.constant 0 : i32
    %dma_wait3A_215 = arith.constant 0 : i32
    %dma_wait3A_216 = tpu.memref_slice %arg4[%dma_wait3A_214, %dma_wait3A_215] : memref<10000x128xf32, #tpu.memory_space<hbm>> -> memref<128x128xf32, #tpu.memory_space<hbm>>
    tpu.wait_dma2 semaphore(%arg23 : memref<!tpu.dma_semaphore, #tpu.memory_space<semaphore_mem>>) src(%dma_wait3A_216 : memref<128x128xf32, #tpu.memory_space<hbm>>) dst(%arg14 : memref<128x128xf32, #tpu.memory_space<vmem>>)
    %add3A_217 = arith.constant 9984 : i32
    %add3A_218 = arith.addi %mul3A_19, %add3A_217 : i32
    "tpu.region"() ({
      %run_scoped3A = tpu.sem_alloc : memref<!tpu.dma_semaphore, #tpu.memory_space<semaphore_mem>>
      %dma_start3A_232 = tpu.memref_slice %arg2[%add3A_218] : memref<320000xi32, #tpu.memory_space<hbm>> -> memref<16xi32, #tpu.memory_space<hbm>>
      %dma_start3A_233 = tpu.memref_slice %arg2[%add3A_218] : memref<320000xi32, #tpu.memory_space<hbm>> -> memref<16xi32, #tpu.memory_space<hbm>>
      tpu.enqueue_dma source(%dma_start3A_233 : memref<16xi32, #tpu.memory_space<hbm>>) target(%arg15 : memref<16xi32, #tpu.memory_space<vmem>>) target_semaphore(%run_scoped3A : memref<!tpu.dma_semaphore, #tpu.memory_space<semaphore_mem>>)
      %dma_wait3A_234 = tpu.memref_slice %arg2[%add3A_218] : memref<320000xi32, #tpu.memory_space<hbm>> -> memref<16xi32, #tpu.memory_space<hbm>>
      %dma_wait3A_235 = tpu.memref_slice %arg2[%add3A_218] : memref<320000xi32, #tpu.memory_space<hbm>> -> memref<16xi32, #tpu.memory_space<hbm>>
      tpu.wait_dma2 semaphore(%run_scoped3A : memref<!tpu.dma_semaphore, #tpu.memory_space<semaphore_mem>>) src(%dma_wait3A_235 : memref<16xi32, #tpu.memory_space<hbm>>) dst(%arg15 : memref<16xi32, #tpu.memory_space<vmem>>)
      tpu.yield
    }) : () -> ()
    "tpu.region"() ({
      %run_scoped3A = tpu.sem_alloc : memref<!tpu.dma_semaphore, #tpu.memory_space<semaphore_mem>>
      %dma_start3A_232 = tpu.memref_slice %arg3[%add3A_218] : memref<320000xi32, #tpu.memory_space<hbm>> -> memref<16xi32, #tpu.memory_space<hbm>>
      %dma_start3A_233 = tpu.memref_slice %arg3[%add3A_218] : memref<320000xi32, #tpu.memory_space<hbm>> -> memref<16xi32, #tpu.memory_space<hbm>>
      tpu.enqueue_dma source(%dma_start3A_233 : memref<16xi32, #tpu.memory_space<hbm>>) target(%arg16 : memref<16xi32, #tpu.memory_space<vmem>>) target_semaphore(%run_scoped3A : memref<!tpu.dma_semaphore, #tpu.memory_space<semaphore_mem>>)
      %dma_wait3A_234 = tpu.memref_slice %arg3[%add3A_218] : memref<320000xi32, #tpu.memory_space<hbm>> -> memref<16xi32, #tpu.memory_space<hbm>>
      %dma_wait3A_235 = tpu.memref_slice %arg3[%add3A_218] : memref<320000xi32, #tpu.memory_space<hbm>> -> memref<16xi32, #tpu.memory_space<hbm>>
      tpu.wait_dma2 semaphore(%run_scoped3A : memref<!tpu.dma_semaphore, #tpu.memory_space<semaphore_mem>>) src(%dma_wait3A_235 : memref<16xi32, #tpu.memory_space<hbm>>) dst(%arg16 : memref<16xi32, #tpu.memory_space<vmem>>)
      tpu.yield
    }) : () -> ()
    %dma_start3A_219 = arith.constant 0 : i32
    %dma_start3A_220 = arith.constant 0 : i32
    %dma_start3A_221 = tpu.memref_slice %arg13[%dma_start3A_219, %dma_start3A_220] : memref<128x128xf32, #tpu.memory_space<vmem>> -> memref<16x128xf32, #tpu.memory_space<vmem>>
    %dma_start3A_222 = arith.constant 0 : i32
    %dma_start3A_223 = arith.constant 0 : i32
    %dma_start3A_224 = tpu.memref_slice %arg4[%dma_start3A_222, %dma_start3A_223] : memref<10000x128xf32, #tpu.memory_space<hbm>> -> memref<10000x128xf32, #tpu.memory_space<hbm>>
    tpu.enqueue_indirect_dma source(%dma_start3A_224 : memref<10000x128xf32, #tpu.memory_space<hbm>>) target(%dma_start3A_221 : memref<16x128xf32, #tpu.memory_space<vmem>>) offsets(%arg15 : memref<16xi32, #tpu.memory_space<vmem>>) semaphore(%arg24 : memref<!tpu.dma_semaphore, #tpu.memory_space<semaphore_mem>>)
    %dma_wait3A_225 = arith.constant 0 : i32
    %dma_wait3A_226 = arith.constant 0 : i32
    %dma_wait3A_227 = tpu.memref_slice %arg13[%dma_wait3A_225, %dma_wait3A_226] : memref<128x128xf32, #tpu.memory_space<vmem>> -> memref<16x128xf32, #tpu.memory_space<vmem>>
    %dma_wait3A_228 = arith.constant 0 : i32
    %dma_wait3A_229 = arith.constant 0 : i32
    %dma_wait3A_230 = tpu.memref_slice %arg4[%dma_wait3A_228, %dma_wait3A_229] : memref<10000x128xf32, #tpu.memory_space<hbm>> -> memref<10000x128xf32, #tpu.memory_space<hbm>>
    tpu.wait_indirect_dma semaphore(%arg24 : memref<!tpu.dma_semaphore, #tpu.memory_space<semaphore_mem>>) src(%dma_wait3A_230 : memref<10000x128xf32, #tpu.memory_space<hbm>>) dst(%dma_wait3A_227 : memref<16x128xf32, #tpu.memory_space<vmem>>)
    "tpu.region"() ({
      %run_scoped3A = tpu.sem_alloc : memref<!tpu.dma_semaphore, #tpu.memory_space<semaphore_mem>>
      %dma_start3A_232 = arith.constant 0 : i32
      %dma_start3A_233 = arith.constant 0 : i32
      %dma_start3A_234 = tpu.memref_slice %arg13[%dma_start3A_232, %dma_start3A_233] : memref<128x128xf32, #tpu.memory_space<vmem>> -> memref<16x128xf32, #tpu.memory_space<vmem>>
      %dma_start3A_235 = arith.constant 0 : i32
      %dma_start3A_236 = arith.constant 0 : i32
      %dma_start3A_237 = tpu.memref_slice %arg6[%dma_start3A_235, %dma_start3A_236] : memref<10240x128xf32, #tpu.memory_space<vmem_shared>> -> memref<10240x128xf32, #tpu.memory_space<vmem_shared>>
      tpu.enqueue_indirect_dma source(%dma_start3A_234 : memref<16x128xf32, #tpu.memory_space<vmem>>) target(%dma_start3A_237 : memref<10240x128xf32, #tpu.memory_space<vmem_shared>>) offsets(%arg16 : memref<16xi32, #tpu.memory_space<vmem>>) semaphore(%run_scoped3A : memref<!tpu.dma_semaphore, #tpu.memory_space<semaphore_mem>>) {add = true}
      %dma_wait3A_238 = arith.constant 0 : i32
      %dma_wait3A_239 = arith.constant 0 : i32
      %dma_wait3A_240 = tpu.memref_slice %arg13[%dma_wait3A_238, %dma_wait3A_239] : memref<128x128xf32, #tpu.memory_space<vmem>> -> memref<16x128xf32, #tpu.memory_space<vmem>>
      %dma_wait3A_241 = arith.constant 0 : i32
      %dma_wait3A_242 = arith.constant 0 : i32
      %dma_wait3A_243 = tpu.memref_slice %arg6[%dma_wait3A_241, %dma_wait3A_242] : memref<10240x128xf32, #tpu.memory_space<vmem_shared>> -> memref<10240x128xf32, #tpu.memory_space<vmem_shared>>
      tpu.wait_indirect_dma semaphore(%run_scoped3A : memref<!tpu.dma_semaphore, #tpu.memory_space<semaphore_mem>>) src(%dma_wait3A_240 : memref<16x128xf32, #tpu.memory_space<vmem>>) dst(%dma_wait3A_243 : memref<10240x128xf32, #tpu.memory_space<vmem_shared>>)
      tpu.yield
    }) : () -> ()
    %barrier3A_231 = arith.constant 0 : index
    tpu.barrier barrier_id(%barrier3A_231)
    "tpu.region"() ({
      %run_scoped3A = tpu.sem_alloc : memref<!tpu.dma_semaphore, #tpu.memory_space<semaphore_mem>>
      %dma_start3A_232 = arith.constant 0 : i32
      %dma_start3A_233 = tpu.memref_slice %arg5[%arg0, %mul3A_1, %dma_start3A_232] : memref<2x10240x128xf32, #tpu.memory_space<hbm>> -> memref<1x640x128xf32, #tpu.memory_space<hbm>>
      %dma_start3A_234 = tpu.memref_squeeze %dma_start3A_233 : memref<1x640x128xf32, #tpu.memory_space<hbm>> -> memref<640x128xf32, #tpu.memory_space<hbm>>
      %dma_start3A_235 = arith.constant 0 : i32
      %dma_start3A_236 = tpu.memref_slice %arg6[%mul3A_1, %dma_start3A_235] : memref<10240x128xf32, #tpu.memory_space<vmem_shared>> -> memref<640x128xf32, #tpu.memory_space<vmem_shared>>
      tpu.enqueue_dma source(%dma_start3A_236 : memref<640x128xf32, #tpu.memory_space<vmem_shared>>) target(%dma_start3A_234 : memref<640x128xf32, #tpu.memory_space<hbm>>) target_semaphore(%run_scoped3A : memref<!tpu.dma_semaphore, #tpu.memory_space<semaphore_mem>>)
      %dma_wait3A_237 = arith.constant 0 : i32
      %dma_wait3A_238 = tpu.memref_slice %arg5[%arg0, %mul3A_1, %dma_wait3A_237] : memref<2x10240x128xf32, #tpu.memory_space<hbm>> -> memref<1x640x128xf32, #tpu.memory_space<hbm>>
      %dma_wait3A_239 = tpu.memref_squeeze %dma_wait3A_238 : memref<1x640x128xf32, #tpu.memory_space<hbm>> -> memref<640x128xf32, #tpu.memory_space<hbm>>
      %dma_wait3A_240 = arith.constant 0 : i32
      %dma_wait3A_241 = tpu.memref_slice %arg6[%mul3A_1, %dma_wait3A_240] : memref<10240x128xf32, #tpu.memory_space<vmem_shared>> -> memref<640x128xf32, #tpu.memory_space<vmem_shared>>
      tpu.wait_dma2 semaphore(%run_scoped3A : memref<!tpu.dma_semaphore, #tpu.memory_space<semaphore_mem>>) src(%dma_wait3A_241 : memref<640x128xf32, #tpu.memory_space<vmem_shared>>) dst(%dma_wait3A_239 : memref<640x128xf32, #tpu.memory_space<hbm>>)
      tpu.yield
    }) : () -> ()
    return
  }
}

module attributes {stable_mosaic.version = 14 : i64} {
  func.func @_xws_body(%arg0: i32, %arg1: memref<400x128xf32, #tpu.memory_space<vmem>>, %arg2: memref<128x128xf32, #tpu.memory_space<vmem>>, %arg3: memref<1x400x1xf32, #tpu.memory_space<vmem>>, %arg4: memref<1x400x1xf32, #tpu.memory_space<vmem>>, %arg5: memref<400x128xf32, #tpu.memory_space<vmem>>, %arg6: memref<400x1xf32, #tpu.memory_space<vmem>>) attributes {dimension_semantics = [#tpu.dimension_semantics<arbitrary>], iteration_bounds = array<i64: 25>, scalar_prefetch = 0 : i64, scratch_operands = 0 : i64, tpu.core_type = #tpu.core_type<tc>, window_params = [{transform_indices = @transform_0, window_bounds = array<i64: 400, 128>}, {pipeline_mode = #tpu.pipeline_mode<synchronous>, transform_indices = @transform_1, window_bounds = array<i64: 128, 128>}, {transform_indices = @transform_2, window_bounds = array<i64: 1, 400, 1>}, {transform_indices = @transform_3, window_bounds = array<i64: 1, 400, 1>}, {transform_indices = @transform_4, window_bounds = array<i64: 400, 128>}, {transform_indices = @transform_5, window_bounds = array<i64: 400, 1>}]} {
    %get3A = arith.constant 0 : index
    %get3A_0 = arith.constant 0 : index
    %get3A_1 = arith.constant 0 : index
    %get3A_2 = vector.load %arg3[%get3A, %get3A_0, %get3A_1] : memref<1x400x1xf32, #tpu.memory_space<vmem>>, vector<1x400x1xf32>
    %get3A_3 = vector.shape_cast %get3A_2 : vector<1x400x1xf32> to vector<400x1xf32>
    %get3A_4 = arith.constant 0 : index
    %get3A_5 = arith.constant 0 : index
    %get3A_6 = arith.constant 0 : index
    %get3A_7 = vector.load %arg4[%get3A_4, %get3A_5, %get3A_6] : memref<1x400x1xf32, #tpu.memory_space<vmem>>, vector<1x400x1xf32>
    %get3A_8 = vector.shape_cast %get3A_7 : vector<1x400x1xf32> to vector<400x1xf32>
    %add3A = arith.addf %get3A_3, %get3A_8 : vector<400x1xf32>
    %add3A_9 = arith.constant 1.000000e+00 : f32
    %add3A_10 = vector.broadcast %add3A_9 : f32 to vector<400x1xf32>
    %add3A_11 = arith.addf %add3A, %add3A_10 : vector<400x1xf32>
    %rsqrt3A = math.rsqrt %add3A_11 : vector<400x1xf32>
    %get3A_12 = arith.constant 0 : index
    %get3A_13 = arith.constant 0 : index
    %get3A_14 = vector.load %arg1[%get3A_12, %get3A_13] : memref<400x128xf32, #tpu.memory_space<vmem>>, vector<400x128xf32>
    %get3A_15 = arith.constant 0 : index
    %get3A_16 = arith.constant 0 : index
    %get3A_17 = vector.load %arg2[%get3A_15, %get3A_16] : memref<128x128xf32, #tpu.memory_space<vmem>>, vector<128x128xf32>
    %dot_general3A = arith.constant dense<0.000000e+00> : vector<400x128xf32>
    %dot_general3A_18 = tpu.matmul %get3A_14, %get3A_17, %dot_general3A {dimension_numbers = #tpu.dot_dimension_numbers<[1], [0], [0], [1], [0, 0, 1, 1], [], []>, transpose_lhs_hint = false} : vector<400x128xf32>, vector<128x128xf32>, vector<400x128xf32> -> vector<400x128xf32>
    %swap3A = arith.constant 0 : index
    %swap3A_19 = arith.constant 0 : index
    %swap3A_20 = vector.load %arg6[%swap3A, %swap3A_19] : memref<400x1xf32, #tpu.memory_space<vmem>>, vector<400x1xf32>
    tpu.vector_store %arg6[%swap3A, %swap3A_19], %rsqrt3A {strides = array<i32>} : memref<400x1xf32, #tpu.memory_space<vmem>>, vector<400x1xf32>,
    %mul3A = vector.broadcast %rsqrt3A : vector<400x1xf32> to vector<400x128xf32>
    %mul3A_21 = arith.mulf %mul3A, %dot_general3A_18 : vector<400x128xf32>
    %swap3A_22 = arith.constant 0 : index
    %swap3A_23 = arith.constant 0 : index
    %swap3A_24 = vector.load %arg5[%swap3A_22, %swap3A_23] : memref<400x128xf32, #tpu.memory_space<vmem>>, vector<400x128xf32>
    tpu.vector_store %arg5[%swap3A_22, %swap3A_23], %mul3A_21 {strides = array<i32>} : memref<400x128xf32, #tpu.memory_space<vmem>>, vector<400x128xf32>,
    return
  }
  func.func @transform_0(%arg0: i32) -> (i32, i32) {
    %c0_i32 = arith.constant 0 : i32
    %c0_i32_0 = arith.constant 0 : i32
    return %arg0, %c0_i32 : i32, i32
  }
  func.func @transform_1(%arg0: i32) -> (i32, i32) {
    %c0_i32 = arith.constant 0 : i32
    %c0_i32_0 = arith.constant 0 : i32
    %c0_i32_1 = arith.constant 0 : i32
    return %c0_i32, %c0_i32_0 : i32, i32
  }
  func.func @transform_2(%arg0: i32) -> (i32, i32, i32) {
    %c0_i32 = arith.constant 0 : i32
    %c0_i32_0 = arith.constant 0 : i32
    %c0_i32_1 = arith.constant 0 : i32
    return %c0_i32, %arg0, %c0_i32_0 : i32, i32, i32
  }
  func.func @transform_3(%arg0: i32) -> (i32, i32, i32) {
    %c1_i32 = arith.constant 1 : i32
    %c0_i32 = arith.constant 0 : i32
    %c0_i32_0 = arith.constant 0 : i32
    return %c1_i32, %arg0, %c0_i32 : i32, i32, i32
  }
  func.func @transform_4(%arg0: i32) -> (i32, i32) {
    %c0_i32 = arith.constant 0 : i32
    %c0_i32_0 = arith.constant 0 : i32
    return %arg0, %c0_i32 : i32, i32
  }
  func.func @transform_5(%arg0: i32) -> (i32, i32) {
    %c0_i32 = arith.constant 0 : i32
    %c0_i32_0 = arith.constant 0 : i32
    return %arg0, %c0_i32 : i32, i32
  }
}

module attributes {stable_mosaic.version = 14 : i64} {
  func.func @_final_body(%arg0: i32, %arg1: memref<1x400x128xf32, #tpu.memory_space<vmem>>, %arg2: memref<1x400x128xf32, #tpu.memory_space<vmem>>, %arg3: memref<400x128xf32, #tpu.memory_space<vmem>>, %arg4: memref<400x1xf32, #tpu.memory_space<vmem>>, %arg5: memref<1x128xf32, #tpu.memory_space<vmem>>, %arg6: memref<400x128xf32, #tpu.memory_space<vmem>>) attributes {dimension_semantics = [#tpu.dimension_semantics<arbitrary>], iteration_bounds = array<i64: 25>, scalar_prefetch = 0 : i64, scratch_operands = 0 : i64, tpu.core_type = #tpu.core_type<tc>, window_params = [{transform_indices = @transform_0, window_bounds = array<i64: 1, 400, 128>}, {transform_indices = @transform_1, window_bounds = array<i64: 1, 400, 128>}, {transform_indices = @transform_2, window_bounds = array<i64: 400, 128>}, {transform_indices = @transform_3, window_bounds = array<i64: 400, 1>}, {pipeline_mode = #tpu.pipeline_mode<synchronous>, transform_indices = @transform_4, window_bounds = array<i64: 1, 128>}, {transform_indices = @transform_5, window_bounds = array<i64: 400, 128>}]} {
    %get3A = arith.constant 0 : index
    %get3A_0 = arith.constant 0 : index
    %get3A_1 = vector.load %arg4[%get3A, %get3A_0] : memref<400x1xf32, #tpu.memory_space<vmem>>, vector<400x1xf32>
    %get3A_2 = arith.constant 0 : index
    %get3A_3 = arith.constant 0 : index
    %get3A_4 = arith.constant 0 : index
    %get3A_5 = vector.load %arg1[%get3A_2, %get3A_3, %get3A_4] : memref<1x400x128xf32, #tpu.memory_space<vmem>>, vector<1x400x128xf32>
    %get3A_6 = vector.shape_cast %get3A_5 : vector<1x400x128xf32> to vector<400x128xf32>
    %get3A_7 = arith.constant 0 : index
    %get3A_8 = arith.constant 0 : index
    %get3A_9 = arith.constant 0 : index
    %get3A_10 = vector.load %arg2[%get3A_7, %get3A_8, %get3A_9] : memref<1x400x128xf32, #tpu.memory_space<vmem>>, vector<1x400x128xf32>
    %get3A_11 = vector.shape_cast %get3A_10 : vector<1x400x128xf32> to vector<400x128xf32>
    %add3A = arith.addf %get3A_6, %get3A_11 : vector<400x128xf32>
    %get3A_12 = arith.constant 0 : index
    %get3A_13 = arith.constant 0 : index
    %get3A_14 = vector.load %arg3[%get3A_12, %get3A_13] : memref<400x128xf32, #tpu.memory_space<vmem>>, vector<400x128xf32>
    %add3A_15 = arith.addf %add3A, %get3A_14 : vector<400x128xf32>
    %mul3A = vector.broadcast %get3A_1 : vector<400x1xf32> to vector<400x128xf32>
    %mul3A_16 = arith.mulf %mul3A, %add3A_15 : vector<400x128xf32>
    %get3A_17 = arith.constant 0 : index
    %get3A_18 = arith.constant 0 : index
    %get3A_19 = vector.load %arg5[%get3A_17, %get3A_18] : memref<1x128xf32, #tpu.memory_space<vmem>>, vector<1x128xf32>
    %add3A_20 = vector.broadcast %get3A_19 : vector<1x128xf32> to vector<400x128xf32>
    %add3A_21 = arith.addf %mul3A_16, %add3A_20 : vector<400x128xf32>
    %max3A = arith.constant 0.000000e+00 : f32
    %max3A_22 = vector.broadcast %max3A : f32 to vector<400x128xf32>
    %max3A_23 = arith.maximumf %add3A_21, %max3A_22 : vector<400x128xf32>
    %swap3A = arith.constant 0 : index
    %swap3A_24 = arith.constant 0 : index
    %swap3A_25 = vector.load %arg6[%swap3A, %swap3A_24] : memref<400x128xf32, #tpu.memory_space<vmem>>, vector<400x128xf32>
    tpu.vector_store %arg6[%swap3A, %swap3A_24], %max3A_23 {strides = array<i32>} : memref<400x128xf32, #tpu.memory_space<vmem>>, vector<400x128xf32>,
    return
  }
  func.func @transform_0(%arg0: i32) -> (i32, i32, i32) {
    %c0_i32 = arith.constant 0 : i32
    %c0_i32_0 = arith.constant 0 : i32
    %c0_i32_1 = arith.constant 0 : i32
    return %c0_i32, %arg0, %c0_i32_0 : i32, i32, i32
  }
  func.func @transform_1(%arg0: i32) -> (i32, i32, i32) {
    %c1_i32 = arith.constant 1 : i32
    %c0_i32 = arith.constant 0 : i32
    %c0_i32_0 = arith.constant 0 : i32
    return %c1_i32, %arg0, %c0_i32 : i32, i32, i32
  }
  func.func @transform_2(%arg0: i32) -> (i32, i32) {
    %c0_i32 = arith.constant 0 : i32
    %c0_i32_0 = arith.constant 0 : i32
    return %arg0, %c0_i32 : i32, i32
  }
  func.func @transform_3(%arg0: i32) -> (i32, i32) {
    %c0_i32 = arith.constant 0 : i32
    %c0_i32_0 = arith.constant 0 : i32
    return %arg0, %c0_i32 : i32, i32
  }
  func.func @transform_4(%arg0: i32) -> (i32, i32) {
    %c0_i32 = arith.constant 0 : i32
    %c0_i32_0 = arith.constant 0 : i32
    %c0_i32_1 = arith.constant 0 : i32
    return %c0_i32, %c0_i32_0 : i32, i32
  }
  func.func @transform_5(%arg0: i32) -> (i32, i32) {
    %c0_i32 = arith.constant 0 : i32
    %c0_i32_0 = arith.constant 0 : i32
    return %arg0, %c0_i32 : i32, i32
  }
}

</mosaic_0001>

<sc_bundles>
// kernel: kernel.6.cloned.1.call-start
scs
__scs_entry_jumppad:
0x0: {  	(pc) =	sbr.rel $0x88, $3  }
0x1: {  	(tag) =	ssettag $0x0;
	lr =	simm.s32 $0x1  }
0x2: {  	[smem:$0x3F9D] =	sst lr;
	_ =	strace $0xD0000000  }
0x3: {  	_ = 	snop  }
0x4: {  	_ = 	snop  }
0x5: {  	_ = 	snop  }
0x6: {  	_ = 	snop  }
0x7: {  	_ = 	snop  }
__scs_overlays_trampoline_lowered:
0x8: {  	[smem:$0x3FAC] =	sst s0  }
0x9: {  	[smem:$0x3FAD] =	sst s1  }
0xa: {  	[smem:$0x3FAE] =	sst s2  }
0xb: {  	[smem:$0x3FAF] =	sst s3  }
0xc: {  	[smem:$0x3FB0] =	sst s4  }
0xd: {  	[smem:$0x3FB1] =	sst s5  }
0xe: {  	[smem:$0x3FB2] =	sst s6  }
0xf: {  	[smem:$0x3FB3] =	sst s7  }
0x10: {  	[smem:$0x3FB4] =	sst s8  }
0x11: {  	[smem:$0x3FB5] =	sst s9;
	s0 =	simm.s32 @!p0 $0x0  }
0x12: {  	s1 =	sld [smem:$0x3F9B];
	s0 =	simm.s32 @p0 $0x1  }
0x13: {  	[smem:$0x3FB6] =	sst s0;
	s0 =	simm.s32 @!p1 $0x0  }
0x14: {  	s2 =	sld [smem:$0x3F9A];
	s0 =	simm.s32 @p1 $0x1  }
0x15: {  	[smem:$0x3FB7] =	sst s0;
	s0 =	simm.s32 @!p2 $0x0  }
0x16: {  	s3 =	sld [smem:$0x3FDB];
	s0 =	simm.s32 @p2 $0x1  }
0x17: {  	s4 =	simm.s32 $0x1BF5;
	[smem:$0x3FB9] =	sst s0  }
0x18: {  	s0 =	sld [smem:$0x3F9C];
	_ =	swait.ge [sflag:s4], $0x0  }
0x19: {  	s7 =	sld [smem:$0x3F9D]  }
0x1a: {  	s8 =	sadd.s32 $0xFFFFE003, lr  }
0x1b: {  	s9 =	sadd.s32 $0xFFFFFEF7, lr;
	s5 =	simm.s32 $0xFFFFFFFF;
	p2 =	slt.u32 s8, $0xFFFFF086  }
0x1c: {  	p1 =	slt.u32 s9, $0xF7A;
	s5 =	simm.s32 @!p2 $0x0  }
0x1d: {  	s5 =	simm.s32 @p1 $0x1;
	p0 =	seq.s32 s7, s2  }
0x1e: {  	s7 =	smul.u32 @!p0 $0xF7A, s2;
	p2 =	seq.s32 @!p0 s5, $0x0  }
0x1f: {  	s9 =	smul.u32 $0xF7A, s1;
	s8 =	simm.s32 @!p0 $0x1BF5;
	p2 =	por !p2, p0  }
0x20: {  	[sflag:s8] =	ssyncset.s32 @!p0 $0xFFFFF086;
	s6 =	sadd.s32 @!p0 s3, s7;
	s7 =	simm.s32 @!p0 $0x108  }
0x21: {  	s3 =	sadd.s32 s3, s9;
	s6 =	sadd.s32 @!p0 $0x88, s6;
	s7 =	simm.s32 @p2 $0x1082  }
0x22: {  	[simem:s7], [sflag:s8] =	dma.local @!p0 [hbm:s6], $0xF7A  }
0x23: {  	s9 =	sor.u32 $0xD0000000, s2;
	s6 =	simm.s32 $0x108;
	_ =	swait.ge @!p0 [sflag:s8], $0x0  }
0x24: {  	s3 =	sadd.s32 $0x88, s3;
	s6 =	simm.s32 @!p1 $0x1082;
	[sflag:s4] =	ssyncset.s32 $0xFFFFF086  }
0x25: {  	[simem:s6], [sflag:s4] =	dma.local [hbm:s3], $0xF7A  }
0x26: {  	[smem:$0x3F9D] =	sst s1;
	(tag) =	ssettag s2;
	_ =	strace s9  }
0x27: {  	s1 =	sld [smem:$0x3FAD]  }
0x28: {  	s2 =	sld [smem:$0x3FAE]  }
0x29: {  	s4 =	sld [smem:$0x3FB0]  }
0x2a: {  	p0 =	seq.s32 s5, $0x0;
	s5 =	sld [smem:$0x3FB1]  }
0x2b: {  	s6 =	sld [smem:$0x3FB2]  }
0x2c: {  	s7 =	sld [smem:$0x3FB3]  }
0x2d: {  	s3 =	simm.s32 $0x108;
	s8 =	sld [smem:$0x3FB4]  }
0x2e: {  	s3 =	simm.s32 @!p0 $0x1082;
	s9 =	sld [smem:$0x3FB5]  }
0x2f: {  	lr =	sadd.s32 s0, s3;
	s0 =	sld [smem:$0x3FAC]  }
0x30: {  	s3 =	sld [smem:$0x3FAF]  }
0x31: {  	[smem:$0x3FB8] =	sst s10  }
0x32: {  	s10 =	sld [smem:$0x3FB6];
	_ =	sdelay $0x3  }
0x33: {  	p0 =	seq.s32 s10, $0x1;
	s10 =	sld [smem:$0x3FB8];
	_ =	sdelay $0x3  }
0x34: {  	[smem:$0x3FB8] =	sst s10  }
0x35: {  	s10 =	sld [smem:$0x3FB7];
	_ =	sdelay $0x3  }
0x36: {  	p1 =	seq.s32 s10, $0x1;
	s10 =	sld [smem:$0x3FB8];
	_ =	sdelay $0x3  }
0x37: {  	[smem:$0x3FB8] =	sst s10  }
0x38: {  	s10 =	sld [smem:$0x3FB9]  }
0x39: {  	_ = 	snop;
	(pc) =	sbr.ind lr, $3  }
0x3a: {  	_ = 	snop  }
0x3b: {  	_ = 	snop  }
0x3c: {  	p2 =	seq.s32 s10, $0x1;
	s10 =	sld [smem:$0x3FB8]  }
0x3d: {  	_ =	shalt  }
0x3e: {  	_ =	shalt  }
0x3f: {  	_ =	shalt  }
0x40: {  	_ =	shalt  }
0x41: {  	_ =	shalt  }
0x42: {  	_ =	shalt  }
0x43: {  	_ =	shalt  }
0x44: {  	_ =	shalt  }
0x45: {  	_ =	shalt  }
0x46: {  	_ =	shalt  }
0x47: {  	_ =	shalt  }
0x48: {  	_ =	shalt  }
0x49: {  	_ =	shalt  }
0x4a: {  	_ =	shalt  }
0x4b: {  	_ =	shalt  }
0x4c: {  	_ =	shalt  }
0x4d: {  	_ =	shalt  }
0x4e: {  	_ =	shalt  }
0x4f: {  	_ =	shalt  }
0x50: {  	_ =	shalt  }
0x51: {  	_ =	shalt  }
0x52: {  	_ =	shalt  }
0x53: {  	_ =	shalt  }
0x54: {  	_ =	shalt  }
0x55: {  	_ =	shalt  }
0x56: {  	_ =	shalt  }
0x57: {  	_ =	shalt  }
0x58: {  	_ =	shalt  }
0x59: {  	_ =	shalt  }
0x5a: {  	_ =	shalt  }
0x5b: {  	_ =	shalt  }
0x5c: {  	_ =	shalt  }
0x5d: {  	_ =	shalt  }
0x5e: {  	_ =	shalt  }
0x5f: {  	_ =	shalt  }
0x60: {  	_ =	shalt  }
0x61: {  	_ =	shalt  }
0x62: {  	_ =	shalt  }
0x63: {  	_ =	shalt  }
0x64: {  	_ =	shalt  }
0x65: {  	_ =	shalt  }
0x66: {  	_ =	shalt  }
0x67: {  	_ =	shalt  }
0x68: {  	_ =	shalt  }
0x69: {  	_ =	shalt  }
0x6a: {  	_ =	shalt  }
0x6b: {  	_ =	shalt  }
0x6c: {  	_ =	shalt  }
0x6d: {  	_ =	shalt  }
0x6e: {  	_ =	shalt  }
0x6f: {  	_ =	shalt  }
0x70: {  	_ =	shalt  }
0x71: {  	_ =	shalt  }
0x72: {  	_ =	shalt  }
0x73: {  	_ =	shalt  }
0x74: {  	_ =	shalt  }
0x75: {  	_ =	shalt  }
0x76: {  	_ =	shalt  }
0x77: {  	_ =	shalt  }
0x78: {  	_ =	shalt  }
0x79: {  	_ =	shalt  }
0x7a: {  	_ =	shalt  }
0x7b: {  	_ =	shalt  }
0x7c: {  	_ =	shalt  }
0x7d: {  	_ =	shalt  }
0x7e: {  	_ =	shalt  }
0x7f: {  	_ =	shalt  }
0x80: {  	_ =	shalt  }
0x81: {  	_ =	shalt  }
0x82: {  	_ =	shalt  }
0x83: {  	_ =	shalt  }
0x84: {  	_ =	shalt  }
0x85: {  	_ =	shalt  }
0x86: {  	_ =	shalt  }
0x87: {  	_ =	shalt  }
.Lfunc_end0:
.L_simem_size_0:
called_computation_lowered:
.L_overlay_start_0:
0x88: {  	s2 =	sld [smem:$0x3FD9]  }
0x89: {  	s3 =	sld [smem:$0x3FFE];
	_ =	sdelay $0x1  }
0x8a: {  	s1 =	srdreg.scid  }
0x8b: {  	s0 =	sand.u32 $0x1, s1  }
0x8c: {  	s17 =	sshll.u32 s0, $0xA;
	s2 =	sadd.s32 s3, s2  }
0x8d: {  	s2 =	sadd.s32 s2, s17  }
0x8e: {  	[smem:$0x3FC4] =	sst s2  }
0x8f: {  	_ = 	snop  }
0x90: {  	s2 =	sld [smem:$0x3FD0];
	(tm) =	ssettm $0x1  }
0x91: {  	s18 =	sld [smem:$0x3FFB];
	_ =	sdelay $0x3  }
0x92: {  	_ =	strace s18  }
0x93: {  	s3 =	sld [smem:$0x3FFC];
	_ =	sdelay $0x3  }
0x94: {  	_ =	strace s3  }
0x95: {  	s3 =	sld [smem:$0x3FFD];
	_ =	sdelay $0x3  }
0x96: {  	_ =	strace s3  }
0x97: {  	_ =	strace $0x8FFFFFFF  }
0x98: {  	s19 =	sld [smem:$0x3FDB];
	_ =	sdelay $0x1  }
0x99: {  	s4 =	simm.s32 $_scs_section_size  }
0x9a: {  	s5 =	simm.s32 $_size__tile_overlayer_lowered;
	s6 =	simm.s32 $_tile_overlayer_lowered  }
0x9b: {  	s22 =	simm.s32 $0x1BFF;
	s21 =	sshll.u32 s6, $0x1;
	s3 =	sadd.s32 s4, s19  }
0x9c: {  	s7 =	simm.s32 $0x0;
	s20 =	sshll.u32 s5, $0x1;
	s5 =	sadd.s32 s21, s3  }
0x9d: {  	[timem:s7], [sflag:s22] =	dma.local [hbm:s5], s20  }
0x9e: {  	_ =	swait.ge [sflag:s22], s20  }
0x9f: {  	s4 =	ssub.s32 $0x0, s20;
	[sflag:s22] =	ssyncset.done $0x0  }
0xa0: {  	[sflag:s22] =	ssyncadd.s32 s4;
	_ =	sdelay $0x1  }
0xa1: {  	s23 =	simm.s32 $0x1B8B  }
0xa2: {  	_ =	swait.ge [sflag:s23], $0x1  }
0xa3: {  	[sflag:s23] =	ssyncset.done $0x0  }
0xa4: {  	s25 =	simm.s32 $0x1B8E;
	s24 =	sld [smem:$0x3FFE];
	[sflag:s23] =	ssyncadd.s32 $0xFFFFFFFF  }
0xa5: {  	s26 =	simm.s32 $execute0_lowered;
	[smem:$0x3FD2] =	sst s25  }
0xa6: {  	s5 =	sshll.u32 s26, $0x1;
	_ =	strace $0x80000046;
	[dreg:$0x1] =	wrdreg $0xFFFFFFFF  }
0xa7: {  	s28 =	simm.s32 $_size_execute0_lowered;
	s3 =	sadd.s32 s3, s5;
	[dreg:$0x0] =	wrdreg $0x0  }
0xa8: {  	s5 =	sshll.u32 s28, $0x1;
	[dreg:$0x2] =	wrdreg s3  }
0xa9: {  	[dreg:$0x3] =	wrdreg s5  }
0xaa: {  	[dreg:$0x4] =	wrdreg $0xC0  }
0xab: {  	_ =	task [dreg:s7], $0x5FFFF  }
0xac: {  	[dreg:$0x1] =	wrdreg $0xFFFFFFFF  }
0xad: {  	[dreg:$0x0] =	wrdreg $0x60  }
0xae: {  	[dreg:$0x2] =	wrdreg s24  }
0xaf: {  	[dreg:$0x3] =	wrdreg s2  }
0xb0: {  	[dreg:$0x4] =	wrdreg $0x0  }
0xb1: {  	[dreg:$0x5] =	wrdreg $0x9  }
0xb2: {  	_ =	task.clear_ibuf [dreg:s7], $0x6FFFF;
	_ =	strace $0x90000046  }
0xb3: {  	s29 =	simm.s32 $0x9;
	_ =	strace $0x80000048  }
0xb4: {  	_ =	swait.ge [sflag:s29], $0x1  }
0xb5: {  	[sflag:s29] =	ssyncadd.s32 $0xFFFFFFFF  }
0xb6: {  	_ =	strace $0x90000048  }
0xb7: {  	_ =	sfence  }
0xb8: {  	s30 =	sld [smem:$0x0];
	_ =	sdelay $0x2  }
0xb9: {  	s31 =	sshll.u32 s1, $0xD;
	s1 =	sshrl.u32 s1, $0x2  }
0xba: {  	s3 =	sand.u32 $0x4000, s31;
	s1 =	sadd.s32 s1, s30  }
0xbb: {  	s0 =	sor.u32 s3, s0;
	s1 =	sshll.u32 s1, $0x11  }
0xbc: {  	s0 =	sor.u32 s1, s0  }
0xbd: {  	s0 =	sadd.s32 $0x8F2B, s0  }
0xbe: {  	[sflag:s0] =	ssyncadd.remote.s32 $0x1  }
0xbf: {  	_ =	sfence.sel $0xFFFF  }
0xc0: {  	[dreg:$0x0] =	wrdreg $0xFFFFFFFF;
	(pc) =	sbr.abs _section_cstart, $3  }
0xc1: {  	[dreg:$0x1] =	wrdreg $0xFFFFFFFF  }
0xc2: {  	_ =	task.clear_ibuf [dreg:s7], $0x2FFFF;
	_ =	strace $0x9FFFFFFF  }
0xc3: {  	(tm) =	ssettm $0x7FFFFFFF  }
tec
execute0_lowered:
.L_overlay_start_1:
0x0: {  	(tag) =	ssettag $0x1  }
0x1: {  	s0 =	rddreg [dreg:$0x0]  }
0x2: {  	s1 =	srdreg.scid;
	s10 =	rddreg [dreg:$0x1]  }
0x3: {  	s2 =	rddreg [dreg:$0x2];
	s13 =	stileid.u32  }
0x4: {  	s3 =	simm.s32 $0x0;
	s18 =	simm.s32 $0x7;
	s19 =	simm.s32 $0x280  }
0x5: {  	s20 =	simm.s32 $0x300;
	s21 =	simm.s32 $0x1;
	s22 =	simm.s32 $0x80  }
0x6: {  	s23 =	simm.s32 $0x400;
	s28 =	simm.s32 $0x3;
	s29 =	simm.s32 $0x5  }
0x7: {  	s30 =	simm.s32 $0x6;
	s31 =	simm.s32 $0x780;
	s7 =	smul.u32 $0xA00, s13  }
0x8: {  	s1 =	sand.u32 $0x1, s1;
	[smem:$0x7FF] =	sst s3;
	s8 =	smul.u32 $0x500, s13  }
0x9: {  	s0 =	sadd.s32 $0x1A00, s0;
	s14 =	smul.u32 $0x2710, s13;
	s4 =	sshll.u32 s1, $0x4  }
0xa: {  	s5 =	ssub.s32 $0x2, s1;
	_ =	strace $0x80000047;
	s9 =	sshll.u32 s1, $0x7  }
0xb: {  	s1 =	smul.u32 $0x27100, s1;
	s4 =	sor.u32 s13, s4;
	s6 =	sshrl.u32 s5, $0x1  }
0xc: {  	s24 =	sshrl.u32 s7, $0x2;
	s9 =	sor.u32 s9, s8;
	s4 =	smul.u32 $0x2710, s4  }
0xd: {  	s11 =	ssub.s32 s5, s6;
	s5 =	sadd.s32 s24, s2;
	s12 =	sshrl.u32 s9, $0x3  }
0xe: {  	s1 =	sadd.s32 s14, s1;
	s24 =	simm.s32 $0x380;
	s10 =	sadd.s32 s10, s12  }
0xf: {  	s11 =	smax.u32 s11, $0x1;
	s14 =	sadd.s32 $0x300, s1;
	s15 =	sadd.s32 $0x280, s1  }
0x10: {  	s1 =	sadd.s32 $0x200, s1;
	s4 =	sshrl.u32 s4, $0x3;
	s14 =	sshrl.u32 s14, $0x3  }
0x11: {  	s15 =	sshrl.u32 s15, $0x3;
	s1 =	sshrl.u32 s1, $0x3;
	s4 =	sadd.s32 s0, s4  }
0x12: {  	s14 =	sadd.s32 s14, s0;
	s15 =	sadd.s32 s15, s0;
	s16 =	sadd.s32 s1, s0  }
0x13: {  	s0 =	simm.s32 $0x10;
	s1 =	simm.s32 $0x0;
	s25 =	sadd.s32 $0x10, s4  }
0x14: {  	s26 =	sadd.s32 $0x20, s4;
	s8 =	sadd.s32 $0x30, s4;
	s9 =	sadd.s32 $0x4E0, s4  }
0x15: {  	s12 =	sadd.s32 $0x4C0, s4;
	s13 =	sadd.s32 $0x4D0, s4;
	[dreg:$0x4] =	wrdreg s25  }
0x16: {  	v0 =	vimm.f32 $1.000000000e+00;
	v1 =	vimm.f32 $0.0e+00;
	[dreg:$0x5] =	wrdreg s26;
	s25 =	simm.s32 $0x2;
	s26 =	simm.s32 $0x4  }
.LBB2_1:
0x17: {  	[tilespmem:$0x400] =	vst v0  }
0x18: {  	[tilespmem:$0x410] =	vst v0  }
0x19: {  	[tilespmem:$0x420] =	vst v0  }
0x1a: {  	[tilespmem:$0x430] =	vst v0  }
0x1b: {  	[tilespmem:$0x440] =	vst v0  }
0x1c: {  	[tilespmem:$0x450] =	vst v0  }
0x1d: {  	[tilespmem:$0x460] =	vst v0  }
0x1e: {  	[tilespmem:$0x470] =	vst v0  }
0x1f: {  	[tilespmem:$0x480] =	vst v0  }
0x20: {  	[tilespmem:$0x500] =	vst v1  }
0x21: {  	[tilespmem:$0x510] =	vst v1  }
0x22: {  	[tilespmem:$0x520] =	vst v1  }
0x23: {  	[tilespmem:$0x530] =	vst v1  }
0x24: {  	[tilespmem:$0x540] =	vst v1  }
0x25: {  	[tilespmem:$0x550] =	vst v1  }
0x26: {  	[tilespmem:$0x560] =	vst v1  }
0x27: {  	[tilespmem:$0x570] =	vst v1  }
0x28: {  	[tilespmem:$0x580] =	vst v1  }
0x29: {  	[tilespmem:$0x590] =	vst v1  }
0x2a: {  	[tilespmem:$0x5A0] =	vst v1  }
0x2b: {  	[tilespmem:$0x5B0] =	vst v1  }
0x2c: {  	[tilespmem:$0x5C0] =	vst v1  }
0x2d: {  	[tilespmem:$0x5D0] =	vst v1  }
0x2e: {  	[tilespmem:$0x5E0] =	vst v1  }
0x2f: {  	[tilespmem:$0x5F0] =	vst v1  }
0x30: {  	[tilespmem:$0x600] =	vst v1  }
0x31: {  	[tilespmem:$0x610] =	vst v1  }
0x32: {  	[tilespmem:$0x620] =	vst v1  }
0x33: {  	[tilespmem:$0x630] =	vst v1  }
0x34: {  	[tilespmem:$0x640] =	vst v1  }
0x35: {  	[tilespmem:$0x650] =	vst v1  }
0x36: {  	[tilespmem:$0x660] =	vst v1  }
0x37: {  	[tilespmem:$0x670] =	vst v1  }
0x38: {  	[tilespmem:$0x680] =	vst v1  }
0x39: {  	[tilespmem:$0x690] =	vst v1  }
0x3a: {  	[tilespmem:$0x6A0] =	vst v1  }
0x3b: {  	[tilespmem:$0x6B0] =	vst v1  }
0x3c: {  	[tilespmem:$0x6C0] =	vst v1  }
0x3d: {  	[tilespmem:$0x6D0] =	vst v1  }
0x3e: {  	[tilespmem:$0x6E0] =	vst v1  }
0x3f: {  	[tilespmem:$0x6F0] =	vst v1  }
0x40: {  	[tilespmem:$0x700] =	vst v1  }
0x41: {  	[tilespmem:$0x710] =	vst v1  }
0x42: {  	[tilespmem:$0x720] =	vst v1  }
0x43: {  	[tilespmem:$0x730] =	vst v1  }
0x44: {  	[tilespmem:$0x740] =	vst v1  }
0x45: {  	[tilespmem:$0x750] =	vst v1  }
0x46: {  	[tilespmem:$0x760] =	vst v1  }
0x47: {  	[tilespmem:$0x770] =	vst v1;
	s6 =	simm.s32 $0x500  }
0x48: {  	[spmem:s5] =	stream.linear.scatter [tilespmem:s6], [sflag:$0x7], $0x280, $0x38;
	[tilespmem:$0x800] =	vst v63  }
0x49: {  	_ =	swait.ge [sflag:s18], $0x280  }
0x4a: {  	[sflag:s18] =	ssyncset.done $0x0  }
0x4b: {  	[sflag:s18] =	ssyncadd.s32 $0xFFFFFD80  }
0x4c: {  	[bflag:$0x0] =	sbarrier.arrive $0xFFFF  }
0x4d: {  	[tilespmem:s19], [sflag:$0x1] =	stream.linear.gather [hbm4b:s4+s3], $0x80, $0x38;
	[tilespmem:$0x800] =	vst v63  }
0x4e: {  	s7 =	rddreg [dreg:$0x4]  }
0x4f: {  	[tilespmem:s20], [sflag:$0x2] =	stream.linear.gather [hbm4b:s7+s3], $0x80, $0x38;
	[tilespmem:$0x800] =	vst v63  }
0x50: {  	_ =	swait.ge [sflag:s21], $0x80  }
0x51: {  	[sflag:s21] =	ssyncset.done $0x0  }
0x52: {  	[sflag:s21] =	ssyncadd.s32 $0xFFFFFF80  }
0x53: {  	[spmem:s2] =	stream.indirect.scatter.add.f32 [tilespmem:s23], [sflag:$0x4], $0x1, s19, s22, $0xb8;
	[tilespmem:$0x800] =	vst v63  }
0x54: {  	s17 =	rddreg [dreg:$0x5]  }
0x55: {  	[tilespmem:s24], [sflag:$0x3] =	stream.linear.gather [hbm4b:s17+s3], $0x80, $0x38;
	[tilespmem:$0x800] =	vst v63  }
0x56: {  	_ =	swait.ge [sflag:s25], $0x80  }
0x57: {  	[sflag:s25] =	ssyncset.done $0x0  }
0x58: {  	[sflag:s25] =	ssyncadd.s32 $0xFFFFFF80  }
0x59: {  	[spmem:s2] =	stream.indirect.scatter.add.f32 [tilespmem:s23], [sflag:$0x5], $0x1, s20, s22, $0xb8;
	[tilespmem:$0x800] =	vst v63  }
0x5a: {  	_ =	swait.ge [sflag:s26], $0x80  }
0x5b: {  	[sflag:s26] =	ssyncset.done $0x0  }
0x5c: {  	[sflag:s26] =	ssyncadd.s32 $0xFFFFFF80  }
0x5d: {  	[tilespmem:s19], [sflag:$0x1] =	stream.linear.gather [hbm4b:s8+s3], $0x80, $0x38;
	[tilespmem:$0x800] =	vst v63  }
0x5e: {  	_ =	swait.ge [sflag:s28], $0x80  }
0x5f: {  	[sflag:s28] =	ssyncset.done $0x0  }
0x60: {  	[sflag:s28] =	ssyncadd.s32 $0xFFFFFF80  }
0x61: {  	[spmem:s2] =	stream.indirect.scatter.add.f32 [tilespmem:s23], [sflag:$0x6], $0x1, s24, s22, $0xb8;
	[tilespmem:$0x800] =	vst v63  }
0x62: {  	_ =	swait.ge [sflag:s29], $0x80  }
0x63: {  	[sflag:s29] =	ssyncset.done $0x0  }
0x64: {  	s17 =	sadd.s32 $0x0, s16;
	[sflag:s29] =	ssyncadd.s32 $0xFFFFFF80  }
0x65: {  	[tilespmem:s20], [sflag:$0x2] =	stream.linear.gather [hbm4b:s17+s3], $0x80, $0x38;
	[tilespmem:$0x800] =	vst v63  }
0x66: {  	_ =	swait.ge [sflag:s21], $0x80  }
0x67: {  	[sflag:s21] =	ssyncset.done $0x0  }
0x68: {  	[sflag:s21] =	ssyncadd.s32 $0xFFFFFF80  }
0x69: {  	[spmem:s2] =	stream.indirect.scatter.add.f32 [tilespmem:s23], [sflag:$0x4], $0x1, s19, s22, $0xb8;
	[tilespmem:$0x800] =	vst v63  }
0x6a: {  	_ =	swait.ge [sflag:s30], $0x80  }
0x6b: {  	[sflag:s30] =	ssyncset.done $0x0  }
0x6c: {  	s6 =	sadd.s32 $0x0, s15;
	[sflag:s30] =	ssyncadd.s32 $0xFFFFFF80  }
0x6d: {  	[tilespmem:s24], [sflag:$0x3] =	stream.linear.gather [hbm4b:s6+s3], $0x80, $0x38;
	[tilespmem:$0x800] =	vst v63  }
0x6e: {  	_ =	swait.ge [sflag:s25], $0x80  }
0x6f: {  	[sflag:s25] =	ssyncset.done $0x0  }
0x70: {  	[sflag:s25] =	ssyncadd.s32 $0xFFFFFF80  }
0x71: {  	[spmem:s2] =	stream.indirect.scatter.add.f32 [tilespmem:s23], [sflag:$0x5], $0x1, s20, s22, $0xb8;
	[tilespmem:$0x800] =	vst v63  }
0x72: {  	_ =	swait.ge [sflag:s26], $0x80  }
0x73: {  	[sflag:s26] =	ssyncset.done $0x0  }
0x74: {  	s7 =	sadd.s32 $0x0, s14;
	[sflag:s26] =	ssyncadd.s32 $0xFFFFFF80  }
0x75: {  	[tilespmem:s19], [sflag:$0x1] =	stream.linear.gather [hbm4b:s7+s3], $0x80, $0x38;
	[tilespmem:$0x800] =	vst v63  }
0x76: {  	_ =	swait.ge [sflag:s28], $0x80  }
0x77: {  	[sflag:s28] =	ssyncset.done $0x0  }
0x78: {  	s17 =	simm.s32 $0x30;
	[sflag:s28] =	ssyncadd.s32 $0xFFFFFF80  }
.LBB2_2:
0x79: {  	[spmem:s2] =	stream.indirect.scatter.add.f32 [tilespmem:s23], [sflag:$0x6], $0x1, s24, s22, $0xb8;
	[tilespmem:$0x800] =	vst v63  }
0x7a: {  	s6 =	smov.u32 s17  }
0x7b: {  	p0 =	sne.s32 s17, $0x450;
	s17 =	sadd.s32 $0x30, s17;
	_ =	swait.ge [sflag:s29], $0x80  }
0x7c: {  	[sflag:s29] =	ssyncset.done $0x0  }
0x7d: {  	s7 =	sadd.s32 s6, s16;
	[sflag:s29] =	ssyncadd.s32 $0xFFFFFF80  }
0x7e: {  	[tilespmem:s20], [sflag:$0x2] =	stream.linear.gather [hbm4b:s7+s3], $0x80, $0x38;
	[tilespmem:$0x800] =	vst v63  }
0x7f: {  	_ =	swait.ge [sflag:s21], $0x80  }
0x80: {  	[sflag:s21] =	ssyncset.done $0x0  }
0x81: {  	[sflag:s21] =	ssyncadd.s32 $0xFFFFFF80  }
0x82: {  	[spmem:s2] =	stream.indirect.scatter.add.f32 [tilespmem:s23], [sflag:$0x4], $0x1, s19, s22, $0xb8;
	[tilespmem:$0x800] =	vst v63  }
0x83: {  	_ =	swait.ge [sflag:s30], $0x80  }
0x84: {  	[sflag:s30] =	ssyncset.done $0x0  }
0x85: {  	s7 =	sadd.s32 s6, s15;
	[sflag:s30] =	ssyncadd.s32 $0xFFFFFF80  }
0x86: {  	[tilespmem:s24], [sflag:$0x3] =	stream.linear.gather [hbm4b:s7+s3], $0x80, $0x38;
	[tilespmem:$0x800] =	vst v63  }
0x87: {  	_ =	swait.ge [sflag:s25], $0x80  }
0x88: {  	[sflag:s25] =	ssyncset.done $0x0  }
0x89: {  	[sflag:s25] =	ssyncadd.s32 $0xFFFFFF80  }
0x8a: {  	[spmem:s2] =	stream.indirect.scatter.add.f32 [tilespmem:s23], [sflag:$0x5], $0x1, s20, s22, $0xb8;
	[tilespmem:$0x800] =	vst v63  }
0x8b: {  	_ =	swait.ge [sflag:s26], $0x80  }
0x8c: {  	[sflag:s26] =	ssyncset.done $0x0  }
.Ltmp0:
0x8d: {  	s6 =	sadd.s32 s6, s14;
	[sflag:s26] =	ssyncadd.s32 $0xFFFFFF80;
	(pc) =	sbr.rel @p0 .LBB2_2-.Ltmp0, $4  }
0x8e: {  	[tilespmem:s19], [sflag:$0x1] =	stream.linear.gather [hbm4b:s6+s3], $0x80, $0x38;
	[tilespmem:$0x800] =	vst v63  }
0x8f: {  	_ =	swait.ge [sflag:s28], $0x80  }
0x90: {  	[sflag:s28] =	ssyncset.done $0x0  }
0x91: {  	[sflag:s28] =	ssyncadd.s32 $0xFFFFFF80  }
0x92: {  	[spmem:s2] =	stream.indirect.scatter.add.f32 [tilespmem:s23], [sflag:$0x6], $0x1, s24, s22, $0xb8;
	[tilespmem:$0x800] =	vst v63  }
0x93: {  	_ =	swait.ge [sflag:s29], $0x80  }
0x94: {  	[sflag:s29] =	ssyncset.done $0x0  }
0x95: {  	[sflag:s29] =	ssyncadd.s32 $0xFFFFFF80  }
0x96: {  	[tilespmem:s20], [sflag:$0x2] =	stream.linear.gather [hbm4b:s12+s3], $0x80, $0x38;
	[tilespmem:$0x800] =	vst v63  }
0x97: {  	_ =	swait.ge [sflag:s21], $0x80  }
0x98: {  	[sflag:s21] =	ssyncset.done $0x0  }
0x99: {  	[sflag:s21] =	ssyncadd.s32 $0xFFFFFF80  }
0x9a: {  	[spmem:s2] =	stream.indirect.scatter.add.f32 [tilespmem:s23], [sflag:$0x4], $0x1, s19, s22, $0xb8;
	[tilespmem:$0x800] =	vst v63  }
0x9b: {  	_ =	swait.ge [sflag:s30], $0x80  }
0x9c: {  	[sflag:s30] =	ssyncset.done $0x0  }
0x9d: {  	[sflag:s30] =	ssyncadd.s32 $0xFFFFFF80  }
0x9e: {  	[tilespmem:s24], [sflag:$0x3] =	stream.linear.gather [hbm4b:s13+s3], $0x80, $0x38;
	[tilespmem:$0x800] =	vst v63  }
0x9f: {  	_ =	swait.ge [sflag:s25], $0x80  }
0xa0: {  	[sflag:s25] =	ssyncset.done $0x0  }
0xa1: {  	[sflag:s25] =	ssyncadd.s32 $0xFFFFFF80  }
0xa2: {  	[spmem:s2] =	stream.indirect.scatter.add.f32 [tilespmem:s23], [sflag:$0x5], $0x1, s20, s22, $0xb8;
	[tilespmem:$0x800] =	vst v63  }
0xa3: {  	_ =	swait.ge [sflag:s26], $0x80  }
0xa4: {  	[sflag:s26] =	ssyncset.done $0x0  }
0xa5: {  	[sflag:s26] =	ssyncadd.s32 $0xFFFFFF80  }
0xa6: {  	_ =	swait.ge [sflag:s28], $0x80  }
0xa7: {  	[sflag:s28] =	ssyncset.done $0x0  }
0xa8: {  	[sflag:s28] =	ssyncadd.s32 $0xFFFFFF80  }
0xa9: {  	[spmem:s2] =	stream.indirect.scatter.add.f32 [tilespmem:s23], [sflag:$0x6], $0x1, s24, s22, $0xb8;
	[tilespmem:$0x800] =	vst v63  }
0xaa: {  	_ =	swait.ge [sflag:s29], $0x80  }
0xab: {  	[sflag:s29] =	ssyncset.done $0x0  }
0xac: {  	[sflag:s29] =	ssyncadd.s32 $0xFFFFFF80  }
0xad: {  	_ =	swait.ge [sflag:s30], $0x80  }
0xae: {  	[sflag:s30] =	ssyncset.done $0x0  }
0xaf: {  	[sflag:s30] =	ssyncadd.s32 $0xFFFFFF80  }
0xb0: {  	[tilespmem:s31], [sflag:$0x7] =	stream.linear.gather [hbm4b:s9+s3], $0x10, $0x38;
	[tilespmem:$0x800] =	vst v63  }
0xb1: {  	_ =	swait.ge [sflag:s18], $0x10  }
0xb2: {  	[sflag:s18] =	ssyncset.done $0x0  }
0xb3: {  	s6 =	simm.s32 $0x480;
	[sflag:s18] =	ssyncadd.s32 $0xFFFFFFF0  }
0xb4: {  	[spmem:s2] =	stream.indirect.scatter.add.f32 [tilespmem:s6], [sflag:$0x7], $0x1, s31, s0, $0xb8;
	[tilespmem:$0x800] =	vst v63  }
0xb5: {  	s17 =	stileid.u32;
	s1 =	sadd.s32 $0x1, s1;
	_ =	swait.ge [sflag:s18], $0x10  }
0xb6: {  	s7 =	sshrl.u32 s5, $0x3;
	p0 =	sne.s32 s1, s11;
	[sflag:s18] =	ssyncset.done $0x0  }
0xb7: {  	s6 =	sshll.u32 s17, $0x6;
	s17 =	simm.s32 $0x20;
	[sflag:s18] =	ssyncadd.s32 $0xFFFFFFF0  }
.Ltmp1:
0xb8: {  	s6 =	sor.u32 $0x1C07, s6;
	[bflag:$0x0] =	sbarrier.arrive $0xFFFF;
	(pc) =	sbr.rel @p0 .LBB2_1-.Ltmp1, $4  }
0xb9: {  	[hbm:s10@s17], [sflag:s6] =	dma.strided [spmem:s7@s0], $0x50, s21, $0x10   }
0xba: {  	_ =	swait.ge [sflag:s18], $0x50  }
0xbb: {  	[sflag:s18] =	ssyncset.done $0x0  }
0xbc: {  	[sflag:s18] =	ssyncadd.s32 $0xFFFFFFB0  }
0xbd: {  	_ =	sfence.sel $0x180000  }
0xbe: {  	[bflag:$0x0] =	sbarrier.arrive $0xFFFF  }
0xbf: {  	_ =	strace $0x90000047  }
0xc0: {  	s0 =	stileid.u32;
	[bflag:$0x2] =	sbarrier.arrive $0xFFFF  }
0xc1: {  	p0 =	sne.s32 s0, $0x0;
	s0 =	rddreg [dreg:$0x3]  }
0xc2: {  	s0 =	sadd.s32 @!p0 $0x100000, s0  }
0xc3: {  	[sflag:s0] =	ssyncadd.tile.s32 @!p0 $0x1;
	_ =	shalt  }
.Lfunc_end2:
_tile_overlayer_lowered:
.L_overlay_start_2:
0xc4: {  	(tag) =	ssettag $0x2  }
0xc5: {  	s0 =	rddreg [dreg:$0x0];
	s2 =	stileid.u32  }
0xc6: {  	s1 =	rddreg [dreg:$0x1];
	p0 =	sne.s32 s2, $0x0  }
0xc7: {  	s3 =	rddreg [dreg:$0x2];
	[bflag:$0x3] =	sbarrier.arrive $0xFFFF;
	s2 =	simm.s32 @!p0 $0x1C07  }
0xc8: {  	[timem:s3], [sflag:s2] =	dma.local @!p0 [hbm:s0], s1  }
0xc9: {  	s0 =	simm.s32 @!p0 $0x7  }
0xca: {  	_ =	swait.ge @!p0 [sflag:s0], s1  }
0xcb: {  	s1 =	ssub.s32 @!p0 $0x0, s1;
	[sflag:s0] =	ssyncset.done @!p0 $0x0  }
0xcc: {  	[sflag:s0] =	ssyncadd.s32 @!p0 s1  }
0xcd: {  	[bflag:$0x3] =	sbarrier.arrive $0xFFFF  }
0xce: {  	_ =	shalt  }

// kernel: kernel.9.cloned.1.call-start
scs
__scs_entry_jumppad:
0x0: {  	(pc) =	sbr.rel $0x88, $3  }
0x1: {  	(tag) =	ssettag $0x0;
	lr =	simm.s32 $0x1  }
0x2: {  	[smem:$0x3F9D] =	sst lr;
	_ =	strace $0xD0000000  }
0x3: {  	_ = 	snop  }
0x4: {  	_ = 	snop  }
0x5: {  	_ = 	snop  }
0x6: {  	_ = 	snop  }
0x7: {  	_ = 	snop  }
__scs_overlays_trampoline_lowered:
0x8: {  	[smem:$0x3FAC] =	sst s0  }
0x9: {  	[smem:$0x3FAD] =	sst s1  }
0xa: {  	[smem:$0x3FAE] =	sst s2  }
0xb: {  	[smem:$0x3FAF] =	sst s3  }
0xc: {  	[smem:$0x3FB0] =	sst s4  }
0xd: {  	[smem:$0x3FB1] =	sst s5  }
0xe: {  	[smem:$0x3FB2] =	sst s6  }
0xf: {  	[smem:$0x3FB3] =	sst s7  }
0x10: {  	[smem:$0x3FB4] =	sst s8  }
0x11: {  	[smem:$0x3FB5] =	sst s9;
	s0 =	simm.s32 @!p0 $0x0  }
0x12: {  	s1 =	sld [smem:$0x3F9B];
	s0 =	simm.s32 @p0 $0x1  }
0x13: {  	[smem:$0x3FB6] =	sst s0;
	s0 =	simm.s32 @!p1 $0x0  }
0x14: {  	s2 =	sld [smem:$0x3F9A];
	s0 =	simm.s32 @p1 $0x1  }
0x15: {  	[smem:$0x3FB7] =	sst s0;
	s0 =	simm.s32 @!p2 $0x0  }
0x16: {  	s3 =	sld [smem:$0x3FDB];
	s0 =	simm.s32 @p2 $0x1  }
0x17: {  	s4 =	simm.s32 $0x1BF5;
	[smem:$0x3FB9] =	sst s0  }
0x18: {  	s0 =	sld [smem:$0x3F9C];
	_ =	swait.ge [sflag:s4], $0x0  }
0x19: {  	s7 =	sld [smem:$0x3F9D]  }
0x1a: {  	s8 =	sadd.s32 $0xFFFFE003, lr  }
0x1b: {  	s9 =	sadd.s32 $0xFFFFFEF7, lr;
	s5 =	simm.s32 $0xFFFFFFFF;
	p2 =	slt.u32 s8, $0xFFFFF086  }
0x1c: {  	p1 =	slt.u32 s9, $0xF7A;
	s5 =	simm.s32 @!p2 $0x0  }
0x1d: {  	s5 =	simm.s32 @p1 $0x1;
	p0 =	seq.s32 s7, s2  }
0x1e: {  	s7 =	smul.u32 @!p0 $0xF7A, s2;
	p2 =	seq.s32 @!p0 s5, $0x0  }
0x1f: {  	s9 =	smul.u32 $0xF7A, s1;
	s8 =	simm.s32 @!p0 $0x1BF5;
	p2 =	por !p2, p0  }
0x20: {  	[sflag:s8] =	ssyncset.s32 @!p0 $0xFFFFF086;
	s6 =	sadd.s32 @!p0 s3, s7;
	s7 =	simm.s32 @!p0 $0x108  }
0x21: {  	s3 =	sadd.s32 s3, s9;
	s6 =	sadd.s32 @!p0 $0x88, s6;
	s7 =	simm.s32 @p2 $0x1082  }
0x22: {  	[simem:s7], [sflag:s8] =	dma.local @!p0 [hbm:s6], $0xF7A  }
0x23: {  	s9 =	sor.u32 $0xD0000000, s2;
	s6 =	simm.s32 $0x108;
	_ =	swait.ge @!p0 [sflag:s8], $0x0  }
0x24: {  	s3 =	sadd.s32 $0x88, s3;
	s6 =	simm.s32 @!p1 $0x1082;
	[sflag:s4] =	ssyncset.s32 $0xFFFFF086  }
0x25: {  	[simem:s6], [sflag:s4] =	dma.local [hbm:s3], $0xF7A  }
0x26: {  	[smem:$0x3F9D] =	sst s1;
	(tag) =	ssettag s2;
	_ =	strace s9  }
0x27: {  	s1 =	sld [smem:$0x3FAD]  }
0x28: {  	s2 =	sld [smem:$0x3FAE]  }
0x29: {  	s4 =	sld [smem:$0x3FB0]  }
0x2a: {  	p0 =	seq.s32 s5, $0x0;
	s5 =	sld [smem:$0x3FB1]  }
0x2b: {  	s6 =	sld [smem:$0x3FB2]  }
0x2c: {  	s7 =	sld [smem:$0x3FB3]  }
0x2d: {  	s3 =	simm.s32 $0x108;
	s8 =	sld [smem:$0x3FB4]  }
0x2e: {  	s3 =	simm.s32 @!p0 $0x1082;
	s9 =	sld [smem:$0x3FB5]  }
0x2f: {  	lr =	sadd.s32 s0, s3;
	s0 =	sld [smem:$0x3FAC]  }
0x30: {  	s3 =	sld [smem:$0x3FAF]  }
0x31: {  	[smem:$0x3FB8] =	sst s10  }
0x32: {  	s10 =	sld [smem:$0x3FB6];
	_ =	sdelay $0x3  }
0x33: {  	p0 =	seq.s32 s10, $0x1;
	s10 =	sld [smem:$0x3FB8];
	_ =	sdelay $0x3  }
0x34: {  	[smem:$0x3FB8] =	sst s10  }
0x35: {  	s10 =	sld [smem:$0x3FB7];
	_ =	sdelay $0x3  }
0x36: {  	p1 =	seq.s32 s10, $0x1;
	s10 =	sld [smem:$0x3FB8];
	_ =	sdelay $0x3  }
0x37: {  	[smem:$0x3FB8] =	sst s10  }
0x38: {  	s10 =	sld [smem:$0x3FB9]  }
0x39: {  	_ = 	snop;
	(pc) =	sbr.ind lr, $3  }
0x3a: {  	_ = 	snop  }
0x3b: {  	_ = 	snop  }
0x3c: {  	p2 =	seq.s32 s10, $0x1;
	s10 =	sld [smem:$0x3FB8]  }
0x3d: {  	_ =	shalt  }
0x3e: {  	_ =	shalt  }
0x3f: {  	_ =	shalt  }
0x40: {  	_ =	shalt  }
0x41: {  	_ =	shalt  }
0x42: {  	_ =	shalt  }
0x43: {  	_ =	shalt  }
0x44: {  	_ =	shalt  }
0x45: {  	_ =	shalt  }
0x46: {  	_ =	shalt  }
0x47: {  	_ =	shalt  }
0x48: {  	_ =	shalt  }
0x49: {  	_ =	shalt  }
0x4a: {  	_ =	shalt  }
0x4b: {  	_ =	shalt  }
0x4c: {  	_ =	shalt  }
0x4d: {  	_ =	shalt  }
0x4e: {  	_ =	shalt  }
0x4f: {  	_ =	shalt  }
0x50: {  	_ =	shalt  }
0x51: {  	_ =	shalt  }
0x52: {  	_ =	shalt  }
0x53: {  	_ =	shalt  }
0x54: {  	_ =	shalt  }
0x55: {  	_ =	shalt  }
0x56: {  	_ =	shalt  }
0x57: {  	_ =	shalt  }
0x58: {  	_ =	shalt  }
0x59: {  	_ =	shalt  }
0x5a: {  	_ =	shalt  }
0x5b: {  	_ =	shalt  }
0x5c: {  	_ =	shalt  }
0x5d: {  	_ =	shalt  }
0x5e: {  	_ =	shalt  }
0x5f: {  	_ =	shalt  }
0x60: {  	_ =	shalt  }
0x61: {  	_ =	shalt  }
0x62: {  	_ =	shalt  }
0x63: {  	_ =	shalt  }
0x64: {  	_ =	shalt  }
0x65: {  	_ =	shalt  }
0x66: {  	_ =	shalt  }
0x67: {  	_ =	shalt  }
0x68: {  	_ =	shalt  }
0x69: {  	_ =	shalt  }
0x6a: {  	_ =	shalt  }
0x6b: {  	_ =	shalt  }
0x6c: {  	_ =	shalt  }
0x6d: {  	_ =	shalt  }
0x6e: {  	_ =	shalt  }
0x6f: {  	_ =	shalt  }
0x70: {  	_ =	shalt  }
0x71: {  	_ =	shalt  }
0x72: {  	_ =	shalt  }
0x73: {  	_ =	shalt  }
0x74: {  	_ =	shalt  }
0x75: {  	_ =	shalt  }
0x76: {  	_ =	shalt  }
0x77: {  	_ =	shalt  }
0x78: {  	_ =	shalt  }
0x79: {  	_ =	shalt  }
0x7a: {  	_ =	shalt  }
0x7b: {  	_ =	shalt  }
0x7c: {  	_ =	shalt  }
0x7d: {  	_ =	shalt  }
0x7e: {  	_ =	shalt  }
0x7f: {  	_ =	shalt  }
0x80: {  	_ =	shalt  }
0x81: {  	_ =	shalt  }
0x82: {  	_ =	shalt  }
0x83: {  	_ =	shalt  }
0x84: {  	_ =	shalt  }
0x85: {  	_ =	shalt  }
0x86: {  	_ =	shalt  }
0x87: {  	_ =	shalt  }
.Lfunc_end0:
.L_simem_size_0:
called_computation.1_lowered:
.L_overlay_start_0:
0x88: {  	s2 =	sld [smem:$0x3FD9]  }
0x89: {  	s3 =	sld [smem:$0x3FFE];
	_ =	sdelay $0x1  }
0x8a: {  	s1 =	srdreg.scid  }
0x8b: {  	s0 =	sand.u32 $0x1, s1  }
0x8c: {  	s17 =	sshll.u32 s0, $0xA;
	s2 =	sadd.s32 s3, s2  }
0x8d: {  	s2 =	sadd.s32 s2, s17  }
0x8e: {  	[smem:$0x3FC4] =	sst s2  }
0x8f: {  	_ = 	snop  }
0x90: {  	s2 =	sld [smem:$0x3FD0];
	(tm) =	ssettm $0x1  }
0x91: {  	s18 =	sld [smem:$0x3FFB];
	_ =	sdelay $0x3  }
0x92: {  	_ =	strace s18  }
0x93: {  	s3 =	sld [smem:$0x3FFC];
	_ =	sdelay $0x3  }
0x94: {  	_ =	strace s3  }
0x95: {  	s3 =	sld [smem:$0x3FFD];
	_ =	sdelay $0x3  }
0x96: {  	_ =	strace s3  }
0x97: {  	_ =	strace $0x8FFFFFFF  }
0x98: {  	s19 =	sld [smem:$0x3FDB];
	_ =	sdelay $0x1  }
0x99: {  	s4 =	simm.s32 $_scs_section_size  }
0x9a: {  	s5 =	simm.s32 $_size__tile_overlayer_lowered;
	s6 =	simm.s32 $_tile_overlayer_lowered  }
0x9b: {  	s22 =	simm.s32 $0x1BFF;
	s21 =	sshll.u32 s6, $0x1;
	s3 =	sadd.s32 s4, s19  }
0x9c: {  	s7 =	simm.s32 $0x0;
	s20 =	sshll.u32 s5, $0x1;
	s5 =	sadd.s32 s21, s3  }
0x9d: {  	[timem:s7], [sflag:s22] =	dma.local [hbm:s5], s20  }
0x9e: {  	_ =	swait.ge [sflag:s22], s20  }
0x9f: {  	s4 =	ssub.s32 $0x0, s20;
	[sflag:s22] =	ssyncset.done $0x0  }
0xa0: {  	[sflag:s22] =	ssyncadd.s32 s4;
	_ =	sdelay $0x1  }
0xa1: {  	s23 =	simm.s32 $0x1B8B  }
0xa2: {  	_ =	swait.ge [sflag:s23], $0x1  }
0xa3: {  	[sflag:s23] =	ssyncset.done $0x0  }
0xa4: {  	s25 =	simm.s32 $0x1B8E;
	s24 =	sld [smem:$0x3FFE];
	[sflag:s23] =	ssyncadd.s32 $0xFFFFFFFF  }
0xa5: {  	s26 =	simm.s32 $execute0_lowered;
	[smem:$0x3FD2] =	sst s25  }
0xa6: {  	s5 =	sshll.u32 s26, $0x1;
	_ =	strace $0x80000049;
	[dreg:$0x1] =	wrdreg $0xFFFFFFFF  }
0xa7: {  	s28 =	simm.s32 $_size_execute0_lowered;
	s3 =	sadd.s32 s3, s5;
	[dreg:$0x0] =	wrdreg $0x0  }
0xa8: {  	s5 =	sshll.u32 s28, $0x1;
	[dreg:$0x2] =	wrdreg s3  }
0xa9: {  	[dreg:$0x3] =	wrdreg s5  }
0xaa: {  	[dreg:$0x4] =	wrdreg $0xC0  }
0xab: {  	_ =	task [dreg:s7], $0x5FFFF  }
0xac: {  	[dreg:$0x1] =	wrdreg $0xFFFFFFFF  }
0xad: {  	[dreg:$0x0] =	wrdreg $0x60  }
0xae: {  	[dreg:$0x2] =	wrdreg s24  }
0xaf: {  	[dreg:$0x3] =	wrdreg s2  }
0xb0: {  	[dreg:$0x4] =	wrdreg $0x0  }
0xb1: {  	[dreg:$0x5] =	wrdreg $0x9  }
0xb2: {  	_ =	task.clear_ibuf [dreg:s7], $0x6FFFF;
	_ =	strace $0x90000049  }
0xb3: {  	s29 =	simm.s32 $0x9;
	_ =	strace $0x8000004B  }
0xb4: {  	_ =	swait.ge [sflag:s29], $0x1  }
0xb5: {  	[sflag:s29] =	ssyncadd.s32 $0xFFFFFFFF  }
0xb6: {  	_ =	strace $0x9000004B  }
0xb7: {  	_ =	sfence  }
0xb8: {  	s30 =	sld [smem:$0x0];
	_ =	sdelay $0x2  }
0xb9: {  	s31 =	sshll.u32 s1, $0xD;
	s1 =	sshrl.u32 s1, $0x2  }
0xba: {  	s3 =	sand.u32 $0x4000, s31;
	s1 =	sadd.s32 s1, s30  }
0xbb: {  	s0 =	sor.u32 s3, s0;
	s1 =	sshll.u32 s1, $0x11  }
0xbc: {  	s0 =	sor.u32 s1, s0  }
0xbd: {  	s0 =	sadd.s32 $0x8F2B, s0  }
0xbe: {  	[sflag:s0] =	ssyncadd.remote.s32 $0x1  }
0xbf: {  	_ =	sfence.sel $0xFFFF  }
0xc0: {  	[dreg:$0x0] =	wrdreg $0xFFFFFFFF;
	(pc) =	sbr.abs _section_cstart, $3  }
0xc1: {  	[dreg:$0x1] =	wrdreg $0xFFFFFFFF  }
0xc2: {  	_ =	task.clear_ibuf [dreg:s7], $0x2FFFF;
	_ =	strace $0x9FFFFFFF  }
0xc3: {  	(tm) =	ssettm $0x7FFFFFFF  }
tec
execute0_lowered:
.L_overlay_start_1:
0x0: {  	(tag) =	ssettag $0x1  }
0x1: {  	s5 =	rddreg [dreg:$0x0]  }
0x2: {  	s1 =	rddreg [dreg:$0x1]  }
0x3: {  	s2 =	rddreg [dreg:$0x2];
	s12 =	stileid.u32  }
0x4: {  	s4 =	simm.s32 $0x0;
	s0 =	srdreg.scid;
	s7 =	smul.u32 $0x14000, s12  }
0x5: {  	s29 =	simm.s32 $0x14300;
	s8 =	sand.u32 $0x1, s0;
	s17 =	smul.u32 $0x50000, s12  }
0x6: {  	[smem:$0x7FF] =	sst s4;
	s0 =	sadd.s32 $0xB800, s5;
	s6 =	smul.u32 $0x140000, s8  }
0x7: {  	s9 =	sshll.u32 s8, $0x4;
	s10 =	ssub.s32 $0x2, s8;
	s8 =	smul.u32 $0x27100, s8  }
0x8: {  	s3 =	sadd.s32 $0x1A00, s5;
	s9 =	sor.u32 s12, s9;
	s12 =	smul.u32 $0x2710, s12  }
0x9: {  	_ =	strace $0x8000004A;
	s18 =	sshrl.u32 s10, $0x1;
	s9 =	smul.u32 $0x2710, s9  }
0xa: {  	s11 =	sshrl.u32 s17, $0x2;
	s6 =	sadd.s32 s7, s6;
	s7 =	ssub.s32 s10, s18  }
0xb: {  	s6 =	sshrl.u32 s6, $0x3;
	s8 =	sadd.s32 s12, s8;
	s9 =	sshrl.u32 s9, $0x3  }
0xc: {  	s6 =	sadd.s32 s6, s5;
	s5 =	sadd.s32 s11, s2;
	s19 =	sadd.s32 s0, s9  }
0xd: {  	s20 =	sadd.s32 s3, s9;
	s21 =	sadd.s32 $0x10, s9;
	[dreg:$0x10] =	wrdreg s19  }
0xe: {  	s12 =	sadd.s32 $0x600, s8;
	[dreg:$0x11] =	wrdreg s20;
	s13 =	sadd.s32 s0, s21  }
0xf: {  	s22 =	sadd.s32 $0x20, s9;
	s10 =	sadd.s32 s3, s21;
	[dreg:$0x12] =	wrdreg s13  }
0x10: {  	s16 =	sadd.s32 $0x580, s8;
	s23 =	sadd.s32 s0, s22;
	[dreg:$0x13] =	wrdreg s10  }
0x11: {  	s25 =	sadd.s32 $0x30, s9;
	s24 =	sadd.s32 s3, s22;
	[dreg:$0x14] =	wrdreg s23  }
0x12: {  	s28 =	sadd.s32 $0x40, s9;
	s26 =	sadd.s32 s0, s25;
	[dreg:$0x15] =	wrdreg s24  }
0x13: {  	s14 =	sshrl.u32 s12, $0x3;
	s11 =	sadd.s32 s3, s28;
	[dreg:$0x16] =	wrdreg s26  }
0x14: {  	s17 =	sshrl.u32 s16, $0x3;
	s15 =	sadd.s32 s14, s3;
	[dreg:$0x19] =	wrdreg s11  }
0x15: {  	s30 =	simm.s32 $0x9;
	s18 =	sadd.s32 s17, s3;
	[dreg:$0x4] =	wrdreg s15  }
0x16: {  	s31 =	simm.s32 $0x14000;
	s20 =	sadd.s32 s17, s0;
	[dreg:$0x6] =	wrdreg s18  }
0x17: {  	s19 =	sadd.s32 $0x500, s8;
	s10 =	sadd.s32 s3, s25;
	[dreg:$0x7] =	wrdreg s20  }
0x18: {  	s17 =	sadd.s32 $0x60, s9;
	s13 =	sadd.s32 s0, s28;
	[dreg:$0x17] =	wrdreg s10  }
0x19: {  	s21 =	sshrl.u32 s19, $0x3;
	s19 =	sadd.s32 s0, s17;
	[dreg:$0x18] =	wrdreg s13  }
0x1a: {  	s23 =	sadd.s32 $0x480, s8;
	s20 =	sadd.s32 s3, s17;
	[dreg:$0x1c] =	wrdreg s19  }
0x1b: {  	s26 =	sadd.s32 $0x50, s9;
	s10 =	sadd.s32 s14, s0;
	[dreg:$0x1d] =	wrdreg s20  }
0x1c: {  	s15 =	sadd.s32 $0x400, s8;
	s22 =	sadd.s32 s21, s3;
	[dreg:$0x5] =	wrdreg s10  }
0x1d: {  	s8 =	sadd.s32 $0x380, s8;
	s24 =	sadd.s32 s21, s0;
	[dreg:$0x8] =	wrdreg s22  }
0x1e: {  	s9 =	sadd.s32 $0x4E0, s9;
	s14 =	sadd.s32 s0, s26;
	[dreg:$0x9] =	wrdreg s24  }
0x1f: {  	s17 =	simm.s32 $0x7;
	s12 =	sadd.s32 s3, s26;
	[dreg:$0x1a] =	wrdreg s14  }
0x20: {  	s25 =	sshrl.u32 s23, $0x3;
	s21 =	sadd.s32 s3, s9;
	[dreg:$0x1b] =	wrdreg s12  }
0x21: {  	s8 =	sshrl.u32 s8, $0x3;
	s23 =	sadd.s32 $0x8000, s5;
	[dreg:$0x1f] =	wrdreg s21  }
0x22: {  	s26 =	sadd.s32 $0xC000, s5;
	s13 =	simm.s32 $0x18300;
	[smem:$0x7F9] =	sst s23  }
0x23: {  	s20 =	simm.s32 $0x10;
	s28 =	sadd.s32 s25, s3;
	[smem:$0x7FC] =	sst s26  }
0x24: {  	s11 =	sadd.s32 s25, s0;
	s10 =	sshrl.u32 s15, $0x3;
	[dreg:$0xa] =	wrdreg s28  }
0x25: {  	s18 =	sadd.s32 s8, s3;
	s8 =	sadd.s32 s8, s0;
	[dreg:$0xb] =	wrdreg s11  }
0x26: {  	s22 =	sadd.s32 $0x4000, s5;
	s24 =	sadd.s32 $0x15600, s6;
	[dreg:$0xe] =	wrdreg s18  }
0x27: {  	s25 =	smax.u32 s7, $0x1;
	s6 =	simm.s32 $0x14200;
	[smem:$0x7F8] =	sst s22  }
0x28: {  	s7 =	simm.s32 $0x1;
	s12 =	simm.s32 $0x2;
	[dreg:$0xf] =	wrdreg s8  }
0x29: {  	s14 =	simm.s32 $0x5;
	s15 =	simm.s32 $0x6;
	[smem:$0x7FA] =	sst s24  }
0x2a: {  	s21 =	simm.s32 $0x8;
	s16 =	sadd.s32 s10, s3;
	[smem:$0x7FB] =	sst s25  }
0x2b: {  	s10 =	sadd.s32 s10, s0;
	s0 =	sadd.s32 s0, s9;
	[dreg:$0xc] =	wrdreg s16  }
0x2c: {  	s28 =	sadd.s32 $0x10000, s5;
	s3 =	simm.s32 $0x14080;
	[dreg:$0xd] =	wrdreg s10  }
0x2d: {  	s8 =	simm.s32 $0x80;
	s9 =	simm.s32 $0x4;
	[dreg:$0x1e] =	wrdreg s0  }
0x2e: {  	s11 =	simm.s32 $0x14280;
	s22 =	simm.s32 $0x0;
	[smem:$0x7FD] =	sst s28  }
0x2f: {  	v0 =	vimm.f32 $0.0e+00;
	s0 =	simm.s32 $0x14180;
	s10 =	simm.s32 $0x14100;
	s16 =	simm.s32 $0x3  }
.LBB2_1:
0x30: {  	s23 =	simm.s32 $0x0;
	s24 =	simm.s32 $0x200  }
.LBB2_2:
0x31: {  	p0 =	sne.s32 s24, $0xFE00;
	[tilespmem:s23+$0x14370] =	vst v0  }
0x32: {  	[tilespmem:s23+$0x14300] =	vst v0  }
0x33: {  	[tilespmem:s23+$0x14310] =	vst v0  }
.Ltmp0:
0x34: {  	[tilespmem:s23+$0x14320] =	vst v0;
	(pc) =	sbr.rel @p0 .LBB2_2-.Ltmp0, $4  }
0x35: {  	[tilespmem:s23+$0x14330] =	vst v0  }
0x36: {  	[tilespmem:s23+$0x14340] =	vst v0  }
0x37: {  	[tilespmem:s23+$0x14350] =	vst v0  }
0x38: {  	[tilespmem:s23+$0x14360] =	vst v0;
	s23 =	sshra.s32 s24, $0x2;
	s24 =	sadd.s32 $0x200, s24  }
0x39: {  	[tilespmem:s23+$0x14370] =	vst v0  }
0x3a: {  	[tilespmem:s23+$0x14300] =	vst v0  }
0x3b: {  	[tilespmem:s23+$0x14310] =	vst v0  }
0x3c: {  	[tilespmem:s23+$0x14320] =	vst v0  }
0x3d: {  	[tilespmem:s23+$0x14330] =	vst v0  }
0x3e: {  	[tilespmem:s23+$0x14340] =	vst v0  }
0x3f: {  	[tilespmem:s23+$0x14350] =	vst v0  }
0x40: {  	[tilespmem:s23+$0x14360] =	vst v0  }
0x41: {  	[spmem:s5] =	stream.linear.scatter [tilespmem:s29], [sflag:$0x9], $0x4000, $0x38;
	[tilespmem:$0x1C400] =	vst v63  }
0x42: {  	_ =	swait.ge [sflag:s30], $0x4000  }
0x43: {  	s18 =	sld [smem:$0x7F8]  }
0x44: {  	[sflag:s30] =	ssyncset.done $0x0  }
0x45: {  	[sflag:s30] =	ssyncadd.s32 $0xFFFFC000  }
0x46: {  	[spmem:s18] =	stream.linear.scatter [tilespmem:s29], [sflag:$0x9], $0x4000, $0x38;
	[tilespmem:$0x1C400] =	vst v63  }
0x47: {  	_ =	swait.ge [sflag:s30], $0x4000  }
0x48: {  	s24 =	sld [smem:$0x7F9]  }
0x49: {  	[sflag:s30] =	ssyncset.done $0x0  }
0x4a: {  	[sflag:s30] =	ssyncadd.s32 $0xFFFFC000  }
0x4b: {  	[spmem:s24] =	stream.linear.scatter [tilespmem:s29], [sflag:$0x9], $0x4000, $0x38;
	[tilespmem:$0x1C400] =	vst v63  }
0x4c: {  	_ =	swait.ge [sflag:s30], $0x4000  }
0x4d: {  	s25 =	sld [smem:$0x7FC]  }
0x4e: {  	[sflag:s30] =	ssyncset.done $0x0  }
0x4f: {  	[sflag:s30] =	ssyncadd.s32 $0xFFFFC000  }
0x50: {  	[spmem:s25] =	stream.linear.scatter [tilespmem:s29], [sflag:$0x9], $0x4000, $0x38;
	[tilespmem:$0x1C400] =	vst v63  }
0x51: {  	_ =	swait.ge [sflag:s30], $0x4000  }
0x52: {  	s26 =	sld [smem:$0x7FD]  }
0x53: {  	[sflag:s30] =	ssyncset.done $0x0  }
0x54: {  	[sflag:s30] =	ssyncadd.s32 $0xFFFFC000  }
0x55: {  	[spmem:s26] =	stream.linear.scatter [tilespmem:s29], [sflag:$0x9], $0x4000, $0x38;
	[tilespmem:$0x1C400] =	vst v63  }
0x56: {  	_ =	swait.ge [sflag:s30], $0x4000  }
0x57: {  	[sflag:s30] =	ssyncset.done $0x0  }
0x58: {  	[sflag:s30] =	ssyncadd.s32 $0xFFFFC000  }
0x59: {  	[bflag:$0x0] =	sbarrier.arrive $0xFFFF  }
0x5a: {  	s23 =	simm.s32 $0x0;
	s28 =	rddreg [dreg:$0x10]  }
0x5b: {  	[tilespmem:s31], [sflag:$0x1] =	stream.linear.gather [hbm4b:s28+s23], $0x80, $0x38;
	[tilespmem:$0x1C400] =	vst v63  }
0x5c: {  	s19 =	rddreg [dreg:$0x11]  }
0x5d: {  	[tilespmem:s0], [sflag:$0x1] =	stream.linear.gather [hbm4b:s19+s23], $0x80, $0x38;
	[tilespmem:$0x1C400] =	vst v63  }
0x5e: {  	s24 =	rddreg [dreg:$0x12]  }
0x5f: {  	[tilespmem:s3], [sflag:$0x2] =	stream.linear.gather [hbm4b:s24+s23], $0x80, $0x38;
	[tilespmem:$0x1C400] =	vst v63  }
0x60: {  	s25 =	rddreg [dreg:$0x13]  }
0x61: {  	[tilespmem:s6], [sflag:$0x2] =	stream.linear.gather [hbm4b:s25+s23], $0x80, $0x38;
	[tilespmem:$0x1C400] =	vst v63  }
0x62: {  	_ =	swait.ge [sflag:s7], $0x80  }
0x63: {  	[sflag:s7] =	ssyncset.done $0x0  }
0x64: {  	[sflag:s7] =	ssyncadd.s32 $0xFFFFFF80  }
0x65: {  	_ =	swait.ge [sflag:s7], $0x80  }
0x66: {  	[sflag:s7] =	ssyncset.done $0x0  }
0x67: {  	[sflag:s7] =	ssyncadd.s32 $0xFFFFFF80  }
0x68: {  	[tilespmem:s29], [sflag:$0x4] =	stream.indirect.gather [hbm4b:s1+s8], $0x80, s31, s8, $0xb8;
	[tilespmem:$0x1C400] =	vst v63  }
0x69: {  	_ =	swait.ge [sflag:s9], $0x4000  }
0x6a: {  	[sflag:s9] =	ssyncset.done $0x0  }
0x6b: {  	[sflag:s9] =	ssyncadd.s32 $0xFFFFC000  }
0x6c: {  	[spmem:s2] =	stream.indirect.scatter.add.f32 [tilespmem:s29], [sflag:$0x6], $0x80, s0, s8, $0xb8;
	[tilespmem:$0x1C400] =	vst v63  }
0x6d: {  	s26 =	rddreg [dreg:$0x14]  }
0x6e: {  	[tilespmem:s10], [sflag:$0x3] =	stream.linear.gather [hbm4b:s26+s23], $0x80, $0x38;
	[tilespmem:$0x1C400] =	vst v63  }
0x6f: {  	s28 =	rddreg [dreg:$0x15]  }
0x70: {  	[tilespmem:s11], [sflag:$0x3] =	stream.linear.gather [hbm4b:s28+s23], $0x80, $0x38;
	[tilespmem:$0x1C400] =	vst v63  }
0x71: {  	_ =	swait.ge [sflag:s12], $0x80  }
0x72: {  	[sflag:s12] =	ssyncset.done $0x0  }
0x73: {  	[sflag:s12] =	ssyncadd.s32 $0xFFFFFF80  }
0x74: {  	_ =	swait.ge [sflag:s12], $0x80  }
0x75: {  	[sflag:s12] =	ssyncset.done $0x0  }
0x76: {  	[sflag:s12] =	ssyncadd.s32 $0xFFFFFF80  }
0x77: {  	[tilespmem:s13], [sflag:$0x5] =	stream.indirect.gather [hbm4b:s1+s8], $0x80, s3, s8, $0xb8;
	[tilespmem:$0x1C400] =	vst v63  }
0x78: {  	_ =	swait.ge [sflag:s14], $0x4000  }
0x79: {  	[sflag:s14] =	ssyncset.done $0x0  }
0x7a: {  	[sflag:s14] =	ssyncadd.s32 $0xFFFFC000  }
0x7b: {  	[spmem:s2] =	stream.indirect.scatter.add.f32 [tilespmem:s13], [sflag:$0x7], $0x80, s6, s8, $0xb8;
	[tilespmem:$0x1C400] =	vst v63  }
0x7c: {  	_ =	swait.ge [sflag:s15], $0x4000  }
0x7d: {  	[sflag:s15] =	ssyncset.done $0x0  }
0x7e: {  	s19 =	rddreg [dreg:$0x16];
	[sflag:s15] =	ssyncadd.s32 $0xFFFFC000  }
0x7f: {  	[tilespmem:s31], [sflag:$0x1] =	stream.linear.gather [hbm4b:s19+s23], $0x80, $0x38;
	[tilespmem:$0x1C400] =	vst v63  }
0x80: {  	s24 =	rddreg [dreg:$0x17]  }
0x81: {  	[tilespmem:s0], [sflag:$0x1] =	stream.linear.gather [hbm4b:s24+s23], $0x80, $0x38;
	[tilespmem:$0x1C400] =	vst v63  }
0x82: {  	_ =	swait.ge [sflag:s16], $0x80  }
0x83: {  	[sflag:s16] =	ssyncset.done $0x0  }
0x84: {  	[sflag:s16] =	ssyncadd.s32 $0xFFFFFF80  }
0x85: {  	_ =	swait.ge [sflag:s16], $0x80  }
0x86: {  	[sflag:s16] =	ssyncset.done $0x0  }
0x87: {  	[sflag:s16] =	ssyncadd.s32 $0xFFFFFF80  }
0x88: {  	[tilespmem:s29], [sflag:$0x4] =	stream.indirect.gather [hbm4b:s1+s8], $0x80, s10, s8, $0xb8;
	[tilespmem:$0x1C400] =	vst v63  }
0x89: {  	_ =	swait.ge [sflag:s9], $0x4000  }
0x8a: {  	[sflag:s9] =	ssyncset.done $0x0  }
0x8b: {  	[sflag:s9] =	ssyncadd.s32 $0xFFFFC000  }
0x8c: {  	[spmem:s2] =	stream.indirect.scatter.add.f32 [tilespmem:s29], [sflag:$0x6], $0x80, s11, s8, $0xb8;
	[tilespmem:$0x1C400] =	vst v63  }
0x8d: {  	_ =	swait.ge [sflag:s17], $0x4000  }
0x8e: {  	[sflag:s17] =	ssyncset.done $0x0  }
0x8f: {  	s25 =	rddreg [dreg:$0x18];
	[sflag:s17] =	ssyncadd.s32 $0xFFFFC000  }
0x90: {  	[tilespmem:s3], [sflag:$0x2] =	stream.linear.gather [hbm4b:s25+s23], $0x80, $0x38;
	[tilespmem:$0x1C400] =	vst v63  }
0x91: {  	s26 =	rddreg [dreg:$0x19]  }
0x92: {  	[tilespmem:s6], [sflag:$0x2] =	stream.linear.gather [hbm4b:s26+s23], $0x80, $0x38;
	[tilespmem:$0x1C400] =	vst v63  }
0x93: {  	_ =	swait.ge [sflag:s7], $0x80  }
0x94: {  	[sflag:s7] =	ssyncset.done $0x0  }
0x95: {  	[sflag:s7] =	ssyncadd.s32 $0xFFFFFF80  }
0x96: {  	_ =	swait.ge [sflag:s7], $0x80  }
0x97: {  	[sflag:s7] =	ssyncset.done $0x0  }
0x98: {  	[sflag:s7] =	ssyncadd.s32 $0xFFFFFF80  }
0x99: {  	[tilespmem:s13], [sflag:$0x5] =	stream.indirect.gather [hbm4b:s1+s8], $0x80, s31, s8, $0xb8;
	[tilespmem:$0x1C400] =	vst v63  }
0x9a: {  	_ =	swait.ge [sflag:s14], $0x4000  }
0x9b: {  	[sflag:s14] =	ssyncset.done $0x0  }
0x9c: {  	[sflag:s14] =	ssyncadd.s32 $0xFFFFC000  }
0x9d: {  	[spmem:s2] =	stream.indirect.scatter.add.f32 [tilespmem:s13], [sflag:$0x7], $0x80, s0, s8, $0xb8;
	[tilespmem:$0x1C400] =	vst v63  }
0x9e: {  	_ =	swait.ge [sflag:s15], $0x4000  }
0x9f: {  	[sflag:s15] =	ssyncset.done $0x0  }
0xa0: {  	s28 =	rddreg [dreg:$0x1a];
	[sflag:s15] =	ssyncadd.s32 $0xFFFFC000  }
0xa1: {  	[tilespmem:s10], [sflag:$0x3] =	stream.linear.gather [hbm4b:s28+s23], $0x80, $0x38;
	[tilespmem:$0x1C400] =	vst v63  }
0xa2: {  	s19 =	rddreg [dreg:$0x1b]  }
0xa3: {  	[tilespmem:s11], [sflag:$0x3] =	stream.linear.gather [hbm4b:s19+s23], $0x80, $0x38;
	[tilespmem:$0x1C400] =	vst v63  }
0xa4: {  	_ =	swait.ge [sflag:s12], $0x80  }
0xa5: {  	[sflag:s12] =	ssyncset.done $0x0  }
0xa6: {  	[sflag:s12] =	ssyncadd.s32 $0xFFFFFF80  }
0xa7: {  	_ =	swait.ge [sflag:s12], $0x80  }
0xa8: {  	[sflag:s12] =	ssyncset.done $0x0  }
0xa9: {  	[sflag:s12] =	ssyncadd.s32 $0xFFFFFF80  }
0xaa: {  	[tilespmem:s29], [sflag:$0x4] =	stream.indirect.gather [hbm4b:s1+s8], $0x80, s3, s8, $0xb8;
	[tilespmem:$0x1C400] =	vst v63  }
0xab: {  	_ =	swait.ge [sflag:s9], $0x4000  }
0xac: {  	[sflag:s9] =	ssyncset.done $0x0  }
0xad: {  	[sflag:s9] =	ssyncadd.s32 $0xFFFFC000  }
0xae: {  	[spmem:s2] =	stream.indirect.scatter.add.f32 [tilespmem:s29], [sflag:$0x6], $0x80, s6, s8, $0xb8;
	[tilespmem:$0x1C400] =	vst v63  }
0xaf: {  	_ =	swait.ge [sflag:s17], $0x4000  }
0xb0: {  	[sflag:s17] =	ssyncset.done $0x0  }
0xb1: {  	s24 =	rddreg [dreg:$0x1c];
	[sflag:s17] =	ssyncadd.s32 $0xFFFFC000  }
0xb2: {  	[tilespmem:s31], [sflag:$0x1] =	stream.linear.gather [hbm4b:s24+s23], $0x80, $0x38;
	[tilespmem:$0x1C400] =	vst v63  }
0xb3: {  	s25 =	rddreg [dreg:$0x1d]  }
0xb4: {  	[tilespmem:s0], [sflag:$0x1] =	stream.linear.gather [hbm4b:s25+s23], $0x80, $0x38;
	[tilespmem:$0x1C400] =	vst v63  }
0xb5: {  	_ =	swait.ge [sflag:s16], $0x80  }
0xb6: {  	[sflag:s16] =	ssyncset.done $0x0  }
0xb7: {  	[sflag:s16] =	ssyncadd.s32 $0xFFFFFF80  }
0xb8: {  	_ =	swait.ge [sflag:s16], $0x80  }
0xb9: {  	[sflag:s16] =	ssyncset.done $0x0  }
0xba: {  	[sflag:s16] =	ssyncadd.s32 $0xFFFFFF80  }
0xbb: {  	[tilespmem:s13], [sflag:$0x5] =	stream.indirect.gather [hbm4b:s1+s8], $0x80, s10, s8, $0xb8;
	[tilespmem:$0x1C400] =	vst v63  }
0xbc: {  	_ =	swait.ge [sflag:s14], $0x4000  }
0xbd: {  	[sflag:s14] =	ssyncset.done $0x0  }
0xbe: {  	[sflag:s14] =	ssyncadd.s32 $0xFFFFC000  }
0xbf: {  	[spmem:s2] =	stream.indirect.scatter.add.f32 [tilespmem:s13], [sflag:$0x7], $0x80, s11, s8, $0xb8;
	[tilespmem:$0x1C400] =	vst v63  }
0xc0: {  	_ =	swait.ge [sflag:s15], $0x4000  }
0xc1: {  	s26 =	rddreg [dreg:$0xf];
	[sflag:s15] =	ssyncset.done $0x0  }
0xc2: {  	s24 =	rddreg [dreg:$0xe];
	[sflag:s15] =	ssyncadd.s32 $0xFFFFC000;
	s23 =	sadd.s32 $0x0, s26  }
0xc3: {  	[tilespmem:s3], [sflag:$0x2] =	stream.linear.gather [hbm4b:s23+s4], $0x80, $0x38;
	[tilespmem:$0x1C400] =	vst v63  }
0xc4: {  	s28 =	sadd.s32 $0x0, s24  }
0xc5: {  	[tilespmem:s6], [sflag:$0x2] =	stream.linear.gather [hbm4b:s28+s4], $0x80, $0x38;
	[tilespmem:$0x1C400] =	vst v63  }
0xc6: {  	_ =	swait.ge [sflag:s7], $0x80  }
0xc7: {  	[sflag:s7] =	ssyncset.done $0x0  }
0xc8: {  	[sflag:s7] =	ssyncadd.s32 $0xFFFFFF80  }
0xc9: {  	_ =	swait.ge [sflag:s7], $0x80  }
0xca: {  	[sflag:s7] =	ssyncset.done $0x0  }
0xcb: {  	[sflag:s7] =	ssyncadd.s32 $0xFFFFFF80  }
0xcc: {  	[tilespmem:s29], [sflag:$0x4] =	stream.indirect.gather [hbm4b:s1+s8], $0x80, s31, s8, $0xb8;
	[tilespmem:$0x1C400] =	vst v63  }
0xcd: {  	_ =	swait.ge [sflag:s9], $0x4000  }
0xce: {  	[sflag:s9] =	ssyncset.done $0x0  }
0xcf: {  	[sflag:s9] =	ssyncadd.s32 $0xFFFFC000  }
0xd0: {  	[spmem:s2] =	stream.indirect.scatter.add.f32 [tilespmem:s29], [sflag:$0x6], $0x80, s0, s8, $0xb8;
	[tilespmem:$0x1C400] =	vst v63  }
0xd1: {  	_ =	swait.ge [sflag:s17], $0x4000  }
0xd2: {  	s18 =	rddreg [dreg:$0xd];
	[sflag:s17] =	ssyncset.done $0x0  }
0xd3: {  	s19 =	rddreg [dreg:$0xc];
	[sflag:s17] =	ssyncadd.s32 $0xFFFFC000;
	s23 =	sadd.s32 $0x0, s18  }
0xd4: {  	[tilespmem:s10], [sflag:$0x3] =	stream.linear.gather [hbm4b:s23+s4], $0x80, $0x38;
	[tilespmem:$0x1C400] =	vst v63  }
0xd5: {  	s24 =	sadd.s32 $0x0, s19  }
0xd6: {  	[tilespmem:s11], [sflag:$0x3] =	stream.linear.gather [hbm4b:s24+s4], $0x80, $0x38;
	[tilespmem:$0x1C400] =	vst v63  }
0xd7: {  	_ =	swait.ge [sflag:s12], $0x80  }
0xd8: {  	[sflag:s12] =	ssyncset.done $0x0  }
0xd9: {  	[sflag:s12] =	ssyncadd.s32 $0xFFFFFF80  }
0xda: {  	_ =	swait.ge [sflag:s12], $0x80  }
0xdb: {  	[sflag:s12] =	ssyncset.done $0x0  }
0xdc: {  	[sflag:s12] =	ssyncadd.s32 $0xFFFFFF80  }
0xdd: {  	[tilespmem:s13], [sflag:$0x5] =	stream.indirect.gather [hbm4b:s1+s8], $0x80, s3, s8, $0xb8;
	[tilespmem:$0x1C400] =	vst v63  }
0xde: {  	_ =	swait.ge [sflag:s14], $0x4000  }
0xdf: {  	[sflag:s14] =	ssyncset.done $0x0  }
0xe0: {  	[sflag:s14] =	ssyncadd.s32 $0xFFFFC000  }
0xe1: {  	[spmem:s2] =	stream.indirect.scatter.add.f32 [tilespmem:s13], [sflag:$0x7], $0x80, s6, s8, $0xb8;
	[tilespmem:$0x1C400] =	vst v63  }
0xe2: {  	_ =	swait.ge [sflag:s15], $0x4000  }
0xe3: {  	s25 =	rddreg [dreg:$0xb];
	[sflag:s15] =	ssyncset.done $0x0  }
0xe4: {  	s26 =	rddreg [dreg:$0xa];
	[sflag:s15] =	ssyncadd.s32 $0xFFFFC000;
	s23 =	sadd.s32 $0x0, s25  }
0xe5: {  	[tilespmem:s31], [sflag:$0x1] =	stream.linear.gather [hbm4b:s23+s4], $0x80, $0x38;
	[tilespmem:$0x1C400] =	vst v63  }
0xe6: {  	s28 =	sadd.s32 $0x0, s26  }
0xe7: {  	[tilespmem:s0], [sflag:$0x1] =	stream.linear.gather [hbm4b:s28+s4], $0x80, $0x38;
	[tilespmem:$0x1C400] =	vst v63  }
0xe8: {  	_ =	swait.ge [sflag:s16], $0x80  }
0xe9: {  	[sflag:s16] =	ssyncset.done $0x0  }
0xea: {  	[sflag:s16] =	ssyncadd.s32 $0xFFFFFF80  }
0xeb: {  	_ =	swait.ge [sflag:s16], $0x80  }
0xec: {  	[sflag:s16] =	ssyncset.done $0x0  }
0xed: {  	[sflag:s16] =	ssyncadd.s32 $0xFFFFFF80  }
0xee: {  	[tilespmem:s29], [sflag:$0x4] =	stream.indirect.gather [hbm4b:s1+s8], $0x80, s10, s8, $0xb8;
	[tilespmem:$0x1C400] =	vst v63  }
0xef: {  	_ =	swait.ge [sflag:s9], $0x4000  }
0xf0: {  	[sflag:s9] =	ssyncset.done $0x0  }
0xf1: {  	[sflag:s9] =	ssyncadd.s32 $0xFFFFC000  }
0xf2: {  	[spmem:s2] =	stream.indirect.scatter.add.f32 [tilespmem:s29], [sflag:$0x6], $0x80, s11, s8, $0xb8;
	[tilespmem:$0x1C400] =	vst v63  }
0xf3: {  	_ =	swait.ge [sflag:s17], $0x4000  }
0xf4: {  	s18 =	rddreg [dreg:$0x9];
	[sflag:s17] =	ssyncset.done $0x0  }
0xf5: {  	s19 =	rddreg [dreg:$0x8];
	[sflag:s17] =	ssyncadd.s32 $0xFFFFC000;
	s23 =	sadd.s32 $0x0, s18  }
0xf6: {  	[tilespmem:s3], [sflag:$0x2] =	stream.linear.gather [hbm4b:s23+s4], $0x80, $0x38;
	[tilespmem:$0x1C400] =	vst v63  }
0xf7: {  	s24 =	sadd.s32 $0x0, s19  }
0xf8: {  	[tilespmem:s6], [sflag:$0x2] =	stream.linear.gather [hbm4b:s24+s4], $0x80, $0x38;
	[tilespmem:$0x1C400] =	vst v63  }
0xf9: {  	_ =	swait.ge [sflag:s7], $0x80  }
0xfa: {  	[sflag:s7] =	ssyncset.done $0x0  }
0xfb: {  	[sflag:s7] =	ssyncadd.s32 $0xFFFFFF80  }
0xfc: {  	_ =	swait.ge [sflag:s7], $0x80  }
0xfd: {  	[sflag:s7] =	ssyncset.done $0x0  }
0xfe: {  	[sflag:s7] =	ssyncadd.s32 $0xFFFFFF80  }
0xff: {  	[tilespmem:s13], [sflag:$0x5] =	stream.indirect.gather [hbm4b:s1+s8], $0x80, s31, s8, $0xb8;
	[tilespmem:$0x1C400] =	vst v63  }
0x100: {  	_ =	swait.ge [sflag:s14], $0x4000  }
0x101: {  	[sflag:s14] =	ssyncset.done $0x0  }
0x102: {  	[sflag:s14] =	ssyncadd.s32 $0xFFFFC000  }
0x103: {  	[spmem:s2] =	stream.indirect.scatter.add.f32 [tilespmem:s13], [sflag:$0x7], $0x80, s0, s8, $0xb8;
	[tilespmem:$0x1C400] =	vst v63  }
0x104: {  	_ =	swait.ge [sflag:s15], $0x4000  }
0x105: {  	s25 =	rddreg [dreg:$0x7];
	[sflag:s15] =	ssyncset.done $0x0  }
0x106: {  	s26 =	rddreg [dreg:$0x6];
	[sflag:s15] =	ssyncadd.s32 $0xFFFFC000;
	s23 =	sadd.s32 $0x0, s25  }
0x107: {  	[tilespmem:s10], [sflag:$0x3] =	stream.linear.gather [hbm4b:s23+s4], $0x80, $0x38;
	[tilespmem:$0x1C400] =	vst v63  }
0x108: {  	s28 =	sadd.s32 $0x0, s26  }
0x109: {  	[tilespmem:s11], [sflag:$0x3] =	stream.linear.gather [hbm4b:s28+s4], $0x80, $0x38;
	[tilespmem:$0x1C400] =	vst v63  }
0x10a: {  	_ =	swait.ge [sflag:s12], $0x80  }
0x10b: {  	[sflag:s12] =	ssyncset.done $0x0  }
0x10c: {  	[sflag:s12] =	ssyncadd.s32 $0xFFFFFF80  }
0x10d: {  	_ =	swait.ge [sflag:s12], $0x80  }
0x10e: {  	[sflag:s12] =	ssyncset.done $0x0  }
0x10f: {  	[sflag:s12] =	ssyncadd.s32 $0xFFFFFF80  }
0x110: {  	[tilespmem:s29], [sflag:$0x4] =	stream.indirect.gather [hbm4b:s1+s8], $0x80, s3, s8, $0xb8;
	[tilespmem:$0x1C400] =	vst v63  }
0x111: {  	_ =	swait.ge [sflag:s9], $0x4000  }
0x112: {  	[sflag:s9] =	ssyncset.done $0x0  }
0x113: {  	p0 =	por $0x0, $0x0;
	[sflag:s9] =	ssyncadd.s32 $0xFFFFC000  }
0x114: {  	[spmem:s2] =	stream.indirect.scatter.add.f32 [tilespmem:s29], [sflag:$0x6], $0x80, s6, s8, $0xb8;
	[tilespmem:$0x1C400] =	vst v63  }
0x115: {  	s25 =	simm.s32 @!p0 $0x0;
	_ =	swait.ge [sflag:s17], $0x4000  }
0x116: {  	s26 =	simm.s32 @!p0 $0x14000;
	s23 =	rddreg [dreg:$0x5];
	[sflag:s17] =	ssyncset.done $0x0  }
0x117: {  	s24 =	rddreg [dreg:$0x4];
	[sflag:s17] =	ssyncadd.s32 $0xFFFFC000;
	s23 =	sadd.s32 @!p0 $0x0, s23  }
0x118: {  	[tilespmem:s26], [sflag:$0x1] =	stream.linear.gather @!p0 [hbm4b:s23+s25], $0x80, $0x38;
	[tilespmem:$0x1C400] =	vst v63  }
0x119: {  	s24 =	sadd.s32 @!p0 $0x0, s24;
	s23 =	simm.s32 @!p0 $0x14180  }
0x11a: {  	[tilespmem:s23], [sflag:$0x1] =	stream.linear.gather @!p0 [hbm4b:s24+s25], $0x80, $0x38;
	[tilespmem:$0x1C400] =	vst v63  }
0x11b: {  	_ =	swait.ge [sflag:s16], $0x80  }
0x11c: {  	[sflag:s16] =	ssyncset.done $0x0  }
0x11d: {  	[sflag:s16] =	ssyncadd.s32 $0xFFFFFF80  }
0x11e: {  	_ =	swait.ge [sflag:s16], $0x80  }
0x11f: {  	[sflag:s16] =	ssyncset.done $0x0  }
0x120: {  	[sflag:s16] =	ssyncadd.s32 $0xFFFFFF80  }
0x121: {  	[tilespmem:s13], [sflag:$0x5] =	stream.indirect.gather [hbm4b:s1+s8], $0x80, s10, s8, $0xb8;
	[tilespmem:$0x1C400] =	vst v63  }
0x122: {  	_ =	swait.ge [sflag:s14], $0x4000  }
0x123: {  	s23 =	simm.s32 $0x60;
	[sflag:s14] =	ssyncset.done $0x0  }
.LBB2_4:
0x124: {  	[sflag:s14] =	ssyncadd.s32 $0xFFFFC000  }
0x125: {  	[spmem:s2] =	stream.indirect.scatter.add.f32 [tilespmem:s13], [sflag:$0x7], $0x80, s11, s8, $0xb8;
	[tilespmem:$0x1C400] =	vst v63  }
0x126: {  	_ =	swait.ge [sflag:s15], $0x4000  }
0x127: {  	s24 =	smov.u32 s23;
	s25 =	rddreg [dreg:$0xf];
	[sflag:s15] =	ssyncset.done $0x0  }
0x128: {  	s26 =	rddreg [dreg:$0xe];
	[sflag:s15] =	ssyncadd.s32 $0xFFFFC000;
	s25 =	sadd.s32 s24, s25  }
0x129: {  	[tilespmem:s3], [sflag:$0x2] =	stream.linear.gather [hbm4b:s25+s4], $0x80, $0x38;
	[tilespmem:$0x1C400] =	vst v63  }
0x12a: {  	s28 =	sadd.s32 s24, s26  }
0x12b: {  	[tilespmem:s6], [sflag:$0x2] =	stream.linear.gather [hbm4b:s28+s4], $0x80, $0x38;
	[tilespmem:$0x1C400] =	vst v63  }
0x12c: {  	_ =	swait.ge [sflag:s7], $0x80  }
0x12d: {  	[sflag:s7] =	ssyncset.done $0x0  }
0x12e: {  	[sflag:s7] =	ssyncadd.s32 $0xFFFFFF80  }
0x12f: {  	_ =	swait.ge [sflag:s7], $0x80  }
0x130: {  	[sflag:s7] =	ssyncset.done $0x0  }
0x131: {  	[sflag:s7] =	ssyncadd.s32 $0xFFFFFF80  }
0x132: {  	[tilespmem:s29], [sflag:$0x4] =	stream.indirect.gather [hbm4b:s1+s8], $0x80, s31, s8, $0xb8;
	[tilespmem:$0x1C400] =	vst v63  }
0x133: {  	_ =	swait.ge [sflag:s9], $0x4000  }
0x134: {  	[sflag:s9] =	ssyncset.done $0x0  }
0x135: {  	[sflag:s9] =	ssyncadd.s32 $0xFFFFC000  }
0x136: {  	[spmem:s2] =	stream.indirect.scatter.add.f32 [tilespmem:s29], [sflag:$0x6], $0x80, s0, s8, $0xb8;
	[tilespmem:$0x1C400] =	vst v63  }
0x137: {  	_ =	swait.ge [sflag:s17], $0x4000  }
0x138: {  	s18 =	rddreg [dreg:$0xd];
	[sflag:s17] =	ssyncset.done $0x0  }
0x139: {  	s19 =	rddreg [dreg:$0xc];
	[sflag:s17] =	ssyncadd.s32 $0xFFFFC000;
	s25 =	sadd.s32 s24, s18  }
0x13a: {  	[tilespmem:s10], [sflag:$0x3] =	stream.linear.gather [hbm4b:s25+s4], $0x80, $0x38;
	[tilespmem:$0x1C400] =	vst v63  }
0x13b: {  	s28 =	sadd.s32 s24, s19  }
0x13c: {  	[tilespmem:s11], [sflag:$0x3] =	stream.linear.gather [hbm4b:s28+s4], $0x80, $0x38;
	[tilespmem:$0x1C400] =	vst v63  }
0x13d: {  	_ =	swait.ge [sflag:s12], $0x80  }
0x13e: {  	[sflag:s12] =	ssyncset.done $0x0  }
0x13f: {  	[sflag:s12] =	ssyncadd.s32 $0xFFFFFF80  }
0x140: {  	_ =	swait.ge [sflag:s12], $0x80  }
0x141: {  	[sflag:s12] =	ssyncset.done $0x0  }
0x142: {  	[sflag:s12] =	ssyncadd.s32 $0xFFFFFF80  }
0x143: {  	[tilespmem:s13], [sflag:$0x5] =	stream.indirect.gather [hbm4b:s1+s8], $0x80, s3, s8, $0xb8;
	[tilespmem:$0x1C400] =	vst v63  }
0x144: {  	_ =	swait.ge [sflag:s14], $0x4000  }
0x145: {  	[sflag:s14] =	ssyncset.done $0x0  }
0x146: {  	[sflag:s14] =	ssyncadd.s32 $0xFFFFC000  }
0x147: {  	[spmem:s2] =	stream.indirect.scatter.add.f32 [tilespmem:s13], [sflag:$0x7], $0x80, s6, s8, $0xb8;
	[tilespmem:$0x1C400] =	vst v63  }
0x148: {  	_ =	swait.ge [sflag:s15], $0x4000  }
0x149: {  	s18 =	rddreg [dreg:$0xb];
	[sflag:s15] =	ssyncset.done $0x0  }
0x14a: {  	s19 =	rddreg [dreg:$0xa];
	[sflag:s15] =	ssyncadd.s32 $0xFFFFC000;
	s25 =	sadd.s32 s24, s18  }
0x14b: {  	[tilespmem:s31], [sflag:$0x1] =	stream.linear.gather [hbm4b:s25+s4], $0x80, $0x38;
	[tilespmem:$0x1C400] =	vst v63  }
0x14c: {  	s28 =	sadd.s32 s24, s19  }
0x14d: {  	[tilespmem:s0], [sflag:$0x1] =	stream.linear.gather [hbm4b:s28+s4], $0x80, $0x38;
	[tilespmem:$0x1C400] =	vst v63  }
0x14e: {  	_ =	swait.ge [sflag:s16], $0x80  }
0x14f: {  	[sflag:s16] =	ssyncset.done $0x0  }
0x150: {  	[sflag:s16] =	ssyncadd.s32 $0xFFFFFF80  }
0x151: {  	_ =	swait.ge [sflag:s16], $0x80  }
0x152: {  	[sflag:s16] =	ssyncset.done $0x0  }
0x153: {  	[sflag:s16] =	ssyncadd.s32 $0xFFFFFF80  }
0x154: {  	[tilespmem:s29], [sflag:$0x4] =	stream.indirect.gather [hbm4b:s1+s8], $0x80, s10, s8, $0xb8;
	[tilespmem:$0x1C400] =	vst v63  }
0x155: {  	_ =	swait.ge [sflag:s9], $0x4000  }
0x156: {  	[sflag:s9] =	ssyncset.done $0x0  }
0x157: {  	[sflag:s9] =	ssyncadd.s32 $0xFFFFC000  }
0x158: {  	[spmem:s2] =	stream.indirect.scatter.add.f32 [tilespmem:s29], [sflag:$0x6], $0x80, s11, s8, $0xb8;
	[tilespmem:$0x1C400] =	vst v63  }
0x159: {  	_ =	swait.ge [sflag:s17], $0x4000  }
0x15a: {  	s18 =	rddreg [dreg:$0x9];
	[sflag:s17] =	ssyncset.done $0x0  }
0x15b: {  	s19 =	rddreg [dreg:$0x8];
	[sflag:s17] =	ssyncadd.s32 $0xFFFFC000;
	s25 =	sadd.s32 s24, s18  }
0x15c: {  	[tilespmem:s3], [sflag:$0x2] =	stream.linear.gather [hbm4b:s25+s4], $0x80, $0x38;
	[tilespmem:$0x1C400] =	vst v63  }
0x15d: {  	s28 =	sadd.s32 s24, s19  }
0x15e: {  	[tilespmem:s6], [sflag:$0x2] =	stream.linear.gather [hbm4b:s28+s4], $0x80, $0x38;
	[tilespmem:$0x1C400] =	vst v63  }
0x15f: {  	_ =	swait.ge [sflag:s7], $0x80  }
0x160: {  	[sflag:s7] =	ssyncset.done $0x0  }
0x161: {  	[sflag:s7] =	ssyncadd.s32 $0xFFFFFF80  }
0x162: {  	_ =	swait.ge [sflag:s7], $0x80  }
0x163: {  	[sflag:s7] =	ssyncset.done $0x0  }
0x164: {  	[sflag:s7] =	ssyncadd.s32 $0xFFFFFF80  }
0x165: {  	[tilespmem:s13], [sflag:$0x5] =	stream.indirect.gather [hbm4b:s1+s8], $0x80, s31, s8, $0xb8;
	[tilespmem:$0x1C400] =	vst v63  }
0x166: {  	_ =	swait.ge [sflag:s14], $0x4000  }
0x167: {  	[sflag:s14] =	ssyncset.done $0x0  }
0x168: {  	[sflag:s14] =	ssyncadd.s32 $0xFFFFC000  }
0x169: {  	[spmem:s2] =	stream.indirect.scatter.add.f32 [tilespmem:s13], [sflag:$0x7], $0x80, s0, s8, $0xb8;
	[tilespmem:$0x1C400] =	vst v63  }
0x16a: {  	_ =	swait.ge [sflag:s15], $0x4000  }
0x16b: {  	s18 =	rddreg [dreg:$0x7];
	[sflag:s15] =	ssyncset.done $0x0  }
0x16c: {  	s19 =	rddreg [dreg:$0x6];
	[sflag:s15] =	ssyncadd.s32 $0xFFFFC000;
	s25 =	sadd.s32 s24, s18  }
0x16d: {  	[tilespmem:s10], [sflag:$0x3] =	stream.linear.gather [hbm4b:s25+s4], $0x80, $0x38;
	[tilespmem:$0x1C400] =	vst v63  }
0x16e: {  	s28 =	sadd.s32 s24, s19  }
0x16f: {  	[tilespmem:s11], [sflag:$0x3] =	stream.linear.gather [hbm4b:s28+s4], $0x80, $0x38;
	[tilespmem:$0x1C400] =	vst v63  }
0x170: {  	_ =	swait.ge [sflag:s12], $0x80  }
0x171: {  	[sflag:s12] =	ssyncset.done $0x0  }
0x172: {  	[sflag:s12] =	ssyncadd.s32 $0xFFFFFF80  }
0x173: {  	_ =	swait.ge [sflag:s12], $0x80  }
0x174: {  	[sflag:s12] =	ssyncset.done $0x0  }
0x175: {  	[sflag:s12] =	ssyncadd.s32 $0xFFFFFF80  }
0x176: {  	[tilespmem:s29], [sflag:$0x4] =	stream.indirect.gather [hbm4b:s1+s8], $0x80, s3, s8, $0xb8;
	[tilespmem:$0x1C400] =	vst v63  }
0x177: {  	_ =	swait.ge [sflag:s9], $0x4000  }
0x178: {  	[sflag:s9] =	ssyncset.done $0x0  }
0x179: {  	p1 =	seq.s32 s24, $0x420;
	[sflag:s9] =	ssyncadd.s32 $0xFFFFC000  }
0x17a: {  	[spmem:s2] =	stream.indirect.scatter.add.f32 [tilespmem:s29], [sflag:$0x6], $0x80, s6, s8, $0xb8;
	[tilespmem:$0x1C400] =	vst v63  }
0x17b: {  	s18 =	simm.s32 @!p1 $0x14000;
	_ =	swait.ge [sflag:s17], $0x4000  }
0x17c: {  	s28 =	simm.s32 @!p1 $0x0;
	s25 =	rddreg [dreg:$0x5];
	[sflag:s17] =	ssyncset.done $0x0  }
0x17d: {  	s26 =	rddreg [dreg:$0x4];
	[sflag:s17] =	ssyncadd.s32 $0xFFFFC000;
	s25 =	sadd.s32 @!p1 s24, s25  }
0x17e: {  	[tilespmem:s18], [sflag:$0x1] =	stream.linear.gather @!p1 [hbm4b:s25+s28], $0x80, $0x38;
	[tilespmem:$0x1C400] =	vst v63  }
0x17f: {  	s19 =	simm.s32 @!p1 $0x14180;
	s18 =	sadd.s32 @!p1 s24, s26  }
0x180: {  	[tilespmem:s19], [sflag:$0x1] =	stream.linear.gather @!p1 [hbm4b:s18+s28], $0x80, $0x38;
	[tilespmem:$0x1C400] =	vst v63  }
0x181: {  	_ =	swait.ge [sflag:s16], $0x80  }
0x182: {  	[sflag:s16] =	ssyncset.done $0x0  }
0x183: {  	s23 =	sadd.s32 $0x60, s23;
	[sflag:s16] =	ssyncadd.s32 $0xFFFFFF80  }
0x184: {  	p0 =	sne.s32 s23, $0x480;
	_ =	swait.ge [sflag:s16], $0x80  }
.Ltmp1:
0x185: {  	[sflag:s16] =	ssyncset.done $0x0;
	(pc) =	sbr.rel @p0 .LBB2_4-.Ltmp1, $4  }
0x186: {  	[sflag:s16] =	ssyncadd.s32 $0xFFFFFF80  }
0x187: {  	[tilespmem:s13], [sflag:$0x5] =	stream.indirect.gather [hbm4b:s1+s8], $0x80, s10, s8, $0xb8;
	[tilespmem:$0x1C400] =	vst v63  }
0x188: {  	_ =	swait.ge [sflag:s14], $0x4000  }
0x189: {  	[sflag:s14] =	ssyncset.done $0x0  }
0x18a: {  	[sflag:s14] =	ssyncadd.s32 $0xFFFFC000  }
0x18b: {  	[spmem:s2] =	stream.indirect.scatter.add.f32 [tilespmem:s13], [sflag:$0x7], $0x80, s11, s8, $0xb8;
	[tilespmem:$0x1C400] =	vst v63  }
0x18c: {  	_ =	swait.ge [sflag:s15], $0x4000  }
0x18d: {  	[sflag:s15] =	ssyncset.done $0x0  }
0x18e: {  	[sflag:s15] =	ssyncadd.s32 $0xFFFFC000  }
0x18f: {  	_ =	swait.ge [sflag:s17], $0x4000  }
0x190: {  	[sflag:s17] =	ssyncset.done $0x0  }
0x191: {  	s19 =	simm.s32 $0x1C300;
	s18 =	rddreg [dreg:$0x1e];
	[sflag:s17] =	ssyncadd.s32 $0xFFFFC000  }
0x192: {  	[tilespmem:s19], [sflag:$0x9] =	stream.linear.gather [hbm4b:s18+s4], $0x10, $0x38;
	[tilespmem:$0x1C400] =	vst v63  }
0x193: {  	_ =	swait.ge [sflag:s30], $0x10  }
0x194: {  	[sflag:s30] =	ssyncset.done $0x0  }
0x195: {  	s23 =	simm.s32 $0x1C380;
	s28 =	rddreg [dreg:$0x1f];
	[sflag:s30] =	ssyncadd.s32 $0xFFFFFFF0  }
0x196: {  	[tilespmem:s23], [sflag:$0x9] =	stream.linear.gather [hbm4b:s28+s4], $0x10, $0x38;
	[tilespmem:$0x1C400] =	vst v63  }
0x197: {  	_ =	swait.ge [sflag:s30], $0x10  }
0x198: {  	[sflag:s30] =	ssyncset.done $0x0  }
0x199: {  	[sflag:s30] =	ssyncadd.s32 $0xFFFFFFF0  }
0x19a: {  	[tilespmem:s29], [sflag:$0x8] =	stream.indirect.gather [hbm4b:s1+s20], $0x80, s19, s20, $0xb8;
	[tilespmem:$0x1C400] =	vst v63  }
0x19b: {  	_ =	swait.ge [sflag:s21], $0x800  }
0x19c: {  	[sflag:s21] =	ssyncset.done $0x0  }
0x19d: {  	[sflag:s21] =	ssyncadd.s32 $0xFFFFF800  }
0x19e: {  	[spmem:s2] =	stream.indirect.scatter.add.f32 [tilespmem:s29], [sflag:$0x9], $0x80, s23, s20, $0xb8;
	[tilespmem:$0x1C400] =	vst v63  }
0x19f: {  	_ =	swait.ge [sflag:s30], $0x800  }
0x1a0: {  	[sflag:s30] =	ssyncset.done $0x0  }
0x1a1: {  	[sflag:s30] =	ssyncadd.s32 $0xFFFFF800  }
0x1a2: {  	[bflag:$0x0] =	sbarrier.arrive $0xFFFF  }
0x1a3: {  	s24 =	stileid.u32;
	s26 =	sld [smem:$0x7FA]  }
0x1a4: {  	s18 =	sshll.u32 s24, $0x6  }
0x1a5: {  	s25 =	sshrl.u32 s5, $0x3;
	s18 =	sor.u32 $0x1C09, s18  }
0x1a6: {  	[hbm:s26], [sflag:s18] =	dma.local [spmem:s25], $0x2800  }
0x1a7: {  	_ =	swait.ge [sflag:s30], $0x2800  }
0x1a8: {  	s28 =	sld [smem:$0x7FB];
	_ =	sdelay $0x1  }
0x1a9: {  	s22 =	sadd.s32 $0x1, s22  }
0x1aa: {  	p0 =	sne.s32 s22, s28  }
.Ltmp2:
0x1ab: {  	_ = 	snop;
	(pc) =	sbr.rel @p0 .LBB2_1-.Ltmp2, $3  }
0x1ac: {  	_ =	sdelay $0x1  }
0x1ad: {  	[sflag:s30] =	ssyncset.done $0x0  }
0x1ae: {  	[sflag:s30] =	ssyncadd.s32 $0xFFFFD800  }
0x1af: {  	_ =	sfence.sel $0x180000  }
0x1b0: {  	[bflag:$0x0] =	sbarrier.arrive $0xFFFF  }
0x1b1: {  	_ =	strace $0x9000004A  }
0x1b2: {  	s0 =	stileid.u32;
	[bflag:$0x2] =	sbarrier.arrive $0xFFFF  }
0x1b3: {  	p0 =	sne.s32 s0, $0x0;
	s0 =	rddreg [dreg:$0x3]  }
0x1b4: {  	s0 =	sadd.s32 @!p0 $0x100000, s0  }
0x1b5: {  	[sflag:s0] =	ssyncadd.tile.s32 @!p0 $0x1;
	_ =	shalt  }
.Lfunc_end2:
_tile_overlayer_lowered:
.L_overlay_start_2:
0x1b6: {  	(tag) =	ssettag $0x2  }
0x1b7: {  	s0 =	rddreg [dreg:$0x0];
	s2 =	stileid.u32  }
0x1b8: {  	s1 =	rddreg [dreg:$0x1];
	p0 =	sne.s32 s2, $0x0  }
0x1b9: {  	s3 =	rddreg [dreg:$0x2];
	[bflag:$0x3] =	sbarrier.arrive $0xFFFF;
	s2 =	simm.s32 @!p0 $0x1C09  }
0x1ba: {  	[timem:s3], [sflag:s2] =	dma.local @!p0 [hbm:s0], s1  }
0x1bb: {  	s0 =	simm.s32 @!p0 $0x9  }
0x1bc: {  	_ =	swait.ge @!p0 [sflag:s0], s1  }
0x1bd: {  	s1 =	ssub.s32 @!p0 $0x0, s1;
	[sflag:s0] =	ssyncset.done @!p0 $0x0  }
0x1be: {  	[sflag:s0] =	ssyncadd.s32 @!p0 s1  }
0x1bf: {  	[bflag:$0x3] =	sbarrier.arrive $0xFFFF  }
0x1c0: {  	_ =	shalt  }

</sc_bundles>
